<compile_context>
chip_gen: v7x
topology: tpu7x:2x2x1
jax: 0.10.2.dev20260603
libtpu: 0.0.44.dev20260713+nightly
codegen_flags: <defaults>
</compile_context>

<pallas_src>
import functools

import jax
import jax.numpy as jnp
from jax import lax
from jax.experimental import pallas as pl
from jax.experimental.pallas import tpu as pltpu
from jax.experimental.pallas import tpu_sc as plsc

_N_E = 8192
_E_DIM = 256
_B = 16384
_BETA = 0.25
_BM = 2048
_NB = _B // _BM
_EPS = 1e-12


def _argmin_body(x_ref, emb_ref, idx_ref, cbn_ref):
    @pl.when(pl.program_id(0) == 0)
    def _():
        e = emb_ref[...]
        n = jnp.sqrt(jnp.sum(e * e, axis=1, keepdims=True))
        cbn_ref[...] = e / jnp.maximum(n, _EPS)

    x = x_ref[...]
    xn = x / jnp.maximum(jnp.sqrt(jnp.sum(x * x, axis=1, keepdims=True)), _EPS)
    _C = 128
    _CW = 1024
    _RS = 512
    lane = lax.broadcasted_iota(jnp.int32, (_RS, _C), 1)
    for r in range(_BM // _RS):
        xr = xn[r * _RS:(r + 1) * _RS, :]
        cur = None
        for c in range(_N_E // _CW):
            sim = lax.dot_general(xr, cbn_ref[c * _CW:(c + 1) * _CW, :],
                                  (((1,), (1,)), ((), ())),
                                  preferred_element_type=jnp.float32)
            for j in range(_CW // _C):
                sj = sim[:, j * _C:(j + 1) * _C]
                jj = c * (_CW // _C) + j
                if cur is None:
                    cur = sj
                    cur_j = jnp.zeros((_RS, _C), jnp.int32)
                else:
                    gt = sj > cur
                    cur = jnp.where(gt, sj, cur)
                    cur_j = jnp.where(gt, jj, cur_j)
        col = cur_j * _C + lane
        m = jnp.max(cur, axis=1, keepdims=True)
        idx = jnp.min(jnp.where(cur == m, col, _N_E), axis=1)
        idx_ref[0, 0, r * _RS:(r + 1) * _RS] = idx.astype(jnp.int32)


def _argmin_call(x, emb):
    return pl.pallas_call(
        _argmin_body,
        grid=(_NB,),
        in_specs=[
            pl.BlockSpec((_BM, _E_DIM), lambda i: (i, 0)),
            pl.BlockSpec((_N_E, _E_DIM), lambda i: (0, 0)),
        ],
        out_specs=pl.BlockSpec((1, 1, _BM), lambda i: (i, 0, 0)),
        out_shape=jax.ShapeDtypeStruct((_NB, 1, _BM), jnp.int32),
        scratch_shapes=[pltpu.VMEM((_N_E, _E_DIM), jnp.float32)],
    )(x, emb)


_NCORES = 2
_NSUB = 16
_NW = _NCORES * _NSUB
_CH = 128
_NCH = _B // (_NW * _CH)


@functools.cache
def _make_gather_sc():
    @functools.partial(
        pl.kernel,
        mesh=plsc.VectorSubcoreMesh(core_axis_name="c", subcore_axis_name="s"),
        out_type=jax.ShapeDtypeStruct((_B, _E_DIM), jnp.float32),
        scratch_types=[
            pltpu.VMEM((_NCH, _CH), jnp.int32),
            pltpu.VMEM((_CH, _E_DIM), jnp.float32),
            pltpu.VMEM((_CH, _E_DIM), jnp.float32),
            pltpu.SemaphoreType.DMA,
            pltpu.SemaphoreType.DMA,
        ],
    )
    def _gather_sc(emb_hbm, idx_hbm, out_hbm, idx_v, rows0, rows1, s0, s1):
        wid = lax.axis_index("s") * _NCORES + lax.axis_index("c")
        base = wid * _NCH * _CH
        rows = (rows0, rows1)
        sems = (s0, s1)
        pltpu.sync_copy(idx_hbm.at[wid], idx_v)
        cps = [None, None]
        cps[0] = pltpu.async_copy(emb_hbm.at[idx_v.at[0]], rows0, s0)
        cps[1] = pltpu.async_copy(emb_hbm.at[idx_v.at[1]], rows1, s1)
        for j in range(_NCH):
            cps[j % 2].wait()
            pltpu.sync_copy(rows[j % 2], out_hbm.at[pl.ds(base + j * _CH, _CH)])
            if j + 2 < _NCH:
                cps[j % 2] = pltpu.async_copy(
                    emb_hbm.at[idx_v.at[j + 2]], rows[j % 2], sems[j % 2])

    return _gather_sc


def _proj_body(x_ref, cv_ref, xq_ref, sc_ref, loss_ref, acc_ref):
    @pl.when(pl.program_id(0) == 0)
    def _():
        acc_ref[0, 0] = 0.0

    x = x_ref[...]
    cv = cv_ref[...]
    dot = jnp.sum(x * cv, axis=1, keepdims=True)
    nsq = jnp.sum(cv * cv, axis=1, keepdims=True)
    scalar = dot / (nsq + 1e-08)
    proj = scalar * cv
    xq_ref[...] = x + (proj - x)
    sc_ref[0, 0, :] = scalar[:, 0]
    acc_ref[0, 0] += jnp.sum((proj - x) ** 2)

    @pl.when(pl.program_id(0) == _NB - 1)
    def _():
        m = acc_ref[0, 0] / (_B * _E_DIM)
        loss_ref[...] = jnp.reshape(m + _BETA * m, (1, 1))


def _proj_call(x, cv):
    return pl.pallas_call(
        _proj_body,
        grid=(_NB,),
        in_specs=[
            pl.BlockSpec((_BM, _E_DIM), lambda i: (i, 0)),
            pl.BlockSpec((_BM, _E_DIM), lambda i: (i, 0)),
        ],
        out_specs=[
            pl.BlockSpec((_BM, _E_DIM), lambda i: (i, 0)),
            pl.BlockSpec((1, 1, _BM), lambda i: (i, 0, 0)),
            pl.BlockSpec((1, 1), lambda i: (0, 0)),
        ],
        out_shape=[
            jax.ShapeDtypeStruct((_B, _E_DIM), jnp.float32),
            jax.ShapeDtypeStruct((_NB, 1, _BM), jnp.float32),
            jax.ShapeDtypeStruct((1, 1), jnp.float32),
        ],
        scratch_shapes=[pltpu.SMEM((1, 1), jnp.float32)],
    )(x, cv)


def kernel(x, emb):
    idx3 = _argmin_call(x, emb)
    indices = idx3.reshape(_B)
    cv = _make_gather_sc()(emb, indices.reshape(_NW, _NCH, _CH))
    xq, sc3, loss11 = _proj_call(x, cv)
    return (xq, loss11[0, 0], indices, sc3.reshape(_B))

# --- scband reference (transcript-rebuilt; emitter-appended) ---
"""Pipeline reference for scband-cosine-vector-quantizer-30039001268974 (READ-ONLY COPY).

The authoritative reference and input builder live on the scoring server;
editing this copy changes nothing except your own understanding.
"""

import jax, jax.numpy as jnp
import numpy as np

N_E = 8192
E_DIM = 256
B = 16384
BETA = 0.25


def setup_inputs(seed: int = 0) -> dict:
    key = jax.random.key(seed)
    k1, k2 = jax.random.split(key)
    x = jax.random.normal(k1, (B, E_DIM), dtype=jnp.float32)
    # nn.Embedding weight init: uniform(-1/n_e, 1/n_e) per kmeans_init=False branch
    emb = jax.random.uniform(k2, (N_E, E_DIM), dtype=jnp.float32,
                             minval=-1.0 / N_E, maxval=1.0 / N_E)
    return {"x": x, "emb": emb}


def _normalize(v, axis, eps=1e-12):
    # Faithful to F.normalize(dim=axis): v / max(||v||, eps)
    n = jnp.linalg.norm(v, axis=axis, keepdims=True)
    return v / jnp.maximum(n, eps)


def reference(x, emb):
    codebook = emb  # use_linear == 0, no projection
    latent_norm = _normalize(x, 1)
    codebook_norm = _normalize(codebook, 1)
    sim = jnp.matmul(latent_norm, codebook_norm.T)
    distances = 1.0 - sim
    # use_sk False -> plain argmin assignment
    indices = jnp.argmin(distances, axis=-1)
    codebook_vec = jnp.take(codebook, indices, axis=0)
    dot_product = jnp.sum(x * codebook_vec, axis=-1, keepdims=True)
    norm_sq = jnp.sum(codebook_vec * codebook_vec, axis=-1, keepdims=True)
    scalar = dot_product / (norm_sq + 1e-08)
    proj_vec = scalar * codebook_vec
    commitment_loss = jnp.mean((jax.lax.stop_gradient(proj_vec) - x) ** 2)
    codebook_loss = jnp.mean((proj_vec - jax.lax.stop_gradient(x)) ** 2)
    loss = codebook_loss + BETA * commitment_loss
    x_q = x + jax.lax.stop_gradient(proj_vec - x)
    return (x_q, loss, indices.reshape(B), scalar.reshape(B))

if __name__ == "__main__":
    import jax
    _d = setup_inputs()
    print(jax.jit(kernel)(*tuple(_d.values())))

</pallas_src>

<mosaic_0001>
#map = affine_map<(d0, d1) -> (0, 0)>
#map1 = affine_map<(d0, d1) -> (0, 0, 0)>
module attributes {stable_mosaic.version = 14 : i64} {
  func.func @_gather_sc(%arg0: i32, %arg1: i32, %arg2: memref<8192x256xf32, #tpu.memory_space<hbm>>, %arg3: memref<32x4x128xi32, #tpu.memory_space<hbm>>, %arg4: memref<16384x256xf32, #tpu.memory_space<hbm>>, %arg5: memref<4x128xi32, #tpu.memory_space<vmem>>, %arg6: memref<128x256xf32, #tpu.memory_space<vmem>>, %arg7: memref<128x256xf32, #tpu.memory_space<vmem>>, %arg8: memref<!tpu.dma_semaphore, #tpu.memory_space<semaphore_mem>>, %arg9: memref<!tpu.dma_semaphore, #tpu.memory_space<semaphore_mem>>) attributes {dimension_semantics = [#tpu.dimension_semantics<core_parallel>, #tpu.dimension_semantics<subcore_parallel>], iteration_bounds = array<i64: 2, 16>, scalar_prefetch = 0 : i64, scratch_operands = 5 : i64, tpu.core_type = #tpu.core_type<sc_vector_subcore>, window_params = [{transform_indices = #map}, {transform_indices = #map1}, {transform_indices = #map}]} {
    %mul3A = arith.constant 2 : i32
    %mul3A_0 = arith.muli %arg1, %mul3A : i32
    %add3A = arith.addi %mul3A_0, %arg0 : i32
    %mul3A_1 = arith.constant 4 : i32
    %mul3A_2 = arith.muli %add3A, %mul3A_1 : i32
    %mul3A_3 = arith.constant 128 : i32
    %mul3A_4 = arith.muli %mul3A_2, %mul3A_3 : i32
    "tpu.region"() ({
      %run_scoped3A = tpu.sem_alloc : memref<!tpu.dma_semaphore, #tpu.memory_space<semaphore_mem>>
      %dma_start3A_67 = arith.constant 0 : i32
      %dma_start3A_68 = arith.constant 0 : i32
      %dma_start3A_69 = tpu.memref_slice %arg3[%add3A, %dma_start3A_67, %dma_start3A_68] : memref<32x4x128xi32, #tpu.memory_space<hbm>> -> memref<1x4x128xi32, #tpu.memory_space<hbm>>
      %dma_start3A_70 = tpu.memref_squeeze %dma_start3A_69 : memref<1x4x128xi32, #tpu.memory_space<hbm>> -> memref<4x128xi32, #tpu.memory_space<hbm>>
      %dma_start3A_71 = arith.constant 0 : i32
      %dma_start3A_72 = arith.constant 0 : i32
      %dma_start3A_73 = tpu.memref_slice %arg3[%add3A, %dma_start3A_71, %dma_start3A_72] : memref<32x4x128xi32, #tpu.memory_space<hbm>> -> memref<1x4x128xi32, #tpu.memory_space<hbm>>
      %dma_start3A_74 = tpu.memref_squeeze %dma_start3A_73 : memref<1x4x128xi32, #tpu.memory_space<hbm>> -> memref<4x128xi32, #tpu.memory_space<hbm>>
      tpu.enqueue_dma source(%dma_start3A_74 : memref<4x128xi32, #tpu.memory_space<hbm>>) target(%arg5 : memref<4x128xi32, #tpu.memory_space<vmem>>) target_semaphore(%run_scoped3A : memref<!tpu.dma_semaphore, #tpu.memory_space<semaphore_mem>>)
      %dma_wait3A_75 = arith.constant 0 : i32
      %dma_wait3A_76 = arith.constant 0 : i32
      %dma_wait3A_77 = tpu.memref_slice %arg3[%add3A, %dma_wait3A_75, %dma_wait3A_76] : memref<32x4x128xi32, #tpu.memory_space<hbm>> -> memref<1x4x128xi32, #tpu.memory_space<hbm>>
      %dma_wait3A_78 = tpu.memref_squeeze %dma_wait3A_77 : memref<1x4x128xi32, #tpu.memory_space<hbm>> -> memref<4x128xi32, #tpu.memory_space<hbm>>
      %dma_wait3A_79 = arith.constant 0 : i32
      %dma_wait3A_80 = arith.constant 0 : i32
      %dma_wait3A_81 = tpu.memref_slice %arg3[%add3A, %dma_wait3A_79, %dma_wait3A_80] : memref<32x4x128xi32, #tpu.memory_space<hbm>> -> memref<1x4x128xi32, #tpu.memory_space<hbm>>
      %dma_wait3A_82 = tpu.memref_squeeze %dma_wait3A_81 : memref<1x4x128xi32, #tpu.memory_space<hbm>> -> memref<4x128xi32, #tpu.memory_space<hbm>>
      tpu.wait_dma2 semaphore(%run_scoped3A : memref<!tpu.dma_semaphore, #tpu.memory_space<semaphore_mem>>) src(%dma_wait3A_82 : memref<4x128xi32, #tpu.memory_space<hbm>>) dst(%arg5 : memref<4x128xi32, #tpu.memory_space<vmem>>)
      tpu.yield
    }) : () -> ()
    %dma_start3A = arith.constant 0 : i32
    %dma_start3A_5 = arith.constant 0 : i32
    %dma_start3A_6 = tpu.memref_slice %arg5[%dma_start3A, %dma_start3A_5] : memref<4x128xi32, #tpu.memory_space<vmem>> -> memref<1x128xi32, #tpu.memory_space<vmem>>
    %dma_start3A_7 = tpu.memref_squeeze %dma_start3A_6 : memref<1x128xi32, #tpu.memory_space<vmem>> -> memref<128xi32, #tpu.memory_space<vmem>>
    %dma_start3A_8 = arith.constant 0 : i32
    %dma_start3A_9 = arith.constant 0 : i32
    %dma_start3A_10 = tpu.memref_slice %arg2[%dma_start3A_8, %dma_start3A_9] : memref<8192x256xf32, #tpu.memory_space<hbm>> -> memref<8192x256xf32, #tpu.memory_space<hbm>>
    tpu.enqueue_indirect_dma source(%dma_start3A_10 : memref<8192x256xf32, #tpu.memory_space<hbm>>) target(%arg6 : memref<128x256xf32, #tpu.memory_space<vmem>>) offsets(%dma_start3A_7 : memref<128xi32, #tpu.memory_space<vmem>>) semaphore(%arg8 : memref<!tpu.dma_semaphore, #tpu.memory_space<semaphore_mem>>)
    %dma_start3A_11 = arith.constant 1 : i32
    %dma_start3A_12 = arith.constant 0 : i32
    %dma_start3A_13 = tpu.memref_slice %arg5[%dma_start3A_11, %dma_start3A_12] : memref<4x128xi32, #tpu.memory_space<vmem>> -> memref<1x128xi32, #tpu.memory_space<vmem>>
    %dma_start3A_14 = tpu.memref_squeeze %dma_start3A_13 : memref<1x128xi32, #tpu.memory_space<vmem>> -> memref<128xi32, #tpu.memory_space<vmem>>
    %dma_start3A_15 = arith.constant 0 : i32
    %dma_start3A_16 = arith.constant 0 : i32
    %dma_start3A_17 = tpu.memref_slice %arg2[%dma_start3A_15, %dma_start3A_16] : memref<8192x256xf32, #tpu.memory_space<hbm>> -> memref<8192x256xf32, #tpu.memory_space<hbm>>
    tpu.enqueue_indirect_dma source(%dma_start3A_17 : memref<8192x256xf32, #tpu.memory_space<hbm>>) target(%arg7 : memref<128x256xf32, #tpu.memory_space<vmem>>) offsets(%dma_start3A_14 : memref<128xi32, #tpu.memory_space<vmem>>) semaphore(%arg9 : memref<!tpu.dma_semaphore, #tpu.memory_space<semaphore_mem>>)
    %dma_wait3A = arith.constant 0 : i32
    %dma_wait3A_18 = arith.constant 0 : i32
    %dma_wait3A_19 = tpu.memref_slice %arg5[%dma_wait3A, %dma_wait3A_18] : memref<4x128xi32, #tpu.memory_space<vmem>> -> memref<1x128xi32, #tpu.memory_space<vmem>>
    %dma_wait3A_20 = tpu.memref_squeeze %dma_wait3A_19 : memref<1x128xi32, #tpu.memory_space<vmem>> -> memref<128xi32, #tpu.memory_space<vmem>>
    %dma_wait3A_21 = arith.constant 0 : i32
    %dma_wait3A_22 = arith.constant 0 : i32
    %dma_wait3A_23 = tpu.memref_slice %arg2[%dma_wait3A_21, %dma_wait3A_22] : memref<8192x256xf32, #tpu.memory_space<hbm>> -> memref<8192x256xf32, #tpu.memory_space<hbm>>
    tpu.wait_indirect_dma semaphore(%arg8 : memref<!tpu.dma_semaphore, #tpu.memory_space<semaphore_mem>>) src(%dma_wait3A_23 : memref<8192x256xf32, #tpu.memory_space<hbm>>) dst(%arg6 : memref<128x256xf32, #tpu.memory_space<vmem>>)
    %add3A_24 = arith.constant 0 : i32
    %add3A_25 = arith.addi %mul3A_4, %add3A_24 : i32
    "tpu.region"() ({
      %run_scoped3A = tpu.sem_alloc : memref<!tpu.dma_semaphore, #tpu.memory_space<semaphore_mem>>
      %dma_start3A_67 = arith.constant 0 : i32
      %dma_start3A_68 = tpu.memref_slice %arg4[%add3A_25, %dma_start3A_67] : memref<16384x256xf32, #tpu.memory_space<hbm>> -> memref<128x256xf32, #tpu.memory_space<hbm>>
      %dma_start3A_69 = arith.constant 0 : i32
      %dma_start3A_70 = tpu.memref_slice %arg4[%add3A_25, %dma_start3A_69] : memref<16384x256xf32, #tpu.memory_space<hbm>> -> memref<128x256xf32, #tpu.memory_space<hbm>>
      tpu.enqueue_dma source(%arg6 : memref<128x256xf32, #tpu.memory_space<vmem>>) target(%dma_start3A_70 : memref<128x256xf32, #tpu.memory_space<hbm>>) target_semaphore(%run_scoped3A : memref<!tpu.dma_semaphore, #tpu.memory_space<semaphore_mem>>)
      %dma_wait3A_71 = arith.constant 0 : i32
      %dma_wait3A_72 = tpu.memref_slice %arg4[%add3A_25, %dma_wait3A_71] : memref<16384x256xf32, #tpu.memory_space<hbm>> -> memref<128x256xf32, #tpu.memory_space<hbm>>
      %dma_wait3A_73 = arith.constant 0 : i32
      %dma_wait3A_74 = tpu.memref_slice %arg4[%add3A_25, %dma_wait3A_73] : memref<16384x256xf32, #tpu.memory_space<hbm>> -> memref<128x256xf32, #tpu.memory_space<hbm>>
      tpu.wait_dma2 semaphore(%run_scoped3A : memref<!tpu.dma_semaphore, #tpu.memory_space<semaphore_mem>>) src(%arg6 : memref<128x256xf32, #tpu.memory_space<vmem>>) dst(%dma_wait3A_74 : memref<128x256xf32, #tpu.memory_space<hbm>>)
      tpu.yield
    }) : () -> ()
    %dma_start3A_26 = arith.constant 2 : i32
    %dma_start3A_27 = arith.constant 0 : i32
    %dma_start3A_28 = tpu.memref_slice %arg5[%dma_start3A_26, %dma_start3A_27] : memref<4x128xi32, #tpu.memory_space<vmem>> -> memref<1x128xi32, #tpu.memory_space<vmem>>
    %dma_start3A_29 = tpu.memref_squeeze %dma_start3A_28 : memref<1x128xi32, #tpu.memory_space<vmem>> -> memref<128xi32, #tpu.memory_space<vmem>>
    %dma_start3A_30 = arith.constant 0 : i32
    %dma_start3A_31 = arith.constant 0 : i32
    %dma_start3A_32 = tpu.memref_slice %arg2[%dma_start3A_30, %dma_start3A_31] : memref<8192x256xf32, #tpu.memory_space<hbm>> -> memref<8192x256xf32, #tpu.memory_space<hbm>>
    tpu.enqueue_indirect_dma source(%dma_start3A_32 : memref<8192x256xf32, #tpu.memory_space<hbm>>) target(%arg6 : memref<128x256xf32, #tpu.memory_space<vmem>>) offsets(%dma_start3A_29 : memref<128xi32, #tpu.memory_space<vmem>>) semaphore(%arg8 : memref<!tpu.dma_semaphore, #tpu.memory_space<semaphore_mem>>)
    %dma_wait3A_33 = arith.constant 1 : i32
    %dma_wait3A_34 = arith.constant 0 : i32
    %dma_wait3A_35 = tpu.memref_slice %arg5[%dma_wait3A_33, %dma_wait3A_34] : memref<4x128xi32, #tpu.memory_space<vmem>> -> memref<1x128xi32, #tpu.memory_space<vmem>>
    %dma_wait3A_36 = tpu.memref_squeeze %dma_wait3A_35 : memref<1x128xi32, #tpu.memory_space<vmem>> -> memref<128xi32, #tpu.memory_space<vmem>>
    %dma_wait3A_37 = arith.constant 0 : i32
    %dma_wait3A_38 = arith.constant 0 : i32
    %dma_wait3A_39 = tpu.memref_slice %arg2[%dma_wait3A_37, %dma_wait3A_38] : memref<8192x256xf32, #tpu.memory_space<hbm>> -> memref<8192x256xf32, #tpu.memory_space<hbm>>
    tpu.wait_indirect_dma semaphore(%arg9 : memref<!tpu.dma_semaphore, #tpu.memory_space<semaphore_mem>>) src(%dma_wait3A_39 : memref<8192x256xf32, #tpu.memory_space<hbm>>) dst(%arg7 : memref<128x256xf32, #tpu.memory_space<vmem>>)
    %add3A_40 = arith.constant 128 : i32
    %add3A_41 = arith.addi %mul3A_4, %add3A_40 : i32
    "tpu.region"() ({
      %run_scoped3A = tpu.sem_alloc : memref<!tpu.dma_semaphore, #tpu.memory_space<semaphore_mem>>
      %dma_start3A_67 = arith.constant 0 : i32
      %dma_start3A_68 = tpu.memref_slice %arg4[%add3A_41, %dma_start3A_67] : memref<16384x256xf32, #tpu.memory_space<hbm>> -> memref<128x256xf32, #tpu.memory_space<hbm>>
      %dma_start3A_69 = arith.constant 0 : i32
      %dma_start3A_70 = tpu.memref_slice %arg4[%add3A_41, %dma_start3A_69] : memref<16384x256xf32, #tpu.memory_space<hbm>> -> memref<128x256xf32, #tpu.memory_space<hbm>>
      tpu.enqueue_dma source(%arg7 : memref<128x256xf32, #tpu.memory_space<vmem>>) target(%dma_start3A_70 : memref<128x256xf32, #tpu.memory_space<hbm>>) target_semaphore(%run_scoped3A : memref<!tpu.dma_semaphore, #tpu.memory_space<semaphore_mem>>)
      %dma_wait3A_71 = arith.constant 0 : i32
      %dma_wait3A_72 = tpu.memref_slice %arg4[%add3A_41, %dma_wait3A_71] : memref<16384x256xf32, #tpu.memory_space<hbm>> -> memref<128x256xf32, #tpu.memory_space<hbm>>
      %dma_wait3A_73 = arith.constant 0 : i32
      %dma_wait3A_74 = tpu.memref_slice %arg4[%add3A_41, %dma_wait3A_73] : memref<16384x256xf32, #tpu.memory_space<hbm>> -> memref<128x256xf32, #tpu.memory_space<hbm>>
      tpu.wait_dma2 semaphore(%run_scoped3A : memref<!tpu.dma_semaphore, #tpu.memory_space<semaphore_mem>>) src(%arg7 : memref<128x256xf32, #tpu.memory_space<vmem>>) dst(%dma_wait3A_74 : memref<128x256xf32, #tpu.memory_space<hbm>>)
      tpu.yield
    }) : () -> ()
    %dma_start3A_42 = arith.constant 3 : i32
    %dma_start3A_43 = arith.constant 0 : i32
    %dma_start3A_44 = tpu.memref_slice %arg5[%dma_start3A_42, %dma_start3A_43] : memref<4x128xi32, #tpu.memory_space<vmem>> -> memref<1x128xi32, #tpu.memory_space<vmem>>
    %dma_start3A_45 = tpu.memref_squeeze %dma_start3A_44 : memref<1x128xi32, #tpu.memory_space<vmem>> -> memref<128xi32, #tpu.memory_space<vmem>>
    %dma_start3A_46 = arith.constant 0 : i32
    %dma_start3A_47 = arith.constant 0 : i32
    %dma_start3A_48 = tpu.memref_slice %arg2[%dma_start3A_46, %dma_start3A_47] : memref<8192x256xf32, #tpu.memory_space<hbm>> -> memref<8192x256xf32, #tpu.memory_space<hbm>>
    tpu.enqueue_indirect_dma source(%dma_start3A_48 : memref<8192x256xf32, #tpu.memory_space<hbm>>) target(%arg7 : memref<128x256xf32, #tpu.memory_space<vmem>>) offsets(%dma_start3A_45 : memref<128xi32, #tpu.memory_space<vmem>>) semaphore(%arg9 : memref<!tpu.dma_semaphore, #tpu.memory_space<semaphore_mem>>)
    %dma_wait3A_49 = arith.constant 2 : i32
    %dma_wait3A_50 = arith.constant 0 : i32
    %dma_wait3A_51 = tpu.memref_slice %arg5[%dma_wait3A_49, %dma_wait3A_50] : memref<4x128xi32, #tpu.memory_space<vmem>> -> memref<1x128xi32, #tpu.memory_space<vmem>>
    %dma_wait3A_52 = tpu.memref_squeeze %dma_wait3A_51 : memref<1x128xi32, #tpu.memory_space<vmem>> -> memref<128xi32, #tpu.memory_space<vmem>>
    %dma_wait3A_53 = arith.constant 0 : i32
    %dma_wait3A_54 = arith.constant 0 : i32
    %dma_wait3A_55 = tpu.memref_slice %arg2[%dma_wait3A_53, %dma_wait3A_54] : memref<8192x256xf32, #tpu.memory_space<hbm>> -> memref<8192x256xf32, #tpu.memory_space<hbm>>
    tpu.wait_indirect_dma semaphore(%arg8 : memref<!tpu.dma_semaphore, #tpu.memory_space<semaphore_mem>>) src(%dma_wait3A_55 : memref<8192x256xf32, #tpu.memory_space<hbm>>) dst(%arg6 : memref<128x256xf32, #tpu.memory_space<vmem>>)
    %add3A_56 = arith.constant 256 : i32
    %add3A_57 = arith.addi %mul3A_4, %add3A_56 : i32
    "tpu.region"() ({
      %run_scoped3A = tpu.sem_alloc : memref<!tpu.dma_semaphore, #tpu.memory_space<semaphore_mem>>
      %dma_start3A_67 = arith.constant 0 : i32
      %dma_start3A_68 = tpu.memref_slice %arg4[%add3A_57, %dma_start3A_67] : memref<16384x256xf32, #tpu.memory_space<hbm>> -> memref<128x256xf32, #tpu.memory_space<hbm>>
      %dma_start3A_69 = arith.constant 0 : i32
      %dma_start3A_70 = tpu.memref_slice %arg4[%add3A_57, %dma_start3A_69] : memref<16384x256xf32, #tpu.memory_space<hbm>> -> memref<128x256xf32, #tpu.memory_space<hbm>>
      tpu.enqueue_dma source(%arg6 : memref<128x256xf32, #tpu.memory_space<vmem>>) target(%dma_start3A_70 : memref<128x256xf32, #tpu.memory_space<hbm>>) target_semaphore(%run_scoped3A : memref<!tpu.dma_semaphore, #tpu.memory_space<semaphore_mem>>)
      %dma_wait3A_71 = arith.constant 0 : i32
      %dma_wait3A_72 = tpu.memref_slice %arg4[%add3A_57, %dma_wait3A_71] : memref<16384x256xf32, #tpu.memory_space<hbm>> -> memref<128x256xf32, #tpu.memory_space<hbm>>
      %dma_wait3A_73 = arith.constant 0 : i32
      %dma_wait3A_74 = tpu.memref_slice %arg4[%add3A_57, %dma_wait3A_73] : memref<16384x256xf32, #tpu.memory_space<hbm>> -> memref<128x256xf32, #tpu.memory_space<hbm>>
      tpu.wait_dma2 semaphore(%run_scoped3A : memref<!tpu.dma_semaphore, #tpu.memory_space<semaphore_mem>>) src(%arg6 : memref<128x256xf32, #tpu.memory_space<vmem>>) dst(%dma_wait3A_74 : memref<128x256xf32, #tpu.memory_space<hbm>>)
      tpu.yield
    }) : () -> ()
    %dma_wait3A_58 = arith.constant 3 : i32
    %dma_wait3A_59 = arith.constant 0 : i32
    %dma_wait3A_60 = tpu.memref_slice %arg5[%dma_wait3A_58, %dma_wait3A_59] : memref<4x128xi32, #tpu.memory_space<vmem>> -> memref<1x128xi32, #tpu.memory_space<vmem>>
    %dma_wait3A_61 = tpu.memref_squeeze %dma_wait3A_60 : memref<1x128xi32, #tpu.memory_space<vmem>> -> memref<128xi32, #tpu.memory_space<vmem>>
    %dma_wait3A_62 = arith.constant 0 : i32
    %dma_wait3A_63 = arith.constant 0 : i32
    %dma_wait3A_64 = tpu.memref_slice %arg2[%dma_wait3A_62, %dma_wait3A_63] : memref<8192x256xf32, #tpu.memory_space<hbm>> -> memref<8192x256xf32, #tpu.memory_space<hbm>>
    tpu.wait_indirect_dma semaphore(%arg9 : memref<!tpu.dma_semaphore, #tpu.memory_space<semaphore_mem>>) src(%dma_wait3A_64 : memref<8192x256xf32, #tpu.memory_space<hbm>>) dst(%arg7 : memref<128x256xf32, #tpu.memory_space<vmem>>)
    %add3A_65 = arith.constant 384 : i32
    %add3A_66 = arith.addi %mul3A_4, %add3A_65 : i32
    "tpu.region"() ({
      %run_scoped3A = tpu.sem_alloc : memref<!tpu.dma_semaphore, #tpu.memory_space<semaphore_mem>>
      %dma_start3A_67 = arith.constant 0 : i32
      %dma_start3A_68 = tpu.memref_slice %arg4[%add3A_66, %dma_start3A_67] : memref<16384x256xf32, #tpu.memory_space<hbm>> -> memref<128x256xf32, #tpu.memory_space<hbm>>
      %dma_start3A_69 = arith.constant 0 : i32
      %dma_start3A_70 = tpu.memref_slice %arg4[%add3A_66, %dma_start3A_69] : memref<16384x256xf32, #tpu.memory_space<hbm>> -> memref<128x256xf32, #tpu.memory_space<hbm>>
      tpu.enqueue_dma source(%arg7 : memref<128x256xf32, #tpu.memory_space<vmem>>) target(%dma_start3A_70 : memref<128x256xf32, #tpu.memory_space<hbm>>) target_semaphore(%run_scoped3A : memref<!tpu.dma_semaphore, #tpu.memory_space<semaphore_mem>>)
      %dma_wait3A_71 = arith.constant 0 : i32
      %dma_wait3A_72 = tpu.memref_slice %arg4[%add3A_66, %dma_wait3A_71] : memref<16384x256xf32, #tpu.memory_space<hbm>> -> memref<128x256xf32, #tpu.memory_space<hbm>>
      %dma_wait3A_73 = arith.constant 0 : i32
      %dma_wait3A_74 = tpu.memref_slice %arg4[%add3A_66, %dma_wait3A_73] : memref<16384x256xf32, #tpu.memory_space<hbm>> -> memref<128x256xf32, #tpu.memory_space<hbm>>
      tpu.wait_dma2 semaphore(%run_scoped3A : memref<!tpu.dma_semaphore, #tpu.memory_space<semaphore_mem>>) src(%arg7 : memref<128x256xf32, #tpu.memory_space<vmem>>) dst(%dma_wait3A_74 : memref<128x256xf32, #tpu.memory_space<hbm>>)
      tpu.yield
    }) : () -> ()
    return
  }
}

module attributes {stable_mosaic.version = 14 : i64} {
  func.func @_proj_body(%arg0: i32, %arg1: memref<2048x256xf32, #tpu.memory_space<vmem>>, %arg2: memref<2048x256xf32, #tpu.memory_space<vmem>>, %arg3: memref<2048x256xf32, #tpu.memory_space<vmem>>, %arg4: memref<1x1x2048xf32, #tpu.memory_space<vmem>>, %arg5: memref<1x1xf32, #tpu.memory_space<vmem>>, %arg6: memref<1x1xf32, #tpu.memory_space<smem>>) attributes {dimension_semantics = [#tpu.dimension_semantics<arbitrary>], iteration_bounds = array<i64: 8>, scalar_prefetch = 0 : i64, scratch_operands = 1 : i64, tpu.core_type = #tpu.core_type<tc>, window_params = [{transform_indices = @transform_0, window_bounds = array<i64: 2048, 256>}, {transform_indices = @transform_1, window_bounds = array<i64: 2048, 256>}, {transform_indices = @transform_2, window_bounds = array<i64: 2048, 256>}, {transform_indices = @transform_3, window_bounds = array<i64: 1, 1, 2048>}, {pipeline_mode = #tpu.pipeline_mode<synchronous>, transform_indices = @transform_4, window_bounds = array<i64: 1, 1>}]} {
    %eq3A = arith.constant 0 : i32
    %eq3A_0 = arith.cmpi eq, %arg0, %eq3A : i32
    %convert_element_type3A = arith.extui %eq3A_0 : i1 to i32
    %cond3A = arith.constant 0 : i32
    %cond3A_1 = arith.cmpi ne, %convert_element_type3A, %cond3A : i32
    scf.if %cond3A_1 {
      %swap3A_43 = arith.constant 0.000000e+00 : f32
      %swap3A_44 = arith.constant 0 : index
      %swap3A_45 = arith.constant 0 : index
      %swap3A_46 = memref.load %arg6[%swap3A_44, %swap3A_45] : memref<1x1xf32, #tpu.memory_space<smem>>
      memref.store %swap3A_43, %arg6[%swap3A_44, %swap3A_45] : memref<1x1xf32, #tpu.memory_space<smem>>
    } else {
    }
    %get3A = arith.constant 0 : index
    %get3A_2 = arith.constant 0 : index
    %get3A_3 = vector.load %arg1[%get3A, %get3A_2] : memref<2048x256xf32, #tpu.memory_space<vmem>>, vector<2048x256xf32>
    %get3A_4 = arith.constant 0 : index
    %get3A_5 = arith.constant 0 : index
    %get3A_6 = vector.load %arg2[%get3A_4, %get3A_5] : memref<2048x256xf32, #tpu.memory_space<vmem>>, vector<2048x256xf32>
    %mul3A = arith.mulf %get3A_3, %get3A_6 : vector<2048x256xf32>
    %reduce_sum3A = arith.constant dense<0.000000e+00> : vector<2048xf32>
    %reduce_sum3A_7 = vector.multi_reduction <add>, %mul3A, %reduce_sum3A [1] : vector<2048x256xf32> to vector<2048xf32>
    %broadcast_in_dim3A = vector.shape_cast %reduce_sum3A_7 : vector<2048xf32> to vector<2048x1xf32>
    %mul3A_8 = arith.mulf %get3A_6, %get3A_6 : vector<2048x256xf32>
    %reduce_sum3A_9 = arith.constant dense<0.000000e+00> : vector<2048xf32>
    %reduce_sum3A_10 = vector.multi_reduction <add>, %mul3A_8, %reduce_sum3A_9 [1] : vector<2048x256xf32> to vector<2048xf32>
    %broadcast_in_dim3A_11 = vector.shape_cast %reduce_sum3A_10 : vector<2048xf32> to vector<2048x1xf32>
    %add3A = arith.constant 9.99999993E-9 : f32
    %add3A_12 = vector.broadcast %add3A : f32 to vector<2048x1xf32>
    %add3A_13 = arith.addf %broadcast_in_dim3A_11, %add3A_12 : vector<2048x1xf32>
    %div3A = arith.divf %broadcast_in_dim3A, %add3A_13 : vector<2048x1xf32>
    %mul3A_14 = vector.broadcast %div3A : vector<2048x1xf32> to vector<2048x256xf32>
    %mul3A_15 = arith.mulf %mul3A_14, %get3A_6 : vector<2048x256xf32>
    %sub3A = arith.subf %mul3A_15, %get3A_3 : vector<2048x256xf32>
    %add3A_16 = arith.addf %get3A_3, %sub3A : vector<2048x256xf32>
    %swap3A = arith.constant 0 : index
    %swap3A_17 = arith.constant 0 : index
    %swap3A_18 = vector.load %arg3[%swap3A, %swap3A_17] : memref<2048x256xf32, #tpu.memory_space<vmem>>, vector<2048x256xf32>
    tpu.vector_store %arg3[%swap3A, %swap3A_17], %add3A_16 {strides = array<i32>} : memref<2048x256xf32, #tpu.memory_space<vmem>>, vector<2048x256xf32>,
    %squeeze3A = vector.shape_cast %div3A : vector<2048x1xf32> to vector<2048xf32>
    %swap3A_19 = arith.constant 0 : index
    %swap3A_20 = arith.constant 0 : index
    %swap3A_21 = arith.constant 0 : index
    %swap3A_22 = vector.load %arg4[%swap3A_19, %swap3A_20, %swap3A_21] : memref<1x1x2048xf32, #tpu.memory_space<vmem>>, vector<1x1x2048xf32>
    %swap3A_23 = vector.shape_cast %swap3A_22 : vector<1x1x2048xf32> to vector<2048xf32>
    %swap3A_24 = vector.shape_cast %squeeze3A : vector<2048xf32> to vector<1x1x2048xf32>
    tpu.vector_store %arg4[%swap3A_19, %swap3A_20, %swap3A_21], %swap3A_24 {strides = array<i32>} : memref<1x1x2048xf32, #tpu.memory_space<vmem>>, vector<1x1x2048xf32>,
    %get3A_25 = arith.constant 0 : index
    %get3A_26 = arith.constant 0 : index
    %get3A_27 = memref.load %arg6[%get3A_25, %get3A_26] : memref<1x1xf32, #tpu.memory_space<smem>>
    %sub3A_28 = arith.subf %mul3A_15, %get3A_3 : vector<2048x256xf32>
    %integer_pow3A = arith.mulf %sub3A_28, %sub3A_28 : vector<2048x256xf32>
    %reduce_sum3A_29 = vector.shape_cast %integer_pow3A : vector<2048x256xf32> to vector<1x2048x256xf32>
    %reduce_sum3A_30 = arith.constant dense<0.000000e+00> : vector<1xf32>
    %reduce_sum3A_31 = vector.multi_reduction <add>, %reduce_sum3A_29, %reduce_sum3A_30 [1, 2] : vector<1x2048x256xf32> to vector<1xf32>
    %reduce_sum3A_32 = vector.shape_cast %reduce_sum3A_31 : vector<1xf32> to vector<1x1x1xf32>
    %reduce_sum3A_33 = vector.extract %reduce_sum3A_32[0, 0, 0] : f32 from vector<1x1x1xf32>
    %add3A_34 = arith.addf %get3A_27, %reduce_sum3A_33 : f32
    %swap3A_35 = arith.constant 0 : index
    %swap3A_36 = arith.constant 0 : index
    %swap3A_37 = memref.load %arg6[%swap3A_35, %swap3A_36] : memref<1x1xf32, #tpu.memory_space<smem>>
    memref.store %add3A_34, %arg6[%swap3A_35, %swap3A_36] : memref<1x1xf32, #tpu.memory_space<smem>>
    %eq3A_38 = arith.constant 7 : i32
    %eq3A_39 = arith.cmpi eq, %arg0, %eq3A_38 : i32
    %convert_element_type3A_40 = arith.extui %eq3A_39 : i1 to i32
    %cond3A_41 = arith.constant 0 : i32
    %cond3A_42 = arith.cmpi ne, %convert_element_type3A_40, %cond3A_41 : i32
    scf.if %cond3A_42 {
      %get3A_43 = arith.constant 0 : index
      %get3A_44 = arith.constant 0 : index
      %get3A_45 = memref.load %arg6[%get3A_43, %get3A_44] : memref<1x1xf32, #tpu.memory_space<smem>>
      %div3A_46 = arith.constant 0x4A800000 : f32
      %div3A_47 = arith.divf %get3A_45, %div3A_46 : f32
      %mul3A_48 = arith.constant 2.500000e-01 : f32
      %mul3A_49 = arith.mulf %mul3A_48, %div3A_47 : f32
      %add3A_50 = arith.addf %div3A_47, %mul3A_49 : f32
      %reshape3A = vector.broadcast %add3A_50 : f32 to vector<1x1xf32>
      %swap3A_51 = arith.constant 0 : index
      %swap3A_52 = arith.constant 0 : index
      %swap3A_53 = vector.load %arg5[%swap3A_51, %swap3A_52] : memref<1x1xf32, #tpu.memory_space<vmem>>, vector<1x1xf32>
      tpu.vector_store %arg5[%swap3A_51, %swap3A_52], %reshape3A {strides = array<i32>} : memref<1x1xf32, #tpu.memory_space<vmem>>, vector<1x1xf32>,
    } else {
    }
    return
  }
  func.func @transform_0(%arg0: i32) -> (i32, i32) {
    %c0_i32 = arith.constant 0 : i32
    %c0_i32_0 = arith.constant 0 : i32
    return %arg0, %c0_i32 : i32, i32
  }
  func.func @transform_1(%arg0: i32) -> (i32, i32) {
    %c0_i32 = arith.constant 0 : i32
    %c0_i32_0 = arith.constant 0 : i32
    return %arg0, %c0_i32 : i32, i32
  }
  func.func @transform_2(%arg0: i32) -> (i32, i32) {
    %c0_i32 = arith.constant 0 : i32
    %c0_i32_0 = arith.constant 0 : i32
    return %arg0, %c0_i32 : i32, i32
  }
  func.func @transform_3(%arg0: i32) -> (i32, i32, i32) {
    %c0_i32 = arith.constant 0 : i32
    %c0_i32_0 = arith.constant 0 : i32
    %c0_i32_1 = arith.constant 0 : i32
    return %arg0, %c0_i32, %c0_i32_0 : i32, i32, i32
  }
  func.func @transform_4(%arg0: i32) -> (i32, i32) {
    %c0_i32 = arith.constant 0 : i32
    %c0_i32_0 = arith.constant 0 : i32
    %c0_i32_1 = arith.constant 0 : i32
    return %c0_i32, %c0_i32_0 : i32, i32
  }
}

module attributes {stable_mosaic.version = 14 : i64} {
  func.func @_argmin_body(%arg0: i32, %arg1: memref<2048x256xf32, #tpu.memory_space<vmem>>, %arg2: memref<8192x256xf32, #tpu.memory_space<vmem>>, %arg3: memref<1x1x2048xi32, #tpu.memory_space<vmem>>, %arg4: memref<8192x256xf32, #tpu.memory_space<vmem>>) attributes {dimension_semantics = [#tpu.dimension_semantics<arbitrary>], iteration_bounds = array<i64: 8>, scalar_prefetch = 0 : i64, scratch_operands = 1 : i64, tpu.core_type = #tpu.core_type<tc>, window_params = [{transform_indices = @transform_0, window_bounds = array<i64: 2048, 256>}, {pipeline_mode = #tpu.pipeline_mode<synchronous>, transform_indices = @transform_1, window_bounds = array<i64: 8192, 256>}, {transform_indices = @transform_2, window_bounds = array<i64: 1, 1, 2048>}]} {
    %eq3A = arith.constant 0 : i32
    %eq3A_0 = arith.cmpi eq, %arg0, %eq3A : i32
    %convert_element_type3A = arith.extui %eq3A_0 : i1 to i32
    %cond3A = arith.constant 0 : i32
    %cond3A_1 = arith.cmpi ne, %convert_element_type3A, %cond3A : i32
    scf.if %cond3A_1 {
      %get3A_1767 = arith.constant 0 : index
      %get3A_1768 = arith.constant 0 : index
      %get3A_1769 = vector.load %arg2[%get3A_1767, %get3A_1768] : memref<8192x256xf32, #tpu.memory_space<vmem>>, vector<8192x256xf32>
      %mul3A_1770 = arith.mulf %get3A_1769, %get3A_1769 : vector<8192x256xf32>
      %reduce_sum3A_1771 = arith.constant dense<0.000000e+00> : vector<8192xf32>
      %reduce_sum3A_1772 = vector.multi_reduction <add>, %mul3A_1770, %reduce_sum3A_1771 [1] : vector<8192x256xf32> to vector<8192xf32>
      %broadcast_in_dim3A_1773 = vector.shape_cast %reduce_sum3A_1772 : vector<8192xf32> to vector<8192x1xf32>
      %sqrt3A_1774 = math.sqrt %broadcast_in_dim3A_1773 : vector<8192x1xf32>
      %max3A_1775 = arith.constant 9.99999996E-13 : f32
      %max3A_1776 = vector.broadcast %max3A_1775 : f32 to vector<8192x1xf32>
      %max3A_1777 = arith.maximumf %sqrt3A_1774, %max3A_1776 : vector<8192x1xf32>
      %div3A_1778 = vector.broadcast %max3A_1777 : vector<8192x1xf32> to vector<8192x256xf32>
      %div3A_1779 = arith.divf %get3A_1769, %div3A_1778 : vector<8192x256xf32>
      %swap3A_1780 = arith.constant 0 : index
      %swap3A_1781 = arith.constant 0 : index
      %swap3A_1782 = vector.load %arg4[%swap3A_1780, %swap3A_1781] : memref<8192x256xf32, #tpu.memory_space<vmem>>, vector<8192x256xf32>
      tpu.vector_store %arg4[%swap3A_1780, %swap3A_1781], %div3A_1779 {strides = array<i32>} : memref<8192x256xf32, #tpu.memory_space<vmem>>, vector<8192x256xf32>,
    } else {
    }
    %get3A = arith.constant 0 : index
    %get3A_2 = arith.constant 0 : index
    %get3A_3 = vector.load %arg1[%get3A, %get3A_2] : memref<2048x256xf32, #tpu.memory_space<vmem>>, vector<2048x256xf32>
    %mul3A = arith.mulf %get3A_3, %get3A_3 : vector<2048x256xf32>
    %reduce_sum3A = arith.constant dense<0.000000e+00> : vector<2048xf32>
    %reduce_sum3A_4 = vector.multi_reduction <add>, %mul3A, %reduce_sum3A [1] : vector<2048x256xf32> to vector<2048xf32>
    %broadcast_in_dim3A = vector.shape_cast %reduce_sum3A_4 : vector<2048xf32> to vector<2048x1xf32>
    %sqrt3A = math.sqrt %broadcast_in_dim3A : vector<2048x1xf32>
    %max3A = arith.constant 9.99999996E-13 : f32
    %max3A_5 = vector.broadcast %max3A : f32 to vector<2048x1xf32>
    %max3A_6 = arith.maximumf %sqrt3A, %max3A_5 : vector<2048x1xf32>
    %div3A = vector.broadcast %max3A_6 : vector<2048x1xf32> to vector<2048x256xf32>
    %div3A_7 = arith.divf %get3A_3, %div3A : vector<2048x256xf32>
    %iota3A = tpu.iota {dimensions = array<i32: 1>} : vector<512x128xi32>
    %slice3A = vector.extract_strided_slice %div3A_7 {offsets = [0, 0], sizes = [512, 256], strides = [1, 1]} : vector<2048x256xf32> to vector<512x256xf32>
    %get3A_8 = arith.constant 0 : index
    %get3A_9 = arith.constant 0 : index
    %get3A_10 = vector.load %arg4[%get3A_8, %get3A_9] : memref<8192x256xf32, #tpu.memory_space<vmem>>, vector<1024x256xf32>
    %dot_general3A = arith.constant dense<0.000000e+00> : vector<512x1024xf32>
    %dot_general3A_11 = tpu.matmul %slice3A, %get3A_10, %dot_general3A {dimension_numbers = #tpu.dot_dimension_numbers<[1], [1], [0], [0], [0, 0, 1, 0], [], []>, transpose_lhs_hint = false} : vector<512x256xf32>, vector<1024x256xf32>, vector<512x1024xf32> -> vector<512x1024xf32>
    %slice3A_12 = vector.extract_strided_slice %dot_general3A_11 {offsets = [0, 0], sizes = [512, 128], strides = [1, 1]} : vector<512x1024xf32> to vector<512x128xf32>
    %broadcast_in_dim3A_13 = arith.constant 0 : i32
    %broadcast_in_dim3A_14 = vector.broadcast %broadcast_in_dim3A_13 : i32 to vector<512x128xi32>
    %slice3A_15 = vector.extract_strided_slice %dot_general3A_11 {offsets = [0, 128], sizes = [512, 128], strides = [1, 1]} : vector<512x1024xf32> to vector<512x128xf32>
    %gt3A = arith.cmpf ogt, %slice3A_15, %slice3A_12 : vector<512x128xf32>
    %select_n3A = arith.select %gt3A, %slice3A_15, %slice3A_12 : vector<512x128xi1>, vector<512x128xf32>
    %jit3A = arith.constant 1 : i32
    %broadcast_in_dim3A_16 = vector.broadcast %jit3A : i32 to vector<512x128xi32>
    %select_n3A_17 = arith.select %gt3A, %broadcast_in_dim3A_16, %broadcast_in_dim3A_14 : vector<512x128xi1>, vector<512x128xi32>
    %slice3A_18 = vector.extract_strided_slice %dot_general3A_11 {offsets = [0, 256], sizes = [512, 128], strides = [1, 1]} : vector<512x1024xf32> to vector<512x128xf32>
    %gt3A_19 = arith.cmpf ogt, %slice3A_18, %select_n3A : vector<512x128xf32>
    %select_n3A_20 = arith.select %gt3A_19, %slice3A_18, %select_n3A : vector<512x128xi1>, vector<512x128xf32>
    %jit3A_21 = arith.constant 2 : i32
    %broadcast_in_dim3A_22 = vector.broadcast %jit3A_21 : i32 to vector<512x128xi32>
    %select_n3A_23 = arith.select %gt3A_19, %broadcast_in_dim3A_22, %select_n3A_17 : vector<512x128xi1>, vector<512x128xi32>
    %slice3A_24 = vector.extract_strided_slice %dot_general3A_11 {offsets = [0, 384], sizes = [512, 128], strides = [1, 1]} : vector<512x1024xf32> to vector<512x128xf32>
    %gt3A_25 = arith.cmpf ogt, %slice3A_24, %select_n3A_20 : vector<512x128xf32>
    %select_n3A_26 = arith.select %gt3A_25, %slice3A_24, %select_n3A_20 : vector<512x128xi1>, vector<512x128xf32>
    %jit3A_27 = arith.constant 3 : i32
    %broadcast_in_dim3A_28 = vector.broadcast %jit3A_27 : i32 to vector<512x128xi32>
    %select_n3A_29 = arith.select %gt3A_25, %broadcast_in_dim3A_28, %select_n3A_23 : vector<512x128xi1>, vector<512x128xi32>
    %slice3A_30 = vector.extract_strided_slice %dot_general3A_11 {offsets = [0, 512], sizes = [512, 128], strides = [1, 1]} : vector<512x1024xf32> to vector<512x128xf32>
    %gt3A_31 = arith.cmpf ogt, %slice3A_30, %select_n3A_26 : vector<512x128xf32>
    %select_n3A_32 = arith.select %gt3A_31, %slice3A_30, %select_n3A_26 : vector<512x128xi1>, vector<512x128xf32>
    %jit3A_33 = arith.constant 4 : i32
    %broadcast_in_dim3A_34 = vector.broadcast %jit3A_33 : i32 to vector<512x128xi32>
    %select_n3A_35 = arith.select %gt3A_31, %broadcast_in_dim3A_34, %select_n3A_29 : vector<512x128xi1>, vector<512x128xi32>
    %slice3A_36 = vector.extract_strided_slice %dot_general3A_11 {offsets = [0, 640], sizes = [512, 128], strides = [1, 1]} : vector<512x1024xf32> to vector<512x128xf32>
    %gt3A_37 = arith.cmpf ogt, %slice3A_36, %select_n3A_32 : vector<512x128xf32>
    %select_n3A_38 = arith.select %gt3A_37, %slice3A_36, %select_n3A_32 : vector<512x128xi1>, vector<512x128xf32>
    %jit3A_39 = arith.constant 5 : i32
    %broadcast_in_dim3A_40 = vector.broadcast %jit3A_39 : i32 to vector<512x128xi32>
    %select_n3A_41 = arith.select %gt3A_37, %broadcast_in_dim3A_40, %select_n3A_35 : vector<512x128xi1>, vector<512x128xi32>
    %slice3A_42 = vector.extract_strided_slice %dot_general3A_11 {offsets = [0, 768], sizes = [512, 128], strides = [1, 1]} : vector<512x1024xf32> to vector<512x128xf32>
    %gt3A_43 = arith.cmpf ogt, %slice3A_42, %select_n3A_38 : vector<512x128xf32>
    %select_n3A_44 = arith.select %gt3A_43, %slice3A_42, %select_n3A_38 : vector<512x128xi1>, vector<512x128xf32>
    %jit3A_45 = arith.constant 6 : i32
    %broadcast_in_dim3A_46 = vector.broadcast %jit3A_45 : i32 to vector<512x128xi32>
    %select_n3A_47 = arith.select %gt3A_43, %broadcast_in_dim3A_46, %select_n3A_41 : vector<512x128xi1>, vector<512x128xi32>
    %slice3A_48 = vector.extract_strided_slice %dot_general3A_11 {offsets = [0, 896], sizes = [512, 128], strides = [1, 1]} : vector<512x1024xf32> to vector<512x128xf32>
    %gt3A_49 = arith.cmpf ogt, %slice3A_48, %select_n3A_44 : vector<512x128xf32>
    %select_n3A_50 = arith.select %gt3A_49, %slice3A_48, %select_n3A_44 : vector<512x128xi1>, vector<512x128xf32>
    %jit3A_51 = arith.constant 7 : i32
    %broadcast_in_dim3A_52 = vector.broadcast %jit3A_51 : i32 to vector<512x128xi32>
    %select_n3A_53 = arith.select %gt3A_49, %broadcast_in_dim3A_52, %select_n3A_47 : vector<512x128xi1>, vector<512x128xi32>
    %get3A_54 = arith.constant 1024 : index
    %get3A_55 = arith.constant 0 : index
    %get3A_56 = vector.load %arg4[%get3A_54, %get3A_55] : memref<8192x256xf32, #tpu.memory_space<vmem>>, vector<1024x256xf32>
    %dot_general3A_57 = arith.constant dense<0.000000e+00> : vector<512x1024xf32>
    %dot_general3A_58 = tpu.matmul %slice3A, %get3A_56, %dot_general3A_57 {dimension_numbers = #tpu.dot_dimension_numbers<[1], [1], [0], [0], [0, 0, 1, 0], [], []>, transpose_lhs_hint = false} : vector<512x256xf32>, vector<1024x256xf32>, vector<512x1024xf32> -> vector<512x1024xf32>
    %slice3A_59 = vector.extract_strided_slice %dot_general3A_58 {offsets = [0, 0], sizes = [512, 128], strides = [1, 1]} : vector<512x1024xf32> to vector<512x128xf32>
    %gt3A_60 = arith.cmpf ogt, %slice3A_59, %select_n3A_50 : vector<512x128xf32>
    %select_n3A_61 = arith.select %gt3A_60, %slice3A_59, %select_n3A_50 : vector<512x128xi1>, vector<512x128xf32>
    %jit3A_62 = arith.constant 8 : i32
    %broadcast_in_dim3A_63 = vector.broadcast %jit3A_62 : i32 to vector<512x128xi32>
    %select_n3A_64 = arith.select %gt3A_60, %broadcast_in_dim3A_63, %select_n3A_53 : vector<512x128xi1>, vector<512x128xi32>
    %slice3A_65 = vector.extract_strided_slice %dot_general3A_58 {offsets = [0, 128], sizes = [512, 128], strides = [1, 1]} : vector<512x1024xf32> to vector<512x128xf32>
    %gt3A_66 = arith.cmpf ogt, %slice3A_65, %select_n3A_61 : vector<512x128xf32>
    %select_n3A_67 = arith.select %gt3A_66, %slice3A_65, %select_n3A_61 : vector<512x128xi1>, vector<512x128xf32>
    %jit3A_68 = arith.constant 9 : i32
    %broadcast_in_dim3A_69 = vector.broadcast %jit3A_68 : i32 to vector<512x128xi32>
    %select_n3A_70 = arith.select %gt3A_66, %broadcast_in_dim3A_69, %select_n3A_64 : vector<512x128xi1>, vector<512x128xi32>
    %slice3A_71 = vector.extract_strided_slice %dot_general3A_58 {offsets = [0, 256], sizes = [512, 128], strides = [1, 1]} : vector<512x1024xf32> to vector<512x128xf32>
    %gt3A_72 = arith.cmpf ogt, %slice3A_71, %select_n3A_67 : vector<512x128xf32>
    %select_n3A_73 = arith.select %gt3A_72, %slice3A_71, %select_n3A_67 : vector<512x128xi1>, vector<512x128xf32>
    %jit3A_74 = arith.constant 10 : i32
    %broadcast_in_dim3A_75 = vector.broadcast %jit3A_74 : i32 to vector<512x128xi32>
    %select_n3A_76 = arith.select %gt3A_72, %broadcast_in_dim3A_75, %select_n3A_70 : vector<512x128xi1>, vector<512x128xi32>
    %slice3A_77 = vector.extract_strided_slice %dot_general3A_58 {offsets = [0, 384], sizes = [512, 128], strides = [1, 1]} : vector<512x1024xf32> to vector<512x128xf32>
    %gt3A_78 = arith.cmpf ogt, %slice3A_77, %select_n3A_73 : vector<512x128xf32>
    %select_n3A_79 = arith.select %gt3A_78, %slice3A_77, %select_n3A_73 : vector<512x128xi1>, vector<512x128xf32>
    %jit3A_80 = arith.constant 11 : i32
    %broadcast_in_dim3A_81 = vector.broadcast %jit3A_80 : i32 to vector<512x128xi32>
    %select_n3A_82 = arith.select %gt3A_78, %broadcast_in_dim3A_81, %select_n3A_76 : vector<512x128xi1>, vector<512x128xi32>
    %slice3A_83 = vector.extract_strided_slice %dot_general3A_58 {offsets = [0, 512], sizes = [512, 128], strides = [1, 1]} : vector<512x1024xf32> to vector<512x128xf32>
    %gt3A_84 = arith.cmpf ogt, %slice3A_83, %select_n3A_79 : vector<512x128xf32>
    %select_n3A_85 = arith.select %gt3A_84, %slice3A_83, %select_n3A_79 : vector<512x128xi1>, vector<512x128xf32>
    %jit3A_86 = arith.constant 12 : i32
    %broadcast_in_dim3A_87 = vector.broadcast %jit3A_86 : i32 to vector<512x128xi32>
    %select_n3A_88 = arith.select %gt3A_84, %broadcast_in_dim3A_87, %select_n3A_82 : vector<512x128xi1>, vector<512x128xi32>
    %slice3A_89 = vector.extract_strided_slice %dot_general3A_58 {offsets = [0, 640], sizes = [512, 128], strides = [1, 1]} : vector<512x1024xf32> to vector<512x128xf32>
    %gt3A_90 = arith.cmpf ogt, %slice3A_89, %select_n3A_85 : vector<512x128xf32>
    %select_n3A_91 = arith.select %gt3A_90, %slice3A_89, %select_n3A_85 : vector<512x128xi1>, vector<512x128xf32>
    %jit3A_92 = arith.constant 13 : i32
    %broadcast_in_dim3A_93 = vector.broadcast %jit3A_92 : i32 to vector<512x128xi32>
    %select_n3A_94 = arith.select %gt3A_90, %broadcast_in_dim3A_93, %select_n3A_88 : vector<512x128xi1>, vector<512x128xi32>
    %slice3A_95 = vector.extract_strided_slice %dot_general3A_58 {offsets = [0, 768], sizes = [512, 128], strides = [1, 1]} : vector<512x1024xf32> to vector<512x128xf32>
    %gt3A_96 = arith.cmpf ogt, %slice3A_95, %select_n3A_91 : vector<512x128xf32>
    %select_n3A_97 = arith.select %gt3A_96, %slice3A_95, %select_n3A_91 : vector<512x128xi1>, vector<512x128xf32>
    %jit3A_98 = arith.constant 14 : i32
    %broadcast_in_dim3A_99 = vector.broadcast %jit3A_98 : i32 to vector<512x128xi32>
    %select_n3A_100 = arith.select %gt3A_96, %broadcast_in_dim3A_99, %select_n3A_94 : vector<512x128xi1>, vector<512x128xi32>
    %slice3A_101 = vector.extract_strided_slice %dot_general3A_58 {offsets = [0, 896], sizes = [512, 128], strides = [1, 1]} : vector<512x1024xf32> to vector<512x128xf32>
    %gt3A_102 = arith.cmpf ogt, %slice3A_101, %select_n3A_97 : vector<512x128xf32>
    %select_n3A_103 = arith.select %gt3A_102, %slice3A_101, %select_n3A_97 : vector<512x128xi1>, vector<512x128xf32>
    %jit3A_104 = arith.constant 15 : i32
    %broadcast_in_dim3A_105 = vector.broadcast %jit3A_104 : i32 to vector<512x128xi32>
    %select_n3A_106 = arith.select %gt3A_102, %broadcast_in_dim3A_105, %select_n3A_100 : vector<512x128xi1>, vector<512x128xi32>
    %get3A_107 = arith.constant 2048 : index
    %get3A_108 = arith.constant 0 : index
    %get3A_109 = vector.load %arg4[%get3A_107, %get3A_108] : memref<8192x256xf32, #tpu.memory_space<vmem>>, vector<1024x256xf32>
    %dot_general3A_110 = arith.constant dense<0.000000e+00> : vector<512x1024xf32>
    %dot_general3A_111 = tpu.matmul %slice3A, %get3A_109, %dot_general3A_110 {dimension_numbers = #tpu.dot_dimension_numbers<[1], [1], [0], [0], [0, 0, 1, 0], [], []>, transpose_lhs_hint = false} : vector<512x256xf32>, vector<1024x256xf32>, vector<512x1024xf32> -> vector<512x1024xf32>
    %slice3A_112 = vector.extract_strided_slice %dot_general3A_111 {offsets = [0, 0], sizes = [512, 128], strides = [1, 1]} : vector<512x1024xf32> to vector<512x128xf32>
    %gt3A_113 = arith.cmpf ogt, %slice3A_112, %select_n3A_103 : vector<512x128xf32>
    %select_n3A_114 = arith.select %gt3A_113, %slice3A_112, %select_n3A_103 : vector<512x128xi1>, vector<512x128xf32>
    %jit3A_115 = arith.constant 16 : i32
    %broadcast_in_dim3A_116 = vector.broadcast %jit3A_115 : i32 to vector<512x128xi32>
    %select_n3A_117 = arith.select %gt3A_113, %broadcast_in_dim3A_116, %select_n3A_106 : vector<512x128xi1>, vector<512x128xi32>
    %slice3A_118 = vector.extract_strided_slice %dot_general3A_111 {offsets = [0, 128], sizes = [512, 128], strides = [1, 1]} : vector<512x1024xf32> to vector<512x128xf32>
    %gt3A_119 = arith.cmpf ogt, %slice3A_118, %select_n3A_114 : vector<512x128xf32>
    %select_n3A_120 = arith.select %gt3A_119, %slice3A_118, %select_n3A_114 : vector<512x128xi1>, vector<512x128xf32>
    %jit3A_121 = arith.constant 17 : i32
    %broadcast_in_dim3A_122 = vector.broadcast %jit3A_121 : i32 to vector<512x128xi32>
    %select_n3A_123 = arith.select %gt3A_119, %broadcast_in_dim3A_122, %select_n3A_117 : vector<512x128xi1>, vector<512x128xi32>
    %slice3A_124 = vector.extract_strided_slice %dot_general3A_111 {offsets = [0, 256], sizes = [512, 128], strides = [1, 1]} : vector<512x1024xf32> to vector<512x128xf32>
    %gt3A_125 = arith.cmpf ogt, %slice3A_124, %select_n3A_120 : vector<512x128xf32>
    %select_n3A_126 = arith.select %gt3A_125, %slice3A_124, %select_n3A_120 : vector<512x128xi1>, vector<512x128xf32>
    %jit3A_127 = arith.constant 18 : i32
    %broadcast_in_dim3A_128 = vector.broadcast %jit3A_127 : i32 to vector<512x128xi32>
    %select_n3A_129 = arith.select %gt3A_125, %broadcast_in_dim3A_128, %select_n3A_123 : vector<512x128xi1>, vector<512x128xi32>
    %slice3A_130 = vector.extract_strided_slice %dot_general3A_111 {offsets = [0, 384], sizes = [512, 128], strides = [1, 1]} : vector<512x1024xf32> to vector<512x128xf32>
    %gt3A_131 = arith.cmpf ogt, %slice3A_130, %select_n3A_126 : vector<512x128xf32>
    %select_n3A_132 = arith.select %gt3A_131, %slice3A_130, %select_n3A_126 : vector<512x128xi1>, vector<512x128xf32>
    %jit3A_133 = arith.constant 19 : i32
    %broadcast_in_dim3A_134 = vector.broadcast %jit3A_133 : i32 to vector<512x128xi32>
    %select_n3A_135 = arith.select %gt3A_131, %broadcast_in_dim3A_134, %select_n3A_129 : vector<512x128xi1>, vector<512x128xi32>
    %slice3A_136 = vector.extract_strided_slice %dot_general3A_111 {offsets = [0, 512], sizes = [512, 128], strides = [1, 1]} : vector<512x1024xf32> to vector<512x128xf32>
    %gt3A_137 = arith.cmpf ogt, %slice3A_136, %select_n3A_132 : vector<512x128xf32>
    %select_n3A_138 = arith.select %gt3A_137, %slice3A_136, %select_n3A_132 : vector<512x128xi1>, vector<512x128xf32>
    %jit3A_139 = arith.constant 20 : i32
    %broadcast_in_dim3A_140 = vector.broadcast %jit3A_139 : i32 to vector<512x128xi32>
    %select_n3A_141 = arith.select %gt3A_137, %broadcast_in_dim3A_140, %select_n3A_135 : vector<512x128xi1>, vector<512x128xi32>
    %slice3A_142 = vector.extract_strided_slice %dot_general3A_111 {offsets = [0, 640], sizes = [512, 128], strides = [1, 1]} : vector<512x1024xf32> to vector<512x128xf32>
    %gt3A_143 = arith.cmpf ogt, %slice3A_142, %select_n3A_138 : vector<512x128xf32>
    %select_n3A_144 = arith.select %gt3A_143, %slice3A_142, %select_n3A_138 : vector<512x128xi1>, vector<512x128xf32>
    %jit3A_145 = arith.constant 21 : i32
    %broadcast_in_dim3A_146 = vector.broadcast %jit3A_145 : i32 to vector<512x128xi32>
    %select_n3A_147 = arith.select %gt3A_143, %broadcast_in_dim3A_146, %select_n3A_141 : vector<512x128xi1>, vector<512x128xi32>
    %slice3A_148 = vector.extract_strided_slice %dot_general3A_111 {offsets = [0, 768], sizes = [512, 128], strides = [1, 1]} : vector<512x1024xf32> to vector<512x128xf32>
    %gt3A_149 = arith.cmpf ogt, %slice3A_148, %select_n3A_144 : vector<512x128xf32>
    %select_n3A_150 = arith.select %gt3A_149, %slice3A_148, %select_n3A_144 : vector<512x128xi1>, vector<512x128xf32>
    %jit3A_151 = arith.constant 22 : i32
    %broadcast_in_dim3A_152 = vector.broadcast %jit3A_151 : i32 to vector<512x128xi32>
    %select_n3A_153 = arith.select %gt3A_149, %broadcast_in_dim3A_152, %select_n3A_147 : vector<512x128xi1>, vector<512x128xi32>
    %slice3A_154 = vector.extract_strided_slice %dot_general3A_111 {offsets = [0, 896], sizes = [512, 128], strides = [1, 1]} : vector<512x1024xf32> to vector<512x128xf32>
    %gt3A_155 = arith.cmpf ogt, %slice3A_154, %select_n3A_150 : vector<512x128xf32>
    %select_n3A_156 = arith.select %gt3A_155, %slice3A_154, %select_n3A_150 : vector<512x128xi1>, vector<512x128xf32>
    %jit3A_157 = arith.constant 23 : i32
    %broadcast_in_dim3A_158 = vector.broadcast %jit3A_157 : i32 to vector<512x128xi32>
    %select_n3A_159 = arith.select %gt3A_155, %broadcast_in_dim3A_158, %select_n3A_153 : vector<512x128xi1>, vector<512x128xi32>
    %get3A_160 = arith.constant 3072 : index
    %get3A_161 = arith.constant 0 : index
    %get3A_162 = vector.load %arg4[%get3A_160, %get3A_161] : memref<8192x256xf32, #tpu.memory_space<vmem>>, vector<1024x256xf32>
    %dot_general3A_163 = arith.constant dense<0.000000e+00> : vector<512x1024xf32>
    %dot_general3A_164 = tpu.matmul %slice3A, %get3A_162, %dot_general3A_163 {dimension_numbers = #tpu.dot_dimension_numbers<[1], [1], [0], [0], [0, 0, 1, 0], [], []>, transpose_lhs_hint = false} : vector<512x256xf32>, vector<1024x256xf32>, vector<512x1024xf32> -> vector<512x1024xf32>
    %slice3A_165 = vector.extract_strided_slice %dot_general3A_164 {offsets = [0, 0], sizes = [512, 128], strides = [1, 1]} : vector<512x1024xf32> to vector<512x128xf32>
    %gt3A_166 = arith.cmpf ogt, %slice3A_165, %select_n3A_156 : vector<512x128xf32>
    %select_n3A_167 = arith.select %gt3A_166, %slice3A_165, %select_n3A_156 : vector<512x128xi1>, vector<512x128xf32>
    %jit3A_168 = arith.constant 24 : i32
    %broadcast_in_dim3A_169 = vector.broadcast %jit3A_168 : i32 to vector<512x128xi32>
    %select_n3A_170 = arith.select %gt3A_166, %broadcast_in_dim3A_169, %select_n3A_159 : vector<512x128xi1>, vector<512x128xi32>
    %slice3A_171 = vector.extract_strided_slice %dot_general3A_164 {offsets = [0, 128], sizes = [512, 128], strides = [1, 1]} : vector<512x1024xf32> to vector<512x128xf32>
    %gt3A_172 = arith.cmpf ogt, %slice3A_171, %select_n3A_167 : vector<512x128xf32>
    %select_n3A_173 = arith.select %gt3A_172, %slice3A_171, %select_n3A_167 : vector<512x128xi1>, vector<512x128xf32>
    %jit3A_174 = arith.constant 25 : i32
    %broadcast_in_dim3A_175 = vector.broadcast %jit3A_174 : i32 to vector<512x128xi32>
    %select_n3A_176 = arith.select %gt3A_172, %broadcast_in_dim3A_175, %select_n3A_170 : vector<512x128xi1>, vector<512x128xi32>
    %slice3A_177 = vector.extract_strided_slice %dot_general3A_164 {offsets = [0, 256], sizes = [512, 128], strides = [1, 1]} : vector<512x1024xf32> to vector<512x128xf32>
    %gt3A_178 = arith.cmpf ogt, %slice3A_177, %select_n3A_173 : vector<512x128xf32>
    %select_n3A_179 = arith.select %gt3A_178, %slice3A_177, %select_n3A_173 : vector<512x128xi1>, vector<512x128xf32>
    %jit3A_180 = arith.constant 26 : i32
    %broadcast_in_dim3A_181 = vector.broadcast %jit3A_180 : i32 to vector<512x128xi32>
    %select_n3A_182 = arith.select %gt3A_178, %broadcast_in_dim3A_181, %select_n3A_176 : vector<512x128xi1>, vector<512x128xi32>
    %slice3A_183 = vector.extract_strided_slice %dot_general3A_164 {offsets = [0, 384], sizes = [512, 128], strides = [1, 1]} : vector<512x1024xf32> to vector<512x128xf32>
    %gt3A_184 = arith.cmpf ogt, %slice3A_183, %select_n3A_179 : vector<512x128xf32>
    %select_n3A_185 = arith.select %gt3A_184, %slice3A_183, %select_n3A_179 : vector<512x128xi1>, vector<512x128xf32>
    %jit3A_186 = arith.constant 27 : i32
    %broadcast_in_dim3A_187 = vector.broadcast %jit3A_186 : i32 to vector<512x128xi32>
    %select_n3A_188 = arith.select %gt3A_184, %broadcast_in_dim3A_187, %select_n3A_182 : vector<512x128xi1>, vector<512x128xi32>
    %slice3A_189 = vector.extract_strided_slice %dot_general3A_164 {offsets = [0, 512], sizes = [512, 128], strides = [1, 1]} : vector<512x1024xf32> to vector<512x128xf32>
    %gt3A_190 = arith.cmpf ogt, %slice3A_189, %select_n3A_185 : vector<512x128xf32>
    %select_n3A_191 = arith.select %gt3A_190, %slice3A_189, %select_n3A_185 : vector<512x128xi1>, vector<512x128xf32>
    %jit3A_192 = arith.constant 28 : i32
    %broadcast_in_dim3A_193 = vector.broadcast %jit3A_192 : i32 to vector<512x128xi32>
    %select_n3A_194 = arith.select %gt3A_190, %broadcast_in_dim3A_193, %select_n3A_188 : vector<512x128xi1>, vector<512x128xi32>
    %slice3A_195 = vector.extract_strided_slice %dot_general3A_164 {offsets = [0, 640], sizes = [512, 128], strides = [1, 1]} : vector<512x1024xf32> to vector<512x128xf32>
    %gt3A_196 = arith.cmpf ogt, %slice3A_195, %select_n3A_191 : vector<512x128xf32>
    %select_n3A_197 = arith.select %gt3A_196, %slice3A_195, %select_n3A_191 : vector<512x128xi1>, vector<512x128xf32>
    %jit3A_198 = arith.constant 29 : i32
    %broadcast_in_dim3A_199 = vector.broadcast %jit3A_198 : i32 to vector<512x128xi32>
    %select_n3A_200 = arith.select %gt3A_196, %broadcast_in_dim3A_199, %select_n3A_194 : vector<512x128xi1>, vector<512x128xi32>
    %slice3A_201 = vector.extract_strided_slice %dot_general3A_164 {offsets = [0, 768], sizes = [512, 128], strides = [1, 1]} : vector<512x1024xf32> to vector<512x128xf32>
    %gt3A_202 = arith.cmpf ogt, %slice3A_201, %select_n3A_197 : vector<512x128xf32>
    %select_n3A_203 = arith.select %gt3A_202, %slice3A_201, %select_n3A_197 : vector<512x128xi1>, vector<512x128xf32>
    %jit3A_204 = arith.constant 30 : i32
    %broadcast_in_dim3A_205 = vector.broadcast %jit3A_204 : i32 to vector<512x128xi32>
    %select_n3A_206 = arith.select %gt3A_202, %broadcast_in_dim3A_205, %select_n3A_200 : vector<512x128xi1>, vector<512x128xi32>
    %slice3A_207 = vector.extract_strided_slice %dot_general3A_164 {offsets = [0, 896], sizes = [512, 128], strides = [1, 1]} : vector<512x1024xf32> to vector<512x128xf32>
    %gt3A_208 = arith.cmpf ogt, %slice3A_207, %select_n3A_203 : vector<512x128xf32>
    %select_n3A_209 = arith.select %gt3A_208, %slice3A_207, %select_n3A_203 : vector<512x128xi1>, vector<512x128xf32>
    %jit3A_210 = arith.constant 31 : i32
    %broadcast_in_dim3A_211 = vector.broadcast %jit3A_210 : i32 to vector<512x128xi32>
    %select_n3A_212 = arith.select %gt3A_208, %broadcast_in_dim3A_211, %select_n3A_206 : vector<512x128xi1>, vector<512x128xi32>
    %get3A_213 = arith.constant 4096 : index
    %get3A_214 = arith.constant 0 : index
    %get3A_215 = vector.load %arg4[%get3A_213, %get3A_214] : memref<8192x256xf32, #tpu.memory_space<vmem>>, vector<1024x256xf32>
    %dot_general3A_216 = arith.constant dense<0.000000e+00> : vector<512x1024xf32>
    %dot_general3A_217 = tpu.matmul %slice3A, %get3A_215, %dot_general3A_216 {dimension_numbers = #tpu.dot_dimension_numbers<[1], [1], [0], [0], [0, 0, 1, 0], [], []>, transpose_lhs_hint = false} : vector<512x256xf32>, vector<1024x256xf32>, vector<512x1024xf32> -> vector<512x1024xf32>
    %slice3A_218 = vector.extract_strided_slice %dot_general3A_217 {offsets = [0, 0], sizes = [512, 128], strides = [1, 1]} : vector<512x1024xf32> to vector<512x128xf32>
    %gt3A_219 = arith.cmpf ogt, %slice3A_218, %select_n3A_209 : vector<512x128xf32>
    %select_n3A_220 = arith.select %gt3A_219, %slice3A_218, %select_n3A_209 : vector<512x128xi1>, vector<512x128xf32>
    %jit3A_221 = arith.constant 32 : i32
    %broadcast_in_dim3A_222 = vector.broadcast %jit3A_221 : i32 to vector<512x128xi32>
    %select_n3A_223 = arith.select %gt3A_219, %broadcast_in_dim3A_222, %select_n3A_212 : vector<512x128xi1>, vector<512x128xi32>
    %slice3A_224 = vector.extract_strided_slice %dot_general3A_217 {offsets = [0, 128], sizes = [512, 128], strides = [1, 1]} : vector<512x1024xf32> to vector<512x128xf32>
    %gt3A_225 = arith.cmpf ogt, %slice3A_224, %select_n3A_220 : vector<512x128xf32>
    %select_n3A_226 = arith.select %gt3A_225, %slice3A_224, %select_n3A_220 : vector<512x128xi1>, vector<512x128xf32>
    %jit3A_227 = arith.constant 33 : i32
    %broadcast_in_dim3A_228 = vector.broadcast %jit3A_227 : i32 to vector<512x128xi32>
    %select_n3A_229 = arith.select %gt3A_225, %broadcast_in_dim3A_228, %select_n3A_223 : vector<512x128xi1>, vector<512x128xi32>
    %slice3A_230 = vector.extract_strided_slice %dot_general3A_217 {offsets = [0, 256], sizes = [512, 128], strides = [1, 1]} : vector<512x1024xf32> to vector<512x128xf32>
    %gt3A_231 = arith.cmpf ogt, %slice3A_230, %select_n3A_226 : vector<512x128xf32>
    %select_n3A_232 = arith.select %gt3A_231, %slice3A_230, %select_n3A_226 : vector<512x128xi1>, vector<512x128xf32>
    %jit3A_233 = arith.constant 34 : i32
    %broadcast_in_dim3A_234 = vector.broadcast %jit3A_233 : i32 to vector<512x128xi32>
    %select_n3A_235 = arith.select %gt3A_231, %broadcast_in_dim3A_234, %select_n3A_229 : vector<512x128xi1>, vector<512x128xi32>
    %slice3A_236 = vector.extract_strided_slice %dot_general3A_217 {offsets = [0, 384], sizes = [512, 128], strides = [1, 1]} : vector<512x1024xf32> to vector<512x128xf32>
    %gt3A_237 = arith.cmpf ogt, %slice3A_236, %select_n3A_232 : vector<512x128xf32>
    %select_n3A_238 = arith.select %gt3A_237, %slice3A_236, %select_n3A_232 : vector<512x128xi1>, vector<512x128xf32>
    %jit3A_239 = arith.constant 35 : i32
    %broadcast_in_dim3A_240 = vector.broadcast %jit3A_239 : i32 to vector<512x128xi32>
    %select_n3A_241 = arith.select %gt3A_237, %broadcast_in_dim3A_240, %select_n3A_235 : vector<512x128xi1>, vector<512x128xi32>
    %slice3A_242 = vector.extract_strided_slice %dot_general3A_217 {offsets = [0, 512], sizes = [512, 128], strides = [1, 1]} : vector<512x1024xf32> to vector<512x128xf32>
    %gt3A_243 = arith.cmpf ogt, %slice3A_242, %select_n3A_238 : vector<512x128xf32>
    %select_n3A_244 = arith.select %gt3A_243, %slice3A_242, %select_n3A_238 : vector<512x128xi1>, vector<512x128xf32>
    %jit3A_245 = arith.constant 36 : i32
    %broadcast_in_dim3A_246 = vector.broadcast %jit3A_245 : i32 to vector<512x128xi32>
    %select_n3A_247 = arith.select %gt3A_243, %broadcast_in_dim3A_246, %select_n3A_241 : vector<512x128xi1>, vector<512x128xi32>
    %slice3A_248 = vector.extract_strided_slice %dot_general3A_217 {offsets = [0, 640], sizes = [512, 128], strides = [1, 1]} : vector<512x1024xf32> to vector<512x128xf32>
    %gt3A_249 = arith.cmpf ogt, %slice3A_248, %select_n3A_244 : vector<512x128xf32>
    %select_n3A_250 = arith.select %gt3A_249, %slice3A_248, %select_n3A_244 : vector<512x128xi1>, vector<512x128xf32>
    %jit3A_251 = arith.constant 37 : i32
    %broadcast_in_dim3A_252 = vector.broadcast %jit3A_251 : i32 to vector<512x128xi32>
    %select_n3A_253 = arith.select %gt3A_249, %broadcast_in_dim3A_252, %select_n3A_247 : vector<512x128xi1>, vector<512x128xi32>
    %slice3A_254 = vector.extract_strided_slice %dot_general3A_217 {offsets = [0, 768], sizes = [512, 128], strides = [1, 1]} : vector<512x1024xf32> to vector<512x128xf32>
    %gt3A_255 = arith.cmpf ogt, %slice3A_254, %select_n3A_250 : vector<512x128xf32>
    %select_n3A_256 = arith.select %gt3A_255, %slice3A_254, %select_n3A_250 : vector<512x128xi1>, vector<512x128xf32>
    %jit3A_257 = arith.constant 38 : i32
    %broadcast_in_dim3A_258 = vector.broadcast %jit3A_257 : i32 to vector<512x128xi32>
    %select_n3A_259 = arith.select %gt3A_255, %broadcast_in_dim3A_258, %select_n3A_253 : vector<512x128xi1>, vector<512x128xi32>
    %slice3A_260 = vector.extract_strided_slice %dot_general3A_217 {offsets = [0, 896], sizes = [512, 128], strides = [1, 1]} : vector<512x1024xf32> to vector<512x128xf32>
    %gt3A_261 = arith.cmpf ogt, %slice3A_260, %select_n3A_256 : vector<512x128xf32>
    %select_n3A_262 = arith.select %gt3A_261, %slice3A_260, %select_n3A_256 : vector<512x128xi1>, vector<512x128xf32>
    %jit3A_263 = arith.constant 39 : i32
    %broadcast_in_dim3A_264 = vector.broadcast %jit3A_263 : i32 to vector<512x128xi32>
    %select_n3A_265 = arith.select %gt3A_261, %broadcast_in_dim3A_264, %select_n3A_259 : vector<512x128xi1>, vector<512x128xi32>
    %get3A_266 = arith.constant 5120 : index
    %get3A_267 = arith.constant 0 : index
    %get3A_268 = vector.load %arg4[%get3A_266, %get3A_267] : memref<8192x256xf32, #tpu.memory_space<vmem>>, vector<1024x256xf32>
    %dot_general3A_269 = arith.constant dense<0.000000e+00> : vector<512x1024xf32>
    %dot_general3A_270 = tpu.matmul %slice3A, %get3A_268, %dot_general3A_269 {dimension_numbers = #tpu.dot_dimension_numbers<[1], [1], [0], [0], [0, 0, 1, 0], [], []>, transpose_lhs_hint = false} : vector<512x256xf32>, vector<1024x256xf32>, vector<512x1024xf32> -> vector<512x1024xf32>
    %slice3A_271 = vector.extract_strided_slice %dot_general3A_270 {offsets = [0, 0], sizes = [512, 128], strides = [1, 1]} : vector<512x1024xf32> to vector<512x128xf32>
    %gt3A_272 = arith.cmpf ogt, %slice3A_271, %select_n3A_262 : vector<512x128xf32>
    %select_n3A_273 = arith.select %gt3A_272, %slice3A_271, %select_n3A_262 : vector<512x128xi1>, vector<512x128xf32>
    %jit3A_274 = arith.constant 40 : i32
    %broadcast_in_dim3A_275 = vector.broadcast %jit3A_274 : i32 to vector<512x128xi32>
    %select_n3A_276 = arith.select %gt3A_272, %broadcast_in_dim3A_275, %select_n3A_265 : vector<512x128xi1>, vector<512x128xi32>
    %slice3A_277 = vector.extract_strided_slice %dot_general3A_270 {offsets = [0, 128], sizes = [512, 128], strides = [1, 1]} : vector<512x1024xf32> to vector<512x128xf32>
    %gt3A_278 = arith.cmpf ogt, %slice3A_277, %select_n3A_273 : vector<512x128xf32>
    %select_n3A_279 = arith.select %gt3A_278, %slice3A_277, %select_n3A_273 : vector<512x128xi1>, vector<512x128xf32>
    %jit3A_280 = arith.constant 41 : i32
    %broadcast_in_dim3A_281 = vector.broadcast %jit3A_280 : i32 to vector<512x128xi32>
    %select_n3A_282 = arith.select %gt3A_278, %broadcast_in_dim3A_281, %select_n3A_276 : vector<512x128xi1>, vector<512x128xi32>
    %slice3A_283 = vector.extract_strided_slice %dot_general3A_270 {offsets = [0, 256], sizes = [512, 128], strides = [1, 1]} : vector<512x1024xf32> to vector<512x128xf32>
    %gt3A_284 = arith.cmpf ogt, %slice3A_283, %select_n3A_279 : vector<512x128xf32>
    %select_n3A_285 = arith.select %gt3A_284, %slice3A_283, %select_n3A_279 : vector<512x128xi1>, vector<512x128xf32>
    %jit3A_286 = arith.constant 42 : i32
    %broadcast_in_dim3A_287 = vector.broadcast %jit3A_286 : i32 to vector<512x128xi32>
    %select_n3A_288 = arith.select %gt3A_284, %broadcast_in_dim3A_287, %select_n3A_282 : vector<512x128xi1>, vector<512x128xi32>
    %slice3A_289 = vector.extract_strided_slice %dot_general3A_270 {offsets = [0, 384], sizes = [512, 128], strides = [1, 1]} : vector<512x1024xf32> to vector<512x128xf32>
    %gt3A_290 = arith.cmpf ogt, %slice3A_289, %select_n3A_285 : vector<512x128xf32>
    %select_n3A_291 = arith.select %gt3A_290, %slice3A_289, %select_n3A_285 : vector<512x128xi1>, vector<512x128xf32>
    %jit3A_292 = arith.constant 43 : i32
    %broadcast_in_dim3A_293 = vector.broadcast %jit3A_292 : i32 to vector<512x128xi32>
    %select_n3A_294 = arith.select %gt3A_290, %broadcast_in_dim3A_293, %select_n3A_288 : vector<512x128xi1>, vector<512x128xi32>
    %slice3A_295 = vector.extract_strided_slice %dot_general3A_270 {offsets = [0, 512], sizes = [512, 128], strides = [1, 1]} : vector<512x1024xf32> to vector<512x128xf32>
    %gt3A_296 = arith.cmpf ogt, %slice3A_295, %select_n3A_291 : vector<512x128xf32>
    %select_n3A_297 = arith.select %gt3A_296, %slice3A_295, %select_n3A_291 : vector<512x128xi1>, vector<512x128xf32>
    %jit3A_298 = arith.constant 44 : i32
    %broadcast_in_dim3A_299 = vector.broadcast %jit3A_298 : i32 to vector<512x128xi32>
    %select_n3A_300 = arith.select %gt3A_296, %broadcast_in_dim3A_299, %select_n3A_294 : vector<512x128xi1>, vector<512x128xi32>
    %slice3A_301 = vector.extract_strided_slice %dot_general3A_270 {offsets = [0, 640], sizes = [512, 128], strides = [1, 1]} : vector<512x1024xf32> to vector<512x128xf32>
    %gt3A_302 = arith.cmpf ogt, %slice3A_301, %select_n3A_297 : vector<512x128xf32>
    %select_n3A_303 = arith.select %gt3A_302, %slice3A_301, %select_n3A_297 : vector<512x128xi1>, vector<512x128xf32>
    %jit3A_304 = arith.constant 45 : i32
    %broadcast_in_dim3A_305 = vector.broadcast %jit3A_304 : i32 to vector<512x128xi32>
    %select_n3A_306 = arith.select %gt3A_302, %broadcast_in_dim3A_305, %select_n3A_300 : vector<512x128xi1>, vector<512x128xi32>
    %slice3A_307 = vector.extract_strided_slice %dot_general3A_270 {offsets = [0, 768], sizes = [512, 128], strides = [1, 1]} : vector<512x1024xf32> to vector<512x128xf32>
    %gt3A_308 = arith.cmpf ogt, %slice3A_307, %select_n3A_303 : vector<512x128xf32>
    %select_n3A_309 = arith.select %gt3A_308, %slice3A_307, %select_n3A_303 : vector<512x128xi1>, vector<512x128xf32>
    %jit3A_310 = arith.constant 46 : i32
    %broadcast_in_dim3A_311 = vector.broadcast %jit3A_310 : i32 to vector<512x128xi32>
    %select_n3A_312 = arith.select %gt3A_308, %broadcast_in_dim3A_311, %select_n3A_306 : vector<512x128xi1>, vector<512x128xi32>
    %slice3A_313 = vector.extract_strided_slice %dot_general3A_270 {offsets = [0, 896], sizes = [512, 128], strides = [1, 1]} : vector<512x1024xf32> to vector<512x128xf32>
    %gt3A_314 = arith.cmpf ogt, %slice3A_313, %select_n3A_309 : vector<512x128xf32>
    %select_n3A_315 = arith.select %gt3A_314, %slice3A_313, %select_n3A_309 : vector<512x128xi1>, vector<512x128xf32>
    %jit3A_316 = arith.constant 47 : i32
    %broadcast_in_dim3A_317 = vector.broadcast %jit3A_316 : i32 to vector<512x128xi32>
    %select_n3A_318 = arith.select %gt3A_314, %broadcast_in_dim3A_317, %select_n3A_312 : vector<512x128xi1>, vector<512x128xi32>
    %get3A_319 = arith.constant 6144 : index
    %get3A_320 = arith.constant 0 : index
    %get3A_321 = vector.load %arg4[%get3A_319, %get3A_320] : memref<8192x256xf32, #tpu.memory_space<vmem>>, vector<1024x256xf32>
    %dot_general3A_322 = arith.constant dense<0.000000e+00> : vector<512x1024xf32>
    %dot_general3A_323 = tpu.matmul %slice3A, %get3A_321, %dot_general3A_322 {dimension_numbers = #tpu.dot_dimension_numbers<[1], [1], [0], [0], [0, 0, 1, 0], [], []>, transpose_lhs_hint = false} : vector<512x256xf32>, vector<1024x256xf32>, vector<512x1024xf32> -> vector<512x1024xf32>
    %slice3A_324 = vector.extract_strided_slice %dot_general3A_323 {offsets = [0, 0], sizes = [512, 128], strides = [1, 1]} : vector<512x1024xf32> to vector<512x128xf32>
    %gt3A_325 = arith.cmpf ogt, %slice3A_324, %select_n3A_315 : vector<512x128xf32>
    %select_n3A_326 = arith.select %gt3A_325, %slice3A_324, %select_n3A_315 : vector<512x128xi1>, vector<512x128xf32>
    %jit3A_327 = arith.constant 48 : i32
    %broadcast_in_dim3A_328 = vector.broadcast %jit3A_327 : i32 to vector<512x128xi32>
    %select_n3A_329 = arith.select %gt3A_325, %broadcast_in_dim3A_328, %select_n3A_318 : vector<512x128xi1>, vector<512x128xi32>
    %slice3A_330 = vector.extract_strided_slice %dot_general3A_323 {offsets = [0, 128], sizes = [512, 128], strides = [1, 1]} : vector<512x1024xf32> to vector<512x128xf32>
    %gt3A_331 = arith.cmpf ogt, %slice3A_330, %select_n3A_326 : vector<512x128xf32>
    %select_n3A_332 = arith.select %gt3A_331, %slice3A_330, %select_n3A_326 : vector<512x128xi1>, vector<512x128xf32>
    %jit3A_333 = arith.constant 49 : i32
    %broadcast_in_dim3A_334 = vector.broadcast %jit3A_333 : i32 to vector<512x128xi32>
    %select_n3A_335 = arith.select %gt3A_331, %broadcast_in_dim3A_334, %select_n3A_329 : vector<512x128xi1>, vector<512x128xi32>
    %slice3A_336 = vector.extract_strided_slice %dot_general3A_323 {offsets = [0, 256], sizes = [512, 128], strides = [1, 1]} : vector<512x1024xf32> to vector<512x128xf32>
    %gt3A_337 = arith.cmpf ogt, %slice3A_336, %select_n3A_332 : vector<512x128xf32>
    %select_n3A_338 = arith.select %gt3A_337, %slice3A_336, %select_n3A_332 : vector<512x128xi1>, vector<512x128xf32>
    %jit3A_339 = arith.constant 50 : i32
    %broadcast_in_dim3A_340 = vector.broadcast %jit3A_339 : i32 to vector<512x128xi32>
    %select_n3A_341 = arith.select %gt3A_337, %broadcast_in_dim3A_340, %select_n3A_335 : vector<512x128xi1>, vector<512x128xi32>
    %slice3A_342 = vector.extract_strided_slice %dot_general3A_323 {offsets = [0, 384], sizes = [512, 128], strides = [1, 1]} : vector<512x1024xf32> to vector<512x128xf32>
    %gt3A_343 = arith.cmpf ogt, %slice3A_342, %select_n3A_338 : vector<512x128xf32>
    %select_n3A_344 = arith.select %gt3A_343, %slice3A_342, %select_n3A_338 : vector<512x128xi1>, vector<512x128xf32>
    %jit3A_345 = arith.constant 51 : i32
    %broadcast_in_dim3A_346 = vector.broadcast %jit3A_345 : i32 to vector<512x128xi32>
    %select_n3A_347 = arith.select %gt3A_343, %broadcast_in_dim3A_346, %select_n3A_341 : vector<512x128xi1>, vector<512x128xi32>
    %slice3A_348 = vector.extract_strided_slice %dot_general3A_323 {offsets = [0, 512], sizes = [512, 128], strides = [1, 1]} : vector<512x1024xf32> to vector<512x128xf32>
    %gt3A_349 = arith.cmpf ogt, %slice3A_348, %select_n3A_344 : vector<512x128xf32>
    %select_n3A_350 = arith.select %gt3A_349, %slice3A_348, %select_n3A_344 : vector<512x128xi1>, vector<512x128xf32>
    %jit3A_351 = arith.constant 52 : i32
    %broadcast_in_dim3A_352 = vector.broadcast %jit3A_351 : i32 to vector<512x128xi32>
    %select_n3A_353 = arith.select %gt3A_349, %broadcast_in_dim3A_352, %select_n3A_347 : vector<512x128xi1>, vector<512x128xi32>
    %slice3A_354 = vector.extract_strided_slice %dot_general3A_323 {offsets = [0, 640], sizes = [512, 128], strides = [1, 1]} : vector<512x1024xf32> to vector<512x128xf32>
    %gt3A_355 = arith.cmpf ogt, %slice3A_354, %select_n3A_350 : vector<512x128xf32>
    %select_n3A_356 = arith.select %gt3A_355, %slice3A_354, %select_n3A_350 : vector<512x128xi1>, vector<512x128xf32>
    %jit3A_357 = arith.constant 53 : i32
    %broadcast_in_dim3A_358 = vector.broadcast %jit3A_357 : i32 to vector<512x128xi32>
    %select_n3A_359 = arith.select %gt3A_355, %broadcast_in_dim3A_358, %select_n3A_353 : vector<512x128xi1>, vector<512x128xi32>
    %slice3A_360 = vector.extract_strided_slice %dot_general3A_323 {offsets = [0, 768], sizes = [512, 128], strides = [1, 1]} : vector<512x1024xf32> to vector<512x128xf32>
    %gt3A_361 = arith.cmpf ogt, %slice3A_360, %select_n3A_356 : vector<512x128xf32>
    %select_n3A_362 = arith.select %gt3A_361, %slice3A_360, %select_n3A_356 : vector<512x128xi1>, vector<512x128xf32>
    %jit3A_363 = arith.constant 54 : i32
    %broadcast_in_dim3A_364 = vector.broadcast %jit3A_363 : i32 to vector<512x128xi32>
    %select_n3A_365 = arith.select %gt3A_361, %broadcast_in_dim3A_364, %select_n3A_359 : vector<512x128xi1>, vector<512x128xi32>
    %slice3A_366 = vector.extract_strided_slice %dot_general3A_323 {offsets = [0, 896], sizes = [512, 128], strides = [1, 1]} : vector<512x1024xf32> to vector<512x128xf32>
    %gt3A_367 = arith.cmpf ogt, %slice3A_366, %select_n3A_362 : vector<512x128xf32>
    %select_n3A_368 = arith.select %gt3A_367, %slice3A_366, %select_n3A_362 : vector<512x128xi1>, vector<512x128xf32>
    %jit3A_369 = arith.constant 55 : i32
    %broadcast_in_dim3A_370 = vector.broadcast %jit3A_369 : i32 to vector<512x128xi32>
    %select_n3A_371 = arith.select %gt3A_367, %broadcast_in_dim3A_370, %select_n3A_365 : vector<512x128xi1>, vector<512x128xi32>
    %get3A_372 = arith.constant 7168 : index
    %get3A_373 = arith.constant 0 : index
    %get3A_374 = vector.load %arg4[%get3A_372, %get3A_373] : memref<8192x256xf32, #tpu.memory_space<vmem>>, vector<1024x256xf32>
    %dot_general3A_375 = arith.constant dense<0.000000e+00> : vector<512x1024xf32>
    %dot_general3A_376 = tpu.matmul %slice3A, %get3A_374, %dot_general3A_375 {dimension_numbers = #tpu.dot_dimension_numbers<[1], [1], [0], [0], [0, 0, 1, 0], [], []>, transpose_lhs_hint = false} : vector<512x256xf32>, vector<1024x256xf32>, vector<512x1024xf32> -> vector<512x1024xf32>
    %slice3A_377 = vector.extract_strided_slice %dot_general3A_376 {offsets = [0, 0], sizes = [512, 128], strides = [1, 1]} : vector<512x1024xf32> to vector<512x128xf32>
    %gt3A_378 = arith.cmpf ogt, %slice3A_377, %select_n3A_368 : vector<512x128xf32>
    %select_n3A_379 = arith.select %gt3A_378, %slice3A_377, %select_n3A_368 : vector<512x128xi1>, vector<512x128xf32>
    %jit3A_380 = arith.constant 56 : i32
    %broadcast_in_dim3A_381 = vector.broadcast %jit3A_380 : i32 to vector<512x128xi32>
    %select_n3A_382 = arith.select %gt3A_378, %broadcast_in_dim3A_381, %select_n3A_371 : vector<512x128xi1>, vector<512x128xi32>
    %slice3A_383 = vector.extract_strided_slice %dot_general3A_376 {offsets = [0, 128], sizes = [512, 128], strides = [1, 1]} : vector<512x1024xf32> to vector<512x128xf32>
    %gt3A_384 = arith.cmpf ogt, %slice3A_383, %select_n3A_379 : vector<512x128xf32>
    %select_n3A_385 = arith.select %gt3A_384, %slice3A_383, %select_n3A_379 : vector<512x128xi1>, vector<512x128xf32>
    %jit3A_386 = arith.constant 57 : i32
    %broadcast_in_dim3A_387 = vector.broadcast %jit3A_386 : i32 to vector<512x128xi32>
    %select_n3A_388 = arith.select %gt3A_384, %broadcast_in_dim3A_387, %select_n3A_382 : vector<512x128xi1>, vector<512x128xi32>
    %slice3A_389 = vector.extract_strided_slice %dot_general3A_376 {offsets = [0, 256], sizes = [512, 128], strides = [1, 1]} : vector<512x1024xf32> to vector<512x128xf32>
    %gt3A_390 = arith.cmpf ogt, %slice3A_389, %select_n3A_385 : vector<512x128xf32>
    %select_n3A_391 = arith.select %gt3A_390, %slice3A_389, %select_n3A_385 : vector<512x128xi1>, vector<512x128xf32>
    %jit3A_392 = arith.constant 58 : i32
    %broadcast_in_dim3A_393 = vector.broadcast %jit3A_392 : i32 to vector<512x128xi32>
    %select_n3A_394 = arith.select %gt3A_390, %broadcast_in_dim3A_393, %select_n3A_388 : vector<512x128xi1>, vector<512x128xi32>
    %slice3A_395 = vector.extract_strided_slice %dot_general3A_376 {offsets = [0, 384], sizes = [512, 128], strides = [1, 1]} : vector<512x1024xf32> to vector<512x128xf32>
    %gt3A_396 = arith.cmpf ogt, %slice3A_395, %select_n3A_391 : vector<512x128xf32>
    %select_n3A_397 = arith.select %gt3A_396, %slice3A_395, %select_n3A_391 : vector<512x128xi1>, vector<512x128xf32>
    %jit3A_398 = arith.constant 59 : i32
    %broadcast_in_dim3A_399 = vector.broadcast %jit3A_398 : i32 to vector<512x128xi32>
    %select_n3A_400 = arith.select %gt3A_396, %broadcast_in_dim3A_399, %select_n3A_394 : vector<512x128xi1>, vector<512x128xi32>
    %slice3A_401 = vector.extract_strided_slice %dot_general3A_376 {offsets = [0, 512], sizes = [512, 128], strides = [1, 1]} : vector<512x1024xf32> to vector<512x128xf32>
    %gt3A_402 = arith.cmpf ogt, %slice3A_401, %select_n3A_397 : vector<512x128xf32>
    %select_n3A_403 = arith.select %gt3A_402, %slice3A_401, %select_n3A_397 : vector<512x128xi1>, vector<512x128xf32>
    %jit3A_404 = arith.constant 60 : i32
    %broadcast_in_dim3A_405 = vector.broadcast %jit3A_404 : i32 to vector<512x128xi32>
    %select_n3A_406 = arith.select %gt3A_402, %broadcast_in_dim3A_405, %select_n3A_400 : vector<512x128xi1>, vector<512x128xi32>
    %slice3A_407 = vector.extract_strided_slice %dot_general3A_376 {offsets = [0, 640], sizes = [512, 128], strides = [1, 1]} : vector<512x1024xf32> to vector<512x128xf32>
    %gt3A_408 = arith.cmpf ogt, %slice3A_407, %select_n3A_403 : vector<512x128xf32>
    %select_n3A_409 = arith.select %gt3A_408, %slice3A_407, %select_n3A_403 : vector<512x128xi1>, vector<512x128xf32>
    %jit3A_410 = arith.constant 61 : i32
    %broadcast_in_dim3A_411 = vector.broadcast %jit3A_410 : i32 to vector<512x128xi32>
    %select_n3A_412 = arith.select %gt3A_408, %broadcast_in_dim3A_411, %select_n3A_406 : vector<512x128xi1>, vector<512x128xi32>
    %slice3A_413 = vector.extract_strided_slice %dot_general3A_376 {offsets = [0, 768], sizes = [512, 128], strides = [1, 1]} : vector<512x1024xf32> to vector<512x128xf32>
    %gt3A_414 = arith.cmpf ogt, %slice3A_413, %select_n3A_409 : vector<512x128xf32>
    %select_n3A_415 = arith.select %gt3A_414, %slice3A_413, %select_n3A_409 : vector<512x128xi1>, vector<512x128xf32>
    %jit3A_416 = arith.constant 62 : i32
    %broadcast_in_dim3A_417 = vector.broadcast %jit3A_416 : i32 to vector<512x128xi32>
    %select_n3A_418 = arith.select %gt3A_414, %broadcast_in_dim3A_417, %select_n3A_412 : vector<512x128xi1>, vector<512x128xi32>
    %slice3A_419 = vector.extract_strided_slice %dot_general3A_376 {offsets = [0, 896], sizes = [512, 128], strides = [1, 1]} : vector<512x1024xf32> to vector<512x128xf32>
    %gt3A_420 = arith.cmpf ogt, %slice3A_419, %select_n3A_415 : vector<512x128xf32>
    %select_n3A_421 = arith.select %gt3A_420, %slice3A_419, %select_n3A_415 : vector<512x128xi1>, vector<512x128xf32>
    %jit3A_422 = arith.constant 63 : i32
    %broadcast_in_dim3A_423 = vector.broadcast %jit3A_422 : i32 to vector<512x128xi32>
    %select_n3A_424 = arith.select %gt3A_420, %broadcast_in_dim3A_423, %select_n3A_418 : vector<512x128xi1>, vector<512x128xi32>
    %mul3A_425 = arith.constant 128 : i32
    %mul3A_426 = vector.broadcast %mul3A_425 : i32 to vector<512x128xi32>
    %mul3A_427 = arith.muli %select_n3A_424, %mul3A_426 : vector<512x128xi32>
    %add3A = arith.addi %mul3A_427, %iota3A : vector<512x128xi32>
    %reduce_max3A = arith.constant dense<0xFF800000> : vector<512xf32>
    %reduce_max3A_428 = vector.multi_reduction <maximumf>, %select_n3A_421, %reduce_max3A [1] : vector<512x128xf32> to vector<512xf32>
    %broadcast_in_dim3A_429 = vector.shape_cast %reduce_max3A_428 : vector<512xf32> to vector<512x1xf32>
    %eq3A_430 = vector.broadcast %broadcast_in_dim3A_429 : vector<512x1xf32> to vector<512x128xf32>
    %eq3A_431 = arith.cmpf oeq, %select_n3A_421, %eq3A_430 : vector<512x128xf32>
    %jit3A_432 = arith.constant 8192 : i32
    %broadcast_in_dim3A_433 = vector.broadcast %jit3A_432 : i32 to vector<512x128xi32>
    %select_n3A_434 = arith.select %eq3A_431, %add3A, %broadcast_in_dim3A_433 : vector<512x128xi1>, vector<512x128xi32>
    %reduce_min3A = arith.constant dense<2147483647> : vector<512xi32>
    %reduce_min3A_435 = vector.multi_reduction <minsi>, %select_n3A_434, %reduce_min3A [1] : vector<512x128xi32> to vector<512xi32>
    %swap3A = arith.constant 0 : index
    %swap3A_436 = arith.constant 0 : index
    %swap3A_437 = arith.constant 0 : index
    %swap3A_438 = vector.load %arg3[%swap3A, %swap3A_436, %swap3A_437] : memref<1x1x2048xi32, #tpu.memory_space<vmem>>, vector<1x1x512xi32>
    %swap3A_439 = vector.shape_cast %swap3A_438 : vector<1x1x512xi32> to vector<512xi32>
    %swap3A_440 = vector.shape_cast %reduce_min3A_435 : vector<512xi32> to vector<1x1x512xi32>
    tpu.vector_store %arg3[%swap3A, %swap3A_436, %swap3A_437], %swap3A_440 {strides = array<i32>} : memref<1x1x2048xi32, #tpu.memory_space<vmem>>, vector<1x1x512xi32>,
    %slice3A_441 = vector.extract_strided_slice %div3A_7 {offsets = [512, 0], sizes = [512, 256], strides = [1, 1]} : vector<2048x256xf32> to vector<512x256xf32>
    %get3A_442 = arith.constant 0 : index
    %get3A_443 = arith.constant 0 : index
    %get3A_444 = vector.load %arg4[%get3A_442, %get3A_443] : memref<8192x256xf32, #tpu.memory_space<vmem>>, vector<1024x256xf32>
    %dot_general3A_445 = arith.constant dense<0.000000e+00> : vector<512x1024xf32>
    %dot_general3A_446 = tpu.matmul %slice3A_441, %get3A_444, %dot_general3A_445 {dimension_numbers = #tpu.dot_dimension_numbers<[1], [1], [0], [0], [0, 0, 1, 0], [], []>, transpose_lhs_hint = false} : vector<512x256xf32>, vector<1024x256xf32>, vector<512x1024xf32> -> vector<512x1024xf32>
    %slice3A_447 = vector.extract_strided_slice %dot_general3A_446 {offsets = [0, 0], sizes = [512, 128], strides = [1, 1]} : vector<512x1024xf32> to vector<512x128xf32>
    %broadcast_in_dim3A_448 = arith.constant 0 : i32
    %broadcast_in_dim3A_449 = vector.broadcast %broadcast_in_dim3A_448 : i32 to vector<512x128xi32>
    %slice3A_450 = vector.extract_strided_slice %dot_general3A_446 {offsets = [0, 128], sizes = [512, 128], strides = [1, 1]} : vector<512x1024xf32> to vector<512x128xf32>
    %gt3A_451 = arith.cmpf ogt, %slice3A_450, %slice3A_447 : vector<512x128xf32>
    %select_n3A_452 = arith.select %gt3A_451, %slice3A_450, %slice3A_447 : vector<512x128xi1>, vector<512x128xf32>
    %jit3A_453 = arith.constant 1 : i32
    %broadcast_in_dim3A_454 = vector.broadcast %jit3A_453 : i32 to vector<512x128xi32>
    %select_n3A_455 = arith.select %gt3A_451, %broadcast_in_dim3A_454, %broadcast_in_dim3A_449 : vector<512x128xi1>, vector<512x128xi32>
    %slice3A_456 = vector.extract_strided_slice %dot_general3A_446 {offsets = [0, 256], sizes = [512, 128], strides = [1, 1]} : vector<512x1024xf32> to vector<512x128xf32>
    %gt3A_457 = arith.cmpf ogt, %slice3A_456, %select_n3A_452 : vector<512x128xf32>
    %select_n3A_458 = arith.select %gt3A_457, %slice3A_456, %select_n3A_452 : vector<512x128xi1>, vector<512x128xf32>
    %jit3A_459 = arith.constant 2 : i32
    %broadcast_in_dim3A_460 = vector.broadcast %jit3A_459 : i32 to vector<512x128xi32>
    %select_n3A_461 = arith.select %gt3A_457, %broadcast_in_dim3A_460, %select_n3A_455 : vector<512x128xi1>, vector<512x128xi32>
    %slice3A_462 = vector.extract_strided_slice %dot_general3A_446 {offsets = [0, 384], sizes = [512, 128], strides = [1, 1]} : vector<512x1024xf32> to vector<512x128xf32>
    %gt3A_463 = arith.cmpf ogt, %slice3A_462, %select_n3A_458 : vector<512x128xf32>
    %select_n3A_464 = arith.select %gt3A_463, %slice3A_462, %select_n3A_458 : vector<512x128xi1>, vector<512x128xf32>
    %jit3A_465 = arith.constant 3 : i32
    %broadcast_in_dim3A_466 = vector.broadcast %jit3A_465 : i32 to vector<512x128xi32>
    %select_n3A_467 = arith.select %gt3A_463, %broadcast_in_dim3A_466, %select_n3A_461 : vector<512x128xi1>, vector<512x128xi32>
    %slice3A_468 = vector.extract_strided_slice %dot_general3A_446 {offsets = [0, 512], sizes = [512, 128], strides = [1, 1]} : vector<512x1024xf32> to vector<512x128xf32>
    %gt3A_469 = arith.cmpf ogt, %slice3A_468, %select_n3A_464 : vector<512x128xf32>
    %select_n3A_470 = arith.select %gt3A_469, %slice3A_468, %select_n3A_464 : vector<512x128xi1>, vector<512x128xf32>
    %jit3A_471 = arith.constant 4 : i32
    %broadcast_in_dim3A_472 = vector.broadcast %jit3A_471 : i32 to vector<512x128xi32>
    %select_n3A_473 = arith.select %gt3A_469, %broadcast_in_dim3A_472, %select_n3A_467 : vector<512x128xi1>, vector<512x128xi32>
    %slice3A_474 = vector.extract_strided_slice %dot_general3A_446 {offsets = [0, 640], sizes = [512, 128], strides = [1, 1]} : vector<512x1024xf32> to vector<512x128xf32>
    %gt3A_475 = arith.cmpf ogt, %slice3A_474, %select_n3A_470 : vector<512x128xf32>
    %select_n3A_476 = arith.select %gt3A_475, %slice3A_474, %select_n3A_470 : vector<512x128xi1>, vector<512x128xf32>
    %jit3A_477 = arith.constant 5 : i32
    %broadcast_in_dim3A_478 = vector.broadcast %jit3A_477 : i32 to vector<512x128xi32>
    %select_n3A_479 = arith.select %gt3A_475, %broadcast_in_dim3A_478, %select_n3A_473 : vector<512x128xi1>, vector<512x128xi32>
    %slice3A_480 = vector.extract_strided_slice %dot_general3A_446 {offsets = [0, 768], sizes = [512, 128], strides = [1, 1]} : vector<512x1024xf32> to vector<512x128xf32>
    %gt3A_481 = arith.cmpf ogt, %slice3A_480, %select_n3A_476 : vector<512x128xf32>
    %select_n3A_482 = arith.select %gt3A_481, %slice3A_480, %select_n3A_476 : vector<512x128xi1>, vector<512x128xf32>
    %jit3A_483 = arith.constant 6 : i32
    %broadcast_in_dim3A_484 = vector.broadcast %jit3A_483 : i32 to vector<512x128xi32>
    %select_n3A_485 = arith.select %gt3A_481, %broadcast_in_dim3A_484, %select_n3A_479 : vector<512x128xi1>, vector<512x128xi32>
    %slice3A_486 = vector.extract_strided_slice %dot_general3A_446 {offsets = [0, 896], sizes = [512, 128], strides = [1, 1]} : vector<512x1024xf32> to vector<512x128xf32>
    %gt3A_487 = arith.cmpf ogt, %slice3A_486, %select_n3A_482 : vector<512x128xf32>
    %select_n3A_488 = arith.select %gt3A_487, %slice3A_486, %select_n3A_482 : vector<512x128xi1>, vector<512x128xf32>
    %jit3A_489 = arith.constant 7 : i32
    %broadcast_in_dim3A_490 = vector.broadcast %jit3A_489 : i32 to vector<512x128xi32>
    %select_n3A_491 = arith.select %gt3A_487, %broadcast_in_dim3A_490, %select_n3A_485 : vector<512x128xi1>, vector<512x128xi32>
    %get3A_492 = arith.constant 1024 : index
    %get3A_493 = arith.constant 0 : index
    %get3A_494 = vector.load %arg4[%get3A_492, %get3A_493] : memref<8192x256xf32, #tpu.memory_space<vmem>>, vector<1024x256xf32>
    %dot_general3A_495 = arith.constant dense<0.000000e+00> : vector<512x1024xf32>
    %dot_general3A_496 = tpu.matmul %slice3A_441, %get3A_494, %dot_general3A_495 {dimension_numbers = #tpu.dot_dimension_numbers<[1], [1], [0], [0], [0, 0, 1, 0], [], []>, transpose_lhs_hint = false} : vector<512x256xf32>, vector<1024x256xf32>, vector<512x1024xf32> -> vector<512x1024xf32>
    %slice3A_497 = vector.extract_strided_slice %dot_general3A_496 {offsets = [0, 0], sizes = [512, 128], strides = [1, 1]} : vector<512x1024xf32> to vector<512x128xf32>
    %gt3A_498 = arith.cmpf ogt, %slice3A_497, %select_n3A_488 : vector<512x128xf32>
    %select_n3A_499 = arith.select %gt3A_498, %slice3A_497, %select_n3A_488 : vector<512x128xi1>, vector<512x128xf32>
    %jit3A_500 = arith.constant 8 : i32
    %broadcast_in_dim3A_501 = vector.broadcast %jit3A_500 : i32 to vector<512x128xi32>
    %select_n3A_502 = arith.select %gt3A_498, %broadcast_in_dim3A_501, %select_n3A_491 : vector<512x128xi1>, vector<512x128xi32>
    %slice3A_503 = vector.extract_strided_slice %dot_general3A_496 {offsets = [0, 128], sizes = [512, 128], strides = [1, 1]} : vector<512x1024xf32> to vector<512x128xf32>
    %gt3A_504 = arith.cmpf ogt, %slice3A_503, %select_n3A_499 : vector<512x128xf32>
    %select_n3A_505 = arith.select %gt3A_504, %slice3A_503, %select_n3A_499 : vector<512x128xi1>, vector<512x128xf32>
    %jit3A_506 = arith.constant 9 : i32
    %broadcast_in_dim3A_507 = vector.broadcast %jit3A_506 : i32 to vector<512x128xi32>
    %select_n3A_508 = arith.select %gt3A_504, %broadcast_in_dim3A_507, %select_n3A_502 : vector<512x128xi1>, vector<512x128xi32>
    %slice3A_509 = vector.extract_strided_slice %dot_general3A_496 {offsets = [0, 256], sizes = [512, 128], strides = [1, 1]} : vector<512x1024xf32> to vector<512x128xf32>
    %gt3A_510 = arith.cmpf ogt, %slice3A_509, %select_n3A_505 : vector<512x128xf32>
    %select_n3A_511 = arith.select %gt3A_510, %slice3A_509, %select_n3A_505 : vector<512x128xi1>, vector<512x128xf32>
    %jit3A_512 = arith.constant 10 : i32
    %broadcast_in_dim3A_513 = vector.broadcast %jit3A_512 : i32 to vector<512x128xi32>
    %select_n3A_514 = arith.select %gt3A_510, %broadcast_in_dim3A_513, %select_n3A_508 : vector<512x128xi1>, vector<512x128xi32>
    %slice3A_515 = vector.extract_strided_slice %dot_general3A_496 {offsets = [0, 384], sizes = [512, 128], strides = [1, 1]} : vector<512x1024xf32> to vector<512x128xf32>
    %gt3A_516 = arith.cmpf ogt, %slice3A_515, %select_n3A_511 : vector<512x128xf32>
    %select_n3A_517 = arith.select %gt3A_516, %slice3A_515, %select_n3A_511 : vector<512x128xi1>, vector<512x128xf32>
    %jit3A_518 = arith.constant 11 : i32
    %broadcast_in_dim3A_519 = vector.broadcast %jit3A_518 : i32 to vector<512x128xi32>
    %select_n3A_520 = arith.select %gt3A_516, %broadcast_in_dim3A_519, %select_n3A_514 : vector<512x128xi1>, vector<512x128xi32>
    %slice3A_521 = vector.extract_strided_slice %dot_general3A_496 {offsets = [0, 512], sizes = [512, 128], strides = [1, 1]} : vector<512x1024xf32> to vector<512x128xf32>
    %gt3A_522 = arith.cmpf ogt, %slice3A_521, %select_n3A_517 : vector<512x128xf32>
    %select_n3A_523 = arith.select %gt3A_522, %slice3A_521, %select_n3A_517 : vector<512x128xi1>, vector<512x128xf32>
    %jit3A_524 = arith.constant 12 : i32
    %broadcast_in_dim3A_525 = vector.broadcast %jit3A_524 : i32 to vector<512x128xi32>
    %select_n3A_526 = arith.select %gt3A_522, %broadcast_in_dim3A_525, %select_n3A_520 : vector<512x128xi1>, vector<512x128xi32>
    %slice3A_527 = vector.extract_strided_slice %dot_general3A_496 {offsets = [0, 640], sizes = [512, 128], strides = [1, 1]} : vector<512x1024xf32> to vector<512x128xf32>
    %gt3A_528 = arith.cmpf ogt, %slice3A_527, %select_n3A_523 : vector<512x128xf32>
    %select_n3A_529 = arith.select %gt3A_528, %slice3A_527, %select_n3A_523 : vector<512x128xi1>, vector<512x128xf32>
    %jit3A_530 = arith.constant 13 : i32
    %broadcast_in_dim3A_531 = vector.broadcast %jit3A_530 : i32 to vector<512x128xi32>
    %select_n3A_532 = arith.select %gt3A_528, %broadcast_in_dim3A_531, %select_n3A_526 : vector<512x128xi1>, vector<512x128xi32>
    %slice3A_533 = vector.extract_strided_slice %dot_general3A_496 {offsets = [0, 768], sizes = [512, 128], strides = [1, 1]} : vector<512x1024xf32> to vector<512x128xf32>
    %gt3A_534 = arith.cmpf ogt, %slice3A_533, %select_n3A_529 : vector<512x128xf32>
    %select_n3A_535 = arith.select %gt3A_534, %slice3A_533, %select_n3A_529 : vector<512x128xi1>, vector<512x128xf32>
    %jit3A_536 = arith.constant 14 : i32
    %broadcast_in_dim3A_537 = vector.broadcast %jit3A_536 : i32 to vector<512x128xi32>
    %select_n3A_538 = arith.select %gt3A_534, %broadcast_in_dim3A_537, %select_n3A_532 : vector<512x128xi1>, vector<512x128xi32>
    %slice3A_539 = vector.extract_strided_slice %dot_general3A_496 {offsets = [0, 896], sizes = [512, 128], strides = [1, 1]} : vector<512x1024xf32> to vector<512x128xf32>
    %gt3A_540 = arith.cmpf ogt, %slice3A_539, %select_n3A_535 : vector<512x128xf32>
    %select_n3A_541 = arith.select %gt3A_540, %slice3A_539, %select_n3A_535 : vector<512x128xi1>, vector<512x128xf32>
    %jit3A_542 = arith.constant 15 : i32
    %broadcast_in_dim3A_543 = vector.broadcast %jit3A_542 : i32 to vector<512x128xi32>
    %select_n3A_544 = arith.select %gt3A_540, %broadcast_in_dim3A_543, %select_n3A_538 : vector<512x128xi1>, vector<512x128xi32>
    %get3A_545 = arith.constant 2048 : index
    %get3A_546 = arith.constant 0 : index
    %get3A_547 = vector.load %arg4[%get3A_545, %get3A_546] : memref<8192x256xf32, #tpu.memory_space<vmem>>, vector<1024x256xf32>
    %dot_general3A_548 = arith.constant dense<0.000000e+00> : vector<512x1024xf32>
    %dot_general3A_549 = tpu.matmul %slice3A_441, %get3A_547, %dot_general3A_548 {dimension_numbers = #tpu.dot_dimension_numbers<[1], [1], [0], [0], [0, 0, 1, 0], [], []>, transpose_lhs_hint = false} : vector<512x256xf32>, vector<1024x256xf32>, vector<512x1024xf32> -> vector<512x1024xf32>
    %slice3A_550 = vector.extract_strided_slice %dot_general3A_549 {offsets = [0, 0], sizes = [512, 128], strides = [1, 1]} : vector<512x1024xf32> to vector<512x128xf32>
    %gt3A_551 = arith.cmpf ogt, %slice3A_550, %select_n3A_541 : vector<512x128xf32>
    %select_n3A_552 = arith.select %gt3A_551, %slice3A_550, %select_n3A_541 : vector<512x128xi1>, vector<512x128xf32>
    %jit3A_553 = arith.constant 16 : i32
    %broadcast_in_dim3A_554 = vector.broadcast %jit3A_553 : i32 to vector<512x128xi32>
    %select_n3A_555 = arith.select %gt3A_551, %broadcast_in_dim3A_554, %select_n3A_544 : vector<512x128xi1>, vector<512x128xi32>
    %slice3A_556 = vector.extract_strided_slice %dot_general3A_549 {offsets = [0, 128], sizes = [512, 128], strides = [1, 1]} : vector<512x1024xf32> to vector<512x128xf32>
    %gt3A_557 = arith.cmpf ogt, %slice3A_556, %select_n3A_552 : vector<512x128xf32>
    %select_n3A_558 = arith.select %gt3A_557, %slice3A_556, %select_n3A_552 : vector<512x128xi1>, vector<512x128xf32>
    %jit3A_559 = arith.constant 17 : i32
    %broadcast_in_dim3A_560 = vector.broadcast %jit3A_559 : i32 to vector<512x128xi32>
    %select_n3A_561 = arith.select %gt3A_557, %broadcast_in_dim3A_560, %select_n3A_555 : vector<512x128xi1>, vector<512x128xi32>
    %slice3A_562 = vector.extract_strided_slice %dot_general3A_549 {offsets = [0, 256], sizes = [512, 128], strides = [1, 1]} : vector<512x1024xf32> to vector<512x128xf32>
    %gt3A_563 = arith.cmpf ogt, %slice3A_562, %select_n3A_558 : vector<512x128xf32>
    %select_n3A_564 = arith.select %gt3A_563, %slice3A_562, %select_n3A_558 : vector<512x128xi1>, vector<512x128xf32>
    %jit3A_565 = arith.constant 18 : i32
    %broadcast_in_dim3A_566 = vector.broadcast %jit3A_565 : i32 to vector<512x128xi32>
    %select_n3A_567 = arith.select %gt3A_563, %broadcast_in_dim3A_566, %select_n3A_561 : vector<512x128xi1>, vector<512x128xi32>
    %slice3A_568 = vector.extract_strided_slice %dot_general3A_549 {offsets = [0, 384], sizes = [512, 128], strides = [1, 1]} : vector<512x1024xf32> to vector<512x128xf32>
    %gt3A_569 = arith.cmpf ogt, %slice3A_568, %select_n3A_564 : vector<512x128xf32>
    %select_n3A_570 = arith.select %gt3A_569, %slice3A_568, %select_n3A_564 : vector<512x128xi1>, vector<512x128xf32>
    %jit3A_571 = arith.constant 19 : i32
    %broadcast_in_dim3A_572 = vector.broadcast %jit3A_571 : i32 to vector<512x128xi32>
    %select_n3A_573 = arith.select %gt3A_569, %broadcast_in_dim3A_572, %select_n3A_567 : vector<512x128xi1>, vector<512x128xi32>
    %slice3A_574 = vector.extract_strided_slice %dot_general3A_549 {offsets = [0, 512], sizes = [512, 128], strides = [1, 1]} : vector<512x1024xf32> to vector<512x128xf32>
    %gt3A_575 = arith.cmpf ogt, %slice3A_574, %select_n3A_570 : vector<512x128xf32>
    %select_n3A_576 = arith.select %gt3A_575, %slice3A_574, %select_n3A_570 : vector<512x128xi1>, vector<512x128xf32>
    %jit3A_577 = arith.constant 20 : i32
    %broadcast_in_dim3A_578 = vector.broadcast %jit3A_577 : i32 to vector<512x128xi32>
    %select_n3A_579 = arith.select %gt3A_575, %broadcast_in_dim3A_578, %select_n3A_573 : vector<512x128xi1>, vector<512x128xi32>
    %slice3A_580 = vector.extract_strided_slice %dot_general3A_549 {offsets = [0, 640], sizes = [512, 128], strides = [1, 1]} : vector<512x1024xf32> to vector<512x128xf32>
    %gt3A_581 = arith.cmpf ogt, %slice3A_580, %select_n3A_576 : vector<512x128xf32>
    %select_n3A_582 = arith.select %gt3A_581, %slice3A_580, %select_n3A_576 : vector<512x128xi1>, vector<512x128xf32>
    %jit3A_583 = arith.constant 21 : i32
    %broadcast_in_dim3A_584 = vector.broadcast %jit3A_583 : i32 to vector<512x128xi32>
    %select_n3A_585 = arith.select %gt3A_581, %broadcast_in_dim3A_584, %select_n3A_579 : vector<512x128xi1>, vector<512x128xi32>
    %slice3A_586 = vector.extract_strided_slice %dot_general3A_549 {offsets = [0, 768], sizes = [512, 128], strides = [1, 1]} : vector<512x1024xf32> to vector<512x128xf32>
    %gt3A_587 = arith.cmpf ogt, %slice3A_586, %select_n3A_582 : vector<512x128xf32>
    %select_n3A_588 = arith.select %gt3A_587, %slice3A_586, %select_n3A_582 : vector<512x128xi1>, vector<512x128xf32>
    %jit3A_589 = arith.constant 22 : i32
    %broadcast_in_dim3A_590 = vector.broadcast %jit3A_589 : i32 to vector<512x128xi32>
    %select_n3A_591 = arith.select %gt3A_587, %broadcast_in_dim3A_590, %select_n3A_585 : vector<512x128xi1>, vector<512x128xi32>
    %slice3A_592 = vector.extract_strided_slice %dot_general3A_549 {offsets = [0, 896], sizes = [512, 128], strides = [1, 1]} : vector<512x1024xf32> to vector<512x128xf32>
    %gt3A_593 = arith.cmpf ogt, %slice3A_592, %select_n3A_588 : vector<512x128xf32>
    %select_n3A_594 = arith.select %gt3A_593, %slice3A_592, %select_n3A_588 : vector<512x128xi1>, vector<512x128xf32>
    %jit3A_595 = arith.constant 23 : i32
    %broadcast_in_dim3A_596 = vector.broadcast %jit3A_595 : i32 to vector<512x128xi32>
    %select_n3A_597 = arith.select %gt3A_593, %broadcast_in_dim3A_596, %select_n3A_591 : vector<512x128xi1>, vector<512x128xi32>
    %get3A_598 = arith.constant 3072 : index
    %get3A_599 = arith.constant 0 : index
    %get3A_600 = vector.load %arg4[%get3A_598, %get3A_599] : memref<8192x256xf32, #tpu.memory_space<vmem>>, vector<1024x256xf32>
    %dot_general3A_601 = arith.constant dense<0.000000e+00> : vector<512x1024xf32>
    %dot_general3A_602 = tpu.matmul %slice3A_441, %get3A_600, %dot_general3A_601 {dimension_numbers = #tpu.dot_dimension_numbers<[1], [1], [0], [0], [0, 0, 1, 0], [], []>, transpose_lhs_hint = false} : vector<512x256xf32>, vector<1024x256xf32>, vector<512x1024xf32> -> vector<512x1024xf32>
    %slice3A_603 = vector.extract_strided_slice %dot_general3A_602 {offsets = [0, 0], sizes = [512, 128], strides = [1, 1]} : vector<512x1024xf32> to vector<512x128xf32>
    %gt3A_604 = arith.cmpf ogt, %slice3A_603, %select_n3A_594 : vector<512x128xf32>
    %select_n3A_605 = arith.select %gt3A_604, %slice3A_603, %select_n3A_594 : vector<512x128xi1>, vector<512x128xf32>
    %jit3A_606 = arith.constant 24 : i32
    %broadcast_in_dim3A_607 = vector.broadcast %jit3A_606 : i32 to vector<512x128xi32>
    %select_n3A_608 = arith.select %gt3A_604, %broadcast_in_dim3A_607, %select_n3A_597 : vector<512x128xi1>, vector<512x128xi32>
    %slice3A_609 = vector.extract_strided_slice %dot_general3A_602 {offsets = [0, 128], sizes = [512, 128], strides = [1, 1]} : vector<512x1024xf32> to vector<512x128xf32>
    %gt3A_610 = arith.cmpf ogt, %slice3A_609, %select_n3A_605 : vector<512x128xf32>
    %select_n3A_611 = arith.select %gt3A_610, %slice3A_609, %select_n3A_605 : vector<512x128xi1>, vector<512x128xf32>
    %jit3A_612 = arith.constant 25 : i32
    %broadcast_in_dim3A_613 = vector.broadcast %jit3A_612 : i32 to vector<512x128xi32>
    %select_n3A_614 = arith.select %gt3A_610, %broadcast_in_dim3A_613, %select_n3A_608 : vector<512x128xi1>, vector<512x128xi32>
    %slice3A_615 = vector.extract_strided_slice %dot_general3A_602 {offsets = [0, 256], sizes = [512, 128], strides = [1, 1]} : vector<512x1024xf32> to vector<512x128xf32>
    %gt3A_616 = arith.cmpf ogt, %slice3A_615, %select_n3A_611 : vector<512x128xf32>
    %select_n3A_617 = arith.select %gt3A_616, %slice3A_615, %select_n3A_611 : vector<512x128xi1>, vector<512x128xf32>
    %jit3A_618 = arith.constant 26 : i32
    %broadcast_in_dim3A_619 = vector.broadcast %jit3A_618 : i32 to vector<512x128xi32>
    %select_n3A_620 = arith.select %gt3A_616, %broadcast_in_dim3A_619, %select_n3A_614 : vector<512x128xi1>, vector<512x128xi32>
    %slice3A_621 = vector.extract_strided_slice %dot_general3A_602 {offsets = [0, 384], sizes = [512, 128], strides = [1, 1]} : vector<512x1024xf32> to vector<512x128xf32>
    %gt3A_622 = arith.cmpf ogt, %slice3A_621, %select_n3A_617 : vector<512x128xf32>
    %select_n3A_623 = arith.select %gt3A_622, %slice3A_621, %select_n3A_617 : vector<512x128xi1>, vector<512x128xf32>
    %jit3A_624 = arith.constant 27 : i32
    %broadcast_in_dim3A_625 = vector.broadcast %jit3A_624 : i32 to vector<512x128xi32>
    %select_n3A_626 = arith.select %gt3A_622, %broadcast_in_dim3A_625, %select_n3A_620 : vector<512x128xi1>, vector<512x128xi32>
    %slice3A_627 = vector.extract_strided_slice %dot_general3A_602 {offsets = [0, 512], sizes = [512, 128], strides = [1, 1]} : vector<512x1024xf32> to vector<512x128xf32>
    %gt3A_628 = arith.cmpf ogt, %slice3A_627, %select_n3A_623 : vector<512x128xf32>
    %select_n3A_629 = arith.select %gt3A_628, %slice3A_627, %select_n3A_623 : vector<512x128xi1>, vector<512x128xf32>
    %jit3A_630 = arith.constant 28 : i32
    %broadcast_in_dim3A_631 = vector.broadcast %jit3A_630 : i32 to vector<512x128xi32>
    %select_n3A_632 = arith.select %gt3A_628, %broadcast_in_dim3A_631, %select_n3A_626 : vector<512x128xi1>, vector<512x128xi32>
    %slice3A_633 = vector.extract_strided_slice %dot_general3A_602 {offsets = [0, 640], sizes = [512, 128], strides = [1, 1]} : vector<512x1024xf32> to vector<512x128xf32>
    %gt3A_634 = arith.cmpf ogt, %slice3A_633, %select_n3A_629 : vector<512x128xf32>
    %select_n3A_635 = arith.select %gt3A_634, %slice3A_633, %select_n3A_629 : vector<512x128xi1>, vector<512x128xf32>
    %jit3A_636 = arith.constant 29 : i32
    %broadcast_in_dim3A_637 = vector.broadcast %jit3A_636 : i32 to vector<512x128xi32>
    %select_n3A_638 = arith.select %gt3A_634, %broadcast_in_dim3A_637, %select_n3A_632 : vector<512x128xi1>, vector<512x128xi32>
    %slice3A_639 = vector.extract_strided_slice %dot_general3A_602 {offsets = [0, 768], sizes = [512, 128], strides = [1, 1]} : vector<512x1024xf32> to vector<512x128xf32>
    %gt3A_640 = arith.cmpf ogt, %slice3A_639, %select_n3A_635 : vector<512x128xf32>
    %select_n3A_641 = arith.select %gt3A_640, %slice3A_639, %select_n3A_635 : vector<512x128xi1>, vector<512x128xf32>
    %jit3A_642 = arith.constant 30 : i32
    %broadcast_in_dim3A_643 = vector.broadcast %jit3A_642 : i32 to vector<512x128xi32>
    %select_n3A_644 = arith.select %gt3A_640, %broadcast_in_dim3A_643, %select_n3A_638 : vector<512x128xi1>, vector<512x128xi32>
    %slice3A_645 = vector.extract_strided_slice %dot_general3A_602 {offsets = [0, 896], sizes = [512, 128], strides = [1, 1]} : vector<512x1024xf32> to vector<512x128xf32>
    %gt3A_646 = arith.cmpf ogt, %slice3A_645, %select_n3A_641 : vector<512x128xf32>
    %select_n3A_647 = arith.select %gt3A_646, %slice3A_645, %select_n3A_641 : vector<512x128xi1>, vector<512x128xf32>
    %jit3A_648 = arith.constant 31 : i32
    %broadcast_in_dim3A_649 = vector.broadcast %jit3A_648 : i32 to vector<512x128xi32>
    %select_n3A_650 = arith.select %gt3A_646, %broadcast_in_dim3A_649, %select_n3A_644 : vector<512x128xi1>, vector<512x128xi32>
    %get3A_651 = arith.constant 4096 : index
    %get3A_652 = arith.constant 0 : index
    %get3A_653 = vector.load %arg4[%get3A_651, %get3A_652] : memref<8192x256xf32, #tpu.memory_space<vmem>>, vector<1024x256xf32>
    %dot_general3A_654 = arith.constant dense<0.000000e+00> : vector<512x1024xf32>
    %dot_general3A_655 = tpu.matmul %slice3A_441, %get3A_653, %dot_general3A_654 {dimension_numbers = #tpu.dot_dimension_numbers<[1], [1], [0], [0], [0, 0, 1, 0], [], []>, transpose_lhs_hint = false} : vector<512x256xf32>, vector<1024x256xf32>, vector<512x1024xf32> -> vector<512x1024xf32>
    %slice3A_656 = vector.extract_strided_slice %dot_general3A_655 {offsets = [0, 0], sizes = [512, 128], strides = [1, 1]} : vector<512x1024xf32> to vector<512x128xf32>
    %gt3A_657 = arith.cmpf ogt, %slice3A_656, %select_n3A_647 : vector<512x128xf32>
    %select_n3A_658 = arith.select %gt3A_657, %slice3A_656, %select_n3A_647 : vector<512x128xi1>, vector<512x128xf32>
    %jit3A_659 = arith.constant 32 : i32
    %broadcast_in_dim3A_660 = vector.broadcast %jit3A_659 : i32 to vector<512x128xi32>
    %select_n3A_661 = arith.select %gt3A_657, %broadcast_in_dim3A_660, %select_n3A_650 : vector<512x128xi1>, vector<512x128xi32>
    %slice3A_662 = vector.extract_strided_slice %dot_general3A_655 {offsets = [0, 128], sizes = [512, 128], strides = [1, 1]} : vector<512x1024xf32> to vector<512x128xf32>
    %gt3A_663 = arith.cmpf ogt, %slice3A_662, %select_n3A_658 : vector<512x128xf32>
    %select_n3A_664 = arith.select %gt3A_663, %slice3A_662, %select_n3A_658 : vector<512x128xi1>, vector<512x128xf32>
    %jit3A_665 = arith.constant 33 : i32
    %broadcast_in_dim3A_666 = vector.broadcast %jit3A_665 : i32 to vector<512x128xi32>
    %select_n3A_667 = arith.select %gt3A_663, %broadcast_in_dim3A_666, %select_n3A_661 : vector<512x128xi1>, vector<512x128xi32>
    %slice3A_668 = vector.extract_strided_slice %dot_general3A_655 {offsets = [0, 256], sizes = [512, 128], strides = [1, 1]} : vector<512x1024xf32> to vector<512x128xf32>
    %gt3A_669 = arith.cmpf ogt, %slice3A_668, %select_n3A_664 : vector<512x128xf32>
    %select_n3A_670 = arith.select %gt3A_669, %slice3A_668, %select_n3A_664 : vector<512x128xi1>, vector<512x128xf32>
    %jit3A_671 = arith.constant 34 : i32
    %broadcast_in_dim3A_672 = vector.broadcast %jit3A_671 : i32 to vector<512x128xi32>
    %select_n3A_673 = arith.select %gt3A_669, %broadcast_in_dim3A_672, %select_n3A_667 : vector<512x128xi1>, vector<512x128xi32>
    %slice3A_674 = vector.extract_strided_slice %dot_general3A_655 {offsets = [0, 384], sizes = [512, 128], strides = [1, 1]} : vector<512x1024xf32> to vector<512x128xf32>
    %gt3A_675 = arith.cmpf ogt, %slice3A_674, %select_n3A_670 : vector<512x128xf32>
    %select_n3A_676 = arith.select %gt3A_675, %slice3A_674, %select_n3A_670 : vector<512x128xi1>, vector<512x128xf32>
    %jit3A_677 = arith.constant 35 : i32
    %broadcast_in_dim3A_678 = vector.broadcast %jit3A_677 : i32 to vector<512x128xi32>
    %select_n3A_679 = arith.select %gt3A_675, %broadcast_in_dim3A_678, %select_n3A_673 : vector<512x128xi1>, vector<512x128xi32>
    %slice3A_680 = vector.extract_strided_slice %dot_general3A_655 {offsets = [0, 512], sizes = [512, 128], strides = [1, 1]} : vector<512x1024xf32> to vector<512x128xf32>
    %gt3A_681 = arith.cmpf ogt, %slice3A_680, %select_n3A_676 : vector<512x128xf32>
    %select_n3A_682 = arith.select %gt3A_681, %slice3A_680, %select_n3A_676 : vector<512x128xi1>, vector<512x128xf32>
    %jit3A_683 = arith.constant 36 : i32
    %broadcast_in_dim3A_684 = vector.broadcast %jit3A_683 : i32 to vector<512x128xi32>
    %select_n3A_685 = arith.select %gt3A_681, %broadcast_in_dim3A_684, %select_n3A_679 : vector<512x128xi1>, vector<512x128xi32>
    %slice3A_686 = vector.extract_strided_slice %dot_general3A_655 {offsets = [0, 640], sizes = [512, 128], strides = [1, 1]} : vector<512x1024xf32> to vector<512x128xf32>
    %gt3A_687 = arith.cmpf ogt, %slice3A_686, %select_n3A_682 : vector<512x128xf32>
    %select_n3A_688 = arith.select %gt3A_687, %slice3A_686, %select_n3A_682 : vector<512x128xi1>, vector<512x128xf32>
    %jit3A_689 = arith.constant 37 : i32
    %broadcast_in_dim3A_690 = vector.broadcast %jit3A_689 : i32 to vector<512x128xi32>
    %select_n3A_691 = arith.select %gt3A_687, %broadcast_in_dim3A_690, %select_n3A_685 : vector<512x128xi1>, vector<512x128xi32>
    %slice3A_692 = vector.extract_strided_slice %dot_general3A_655 {offsets = [0, 768], sizes = [512, 128], strides = [1, 1]} : vector<512x1024xf32> to vector<512x128xf32>
    %gt3A_693 = arith.cmpf ogt, %slice3A_692, %select_n3A_688 : vector<512x128xf32>
    %select_n3A_694 = arith.select %gt3A_693, %slice3A_692, %select_n3A_688 : vector<512x128xi1>, vector<512x128xf32>
    %jit3A_695 = arith.constant 38 : i32
    %broadcast_in_dim3A_696 = vector.broadcast %jit3A_695 : i32 to vector<512x128xi32>
    %select_n3A_697 = arith.select %gt3A_693, %broadcast_in_dim3A_696, %select_n3A_691 : vector<512x128xi1>, vector<512x128xi32>
    %slice3A_698 = vector.extract_strided_slice %dot_general3A_655 {offsets = [0, 896], sizes = [512, 128], strides = [1, 1]} : vector<512x1024xf32> to vector<512x128xf32>
    %gt3A_699 = arith.cmpf ogt, %slice3A_698, %select_n3A_694 : vector<512x128xf32>
    %select_n3A_700 = arith.select %gt3A_699, %slice3A_698, %select_n3A_694 : vector<512x128xi1>, vector<512x128xf32>
    %jit3A_701 = arith.constant 39 : i32
    %broadcast_in_dim3A_702 = vector.broadcast %jit3A_701 : i32 to vector<512x128xi32>
    %select_n3A_703 = arith.select %gt3A_699, %broadcast_in_dim3A_702, %select_n3A_697 : vector<512x128xi1>, vector<512x128xi32>
    %get3A_704 = arith.constant 5120 : index
    %get3A_705 = arith.constant 0 : index
    %get3A_706 = vector.load %arg4[%get3A_704, %get3A_705] : memref<8192x256xf32, #tpu.memory_space<vmem>>, vector<1024x256xf32>
    %dot_general3A_707 = arith.constant dense<0.000000e+00> : vector<512x1024xf32>
    %dot_general3A_708 = tpu.matmul %slice3A_441, %get3A_706, %dot_general3A_707 {dimension_numbers = #tpu.dot_dimension_numbers<[1], [1], [0], [0], [0, 0, 1, 0], [], []>, transpose_lhs_hint = false} : vector<512x256xf32>, vector<1024x256xf32>, vector<512x1024xf32> -> vector<512x1024xf32>
    %slice3A_709 = vector.extract_strided_slice %dot_general3A_708 {offsets = [0, 0], sizes = [512, 128], strides = [1, 1]} : vector<512x1024xf32> to vector<512x128xf32>
    %gt3A_710 = arith.cmpf ogt, %slice3A_709, %select_n3A_700 : vector<512x128xf32>
    %select_n3A_711 = arith.select %gt3A_710, %slice3A_709, %select_n3A_700 : vector<512x128xi1>, vector<512x128xf32>
    %jit3A_712 = arith.constant 40 : i32
    %broadcast_in_dim3A_713 = vector.broadcast %jit3A_712 : i32 to vector<512x128xi32>
    %select_n3A_714 = arith.select %gt3A_710, %broadcast_in_dim3A_713, %select_n3A_703 : vector<512x128xi1>, vector<512x128xi32>
    %slice3A_715 = vector.extract_strided_slice %dot_general3A_708 {offsets = [0, 128], sizes = [512, 128], strides = [1, 1]} : vector<512x1024xf32> to vector<512x128xf32>
    %gt3A_716 = arith.cmpf ogt, %slice3A_715, %select_n3A_711 : vector<512x128xf32>
    %select_n3A_717 = arith.select %gt3A_716, %slice3A_715, %select_n3A_711 : vector<512x128xi1>, vector<512x128xf32>
    %jit3A_718 = arith.constant 41 : i32
    %broadcast_in_dim3A_719 = vector.broadcast %jit3A_718 : i32 to vector<512x128xi32>
    %select_n3A_720 = arith.select %gt3A_716, %broadcast_in_dim3A_719, %select_n3A_714 : vector<512x128xi1>, vector<512x128xi32>
    %slice3A_721 = vector.extract_strided_slice %dot_general3A_708 {offsets = [0, 256], sizes = [512, 128], strides = [1, 1]} : vector<512x1024xf32> to vector<512x128xf32>
    %gt3A_722 = arith.cmpf ogt, %slice3A_721, %select_n3A_717 : vector<512x128xf32>
    %select_n3A_723 = arith.select %gt3A_722, %slice3A_721, %select_n3A_717 : vector<512x128xi1>, vector<512x128xf32>
    %jit3A_724 = arith.constant 42 : i32
    %broadcast_in_dim3A_725 = vector.broadcast %jit3A_724 : i32 to vector<512x128xi32>
    %select_n3A_726 = arith.select %gt3A_722, %broadcast_in_dim3A_725, %select_n3A_720 : vector<512x128xi1>, vector<512x128xi32>
    %slice3A_727 = vector.extract_strided_slice %dot_general3A_708 {offsets = [0, 384], sizes = [512, 128], strides = [1, 1]} : vector<512x1024xf32> to vector<512x128xf32>
    %gt3A_728 = arith.cmpf ogt, %slice3A_727, %select_n3A_723 : vector<512x128xf32>
    %select_n3A_729 = arith.select %gt3A_728, %slice3A_727, %select_n3A_723 : vector<512x128xi1>, vector<512x128xf32>
    %jit3A_730 = arith.constant 43 : i32
    %broadcast_in_dim3A_731 = vector.broadcast %jit3A_730 : i32 to vector<512x128xi32>
    %select_n3A_732 = arith.select %gt3A_728, %broadcast_in_dim3A_731, %select_n3A_726 : vector<512x128xi1>, vector<512x128xi32>
    %slice3A_733 = vector.extract_strided_slice %dot_general3A_708 {offsets = [0, 512], sizes = [512, 128], strides = [1, 1]} : vector<512x1024xf32> to vector<512x128xf32>
    %gt3A_734 = arith.cmpf ogt, %slice3A_733, %select_n3A_729 : vector<512x128xf32>
    %select_n3A_735 = arith.select %gt3A_734, %slice3A_733, %select_n3A_729 : vector<512x128xi1>, vector<512x128xf32>
    %jit3A_736 = arith.constant 44 : i32
    %broadcast_in_dim3A_737 = vector.broadcast %jit3A_736 : i32 to vector<512x128xi32>
    %select_n3A_738 = arith.select %gt3A_734, %broadcast_in_dim3A_737, %select_n3A_732 : vector<512x128xi1>, vector<512x128xi32>
    %slice3A_739 = vector.extract_strided_slice %dot_general3A_708 {offsets = [0, 640], sizes = [512, 128], strides = [1, 1]} : vector<512x1024xf32> to vector<512x128xf32>
    %gt3A_740 = arith.cmpf ogt, %slice3A_739, %select_n3A_735 : vector<512x128xf32>
    %select_n3A_741 = arith.select %gt3A_740, %slice3A_739, %select_n3A_735 : vector<512x128xi1>, vector<512x128xf32>
    %jit3A_742 = arith.constant 45 : i32
    %broadcast_in_dim3A_743 = vector.broadcast %jit3A_742 : i32 to vector<512x128xi32>
    %select_n3A_744 = arith.select %gt3A_740, %broadcast_in_dim3A_743, %select_n3A_738 : vector<512x128xi1>, vector<512x128xi32>
    %slice3A_745 = vector.extract_strided_slice %dot_general3A_708 {offsets = [0, 768], sizes = [512, 128], strides = [1, 1]} : vector<512x1024xf32> to vector<512x128xf32>
    %gt3A_746 = arith.cmpf ogt, %slice3A_745, %select_n3A_741 : vector<512x128xf32>
    %select_n3A_747 = arith.select %gt3A_746, %slice3A_745, %select_n3A_741 : vector<512x128xi1>, vector<512x128xf32>
    %jit3A_748 = arith.constant 46 : i32
    %broadcast_in_dim3A_749 = vector.broadcast %jit3A_748 : i32 to vector<512x128xi32>
    %select_n3A_750 = arith.select %gt3A_746, %broadcast_in_dim3A_749, %select_n3A_744 : vector<512x128xi1>, vector<512x128xi32>
    %slice3A_751 = vector.extract_strided_slice %dot_general3A_708 {offsets = [0, 896], sizes = [512, 128], strides = [1, 1]} : vector<512x1024xf32> to vector<512x128xf32>
    %gt3A_752 = arith.cmpf ogt, %slice3A_751, %select_n3A_747 : vector<512x128xf32>
    %select_n3A_753 = arith.select %gt3A_752, %slice3A_751, %select_n3A_747 : vector<512x128xi1>, vector<512x128xf32>
    %jit3A_754 = arith.constant 47 : i32
    %broadcast_in_dim3A_755 = vector.broadcast %jit3A_754 : i32 to vector<512x128xi32>
    %select_n3A_756 = arith.select %gt3A_752, %broadcast_in_dim3A_755, %select_n3A_750 : vector<512x128xi1>, vector<512x128xi32>
    %get3A_757 = arith.constant 6144 : index
    %get3A_758 = arith.constant 0 : index
    %get3A_759 = vector.load %arg4[%get3A_757, %get3A_758] : memref<8192x256xf32, #tpu.memory_space<vmem>>, vector<1024x256xf32>
    %dot_general3A_760 = arith.constant dense<0.000000e+00> : vector<512x1024xf32>
    %dot_general3A_761 = tpu.matmul %slice3A_441, %get3A_759, %dot_general3A_760 {dimension_numbers = #tpu.dot_dimension_numbers<[1], [1], [0], [0], [0, 0, 1, 0], [], []>, transpose_lhs_hint = false} : vector<512x256xf32>, vector<1024x256xf32>, vector<512x1024xf32> -> vector<512x1024xf32>
    %slice3A_762 = vector.extract_strided_slice %dot_general3A_761 {offsets = [0, 0], sizes = [512, 128], strides = [1, 1]} : vector<512x1024xf32> to vector<512x128xf32>
    %gt3A_763 = arith.cmpf ogt, %slice3A_762, %select_n3A_753 : vector<512x128xf32>
    %select_n3A_764 = arith.select %gt3A_763, %slice3A_762, %select_n3A_753 : vector<512x128xi1>, vector<512x128xf32>
    %jit3A_765 = arith.constant 48 : i32
    %broadcast_in_dim3A_766 = vector.broadcast %jit3A_765 : i32 to vector<512x128xi32>
    %select_n3A_767 = arith.select %gt3A_763, %broadcast_in_dim3A_766, %select_n3A_756 : vector<512x128xi1>, vector<512x128xi32>
    %slice3A_768 = vector.extract_strided_slice %dot_general3A_761 {offsets = [0, 128], sizes = [512, 128], strides = [1, 1]} : vector<512x1024xf32> to vector<512x128xf32>
    %gt3A_769 = arith.cmpf ogt, %slice3A_768, %select_n3A_764 : vector<512x128xf32>
    %select_n3A_770 = arith.select %gt3A_769, %slice3A_768, %select_n3A_764 : vector<512x128xi1>, vector<512x128xf32>
    %jit3A_771 = arith.constant 49 : i32
    %broadcast_in_dim3A_772 = vector.broadcast %jit3A_771 : i32 to vector<512x128xi32>
    %select_n3A_773 = arith.select %gt3A_769, %broadcast_in_dim3A_772, %select_n3A_767 : vector<512x128xi1>, vector<512x128xi32>
    %slice3A_774 = vector.extract_strided_slice %dot_general3A_761 {offsets = [0, 256], sizes = [512, 128], strides = [1, 1]} : vector<512x1024xf32> to vector<512x128xf32>
    %gt3A_775 = arith.cmpf ogt, %slice3A_774, %select_n3A_770 : vector<512x128xf32>
    %select_n3A_776 = arith.select %gt3A_775, %slice3A_774, %select_n3A_770 : vector<512x128xi1>, vector<512x128xf32>
    %jit3A_777 = arith.constant 50 : i32
    %broadcast_in_dim3A_778 = vector.broadcast %jit3A_777 : i32 to vector<512x128xi32>
    %select_n3A_779 = arith.select %gt3A_775, %broadcast_in_dim3A_778, %select_n3A_773 : vector<512x128xi1>, vector<512x128xi32>
    %slice3A_780 = vector.extract_strided_slice %dot_general3A_761 {offsets = [0, 384], sizes = [512, 128], strides = [1, 1]} : vector<512x1024xf32> to vector<512x128xf32>
    %gt3A_781 = arith.cmpf ogt, %slice3A_780, %select_n3A_776 : vector<512x128xf32>
    %select_n3A_782 = arith.select %gt3A_781, %slice3A_780, %select_n3A_776 : vector<512x128xi1>, vector<512x128xf32>
    %jit3A_783 = arith.constant 51 : i32
    %broadcast_in_dim3A_784 = vector.broadcast %jit3A_783 : i32 to vector<512x128xi32>
    %select_n3A_785 = arith.select %gt3A_781, %broadcast_in_dim3A_784, %select_n3A_779 : vector<512x128xi1>, vector<512x128xi32>
    %slice3A_786 = vector.extract_strided_slice %dot_general3A_761 {offsets = [0, 512], sizes = [512, 128], strides = [1, 1]} : vector<512x1024xf32> to vector<512x128xf32>
    %gt3A_787 = arith.cmpf ogt, %slice3A_786, %select_n3A_782 : vector<512x128xf32>
    %select_n3A_788 = arith.select %gt3A_787, %slice3A_786, %select_n3A_782 : vector<512x128xi1>, vector<512x128xf32>
    %jit3A_789 = arith.constant 52 : i32
    %broadcast_in_dim3A_790 = vector.broadcast %jit3A_789 : i32 to vector<512x128xi32>
    %select_n3A_791 = arith.select %gt3A_787, %broadcast_in_dim3A_790, %select_n3A_785 : vector<512x128xi1>, vector<512x128xi32>
    %slice3A_792 = vector.extract_strided_slice %dot_general3A_761 {offsets = [0, 640], sizes = [512, 128], strides = [1, 1]} : vector<512x1024xf32> to vector<512x128xf32>
    %gt3A_793 = arith.cmpf ogt, %slice3A_792, %select_n3A_788 : vector<512x128xf32>
    %select_n3A_794 = arith.select %gt3A_793, %slice3A_792, %select_n3A_788 : vector<512x128xi1>, vector<512x128xf32>
    %jit3A_795 = arith.constant 53 : i32
    %broadcast_in_dim3A_796 = vector.broadcast %jit3A_795 : i32 to vector<512x128xi32>
    %select_n3A_797 = arith.select %gt3A_793, %broadcast_in_dim3A_796, %select_n3A_791 : vector<512x128xi1>, vector<512x128xi32>
    %slice3A_798 = vector.extract_strided_slice %dot_general3A_761 {offsets = [0, 768], sizes = [512, 128], strides = [1, 1]} : vector<512x1024xf32> to vector<512x128xf32>
    %gt3A_799 = arith.cmpf ogt, %slice3A_798, %select_n3A_794 : vector<512x128xf32>
    %select_n3A_800 = arith.select %gt3A_799, %slice3A_798, %select_n3A_794 : vector<512x128xi1>, vector<512x128xf32>
    %jit3A_801 = arith.constant 54 : i32
    %broadcast_in_dim3A_802 = vector.broadcast %jit3A_801 : i32 to vector<512x128xi32>
    %select_n3A_803 = arith.select %gt3A_799, %broadcast_in_dim3A_802, %select_n3A_797 : vector<512x128xi1>, vector<512x128xi32>
    %slice3A_804 = vector.extract_strided_slice %dot_general3A_761 {offsets = [0, 896], sizes = [512, 128], strides = [1, 1]} : vector<512x1024xf32> to vector<512x128xf32>
    %gt3A_805 = arith.cmpf ogt, %slice3A_804, %select_n3A_800 : vector<512x128xf32>
    %select_n3A_806 = arith.select %gt3A_805, %slice3A_804, %select_n3A_800 : vector<512x128xi1>, vector<512x128xf32>
    %jit3A_807 = arith.constant 55 : i32
    %broadcast_in_dim3A_808 = vector.broadcast %jit3A_807 : i32 to vector<512x128xi32>
    %select_n3A_809 = arith.select %gt3A_805, %broadcast_in_dim3A_808, %select_n3A_803 : vector<512x128xi1>, vector<512x128xi32>
    %get3A_810 = arith.constant 7168 : index
    %get3A_811 = arith.constant 0 : index
    %get3A_812 = vector.load %arg4[%get3A_810, %get3A_811] : memref<8192x256xf32, #tpu.memory_space<vmem>>, vector<1024x256xf32>
    %dot_general3A_813 = arith.constant dense<0.000000e+00> : vector<512x1024xf32>
    %dot_general3A_814 = tpu.matmul %slice3A_441, %get3A_812, %dot_general3A_813 {dimension_numbers = #tpu.dot_dimension_numbers<[1], [1], [0], [0], [0, 0, 1, 0], [], []>, transpose_lhs_hint = false} : vector<512x256xf32>, vector<1024x256xf32>, vector<512x1024xf32> -> vector<512x1024xf32>
    %slice3A_815 = vector.extract_strided_slice %dot_general3A_814 {offsets = [0, 0], sizes = [512, 128], strides = [1, 1]} : vector<512x1024xf32> to vector<512x128xf32>
    %gt3A_816 = arith.cmpf ogt, %slice3A_815, %select_n3A_806 : vector<512x128xf32>
    %select_n3A_817 = arith.select %gt3A_816, %slice3A_815, %select_n3A_806 : vector<512x128xi1>, vector<512x128xf32>
    %jit3A_818 = arith.constant 56 : i32
    %broadcast_in_dim3A_819 = vector.broadcast %jit3A_818 : i32 to vector<512x128xi32>
    %select_n3A_820 = arith.select %gt3A_816, %broadcast_in_dim3A_819, %select_n3A_809 : vector<512x128xi1>, vector<512x128xi32>
    %slice3A_821 = vector.extract_strided_slice %dot_general3A_814 {offsets = [0, 128], sizes = [512, 128], strides = [1, 1]} : vector<512x1024xf32> to vector<512x128xf32>
    %gt3A_822 = arith.cmpf ogt, %slice3A_821, %select_n3A_817 : vector<512x128xf32>
    %select_n3A_823 = arith.select %gt3A_822, %slice3A_821, %select_n3A_817 : vector<512x128xi1>, vector<512x128xf32>
    %jit3A_824 = arith.constant 57 : i32
    %broadcast_in_dim3A_825 = vector.broadcast %jit3A_824 : i32 to vector<512x128xi32>
    %select_n3A_826 = arith.select %gt3A_822, %broadcast_in_dim3A_825, %select_n3A_820 : vector<512x128xi1>, vector<512x128xi32>
    %slice3A_827 = vector.extract_strided_slice %dot_general3A_814 {offsets = [0, 256], sizes = [512, 128], strides = [1, 1]} : vector<512x1024xf32> to vector<512x128xf32>
    %gt3A_828 = arith.cmpf ogt, %slice3A_827, %select_n3A_823 : vector<512x128xf32>
    %select_n3A_829 = arith.select %gt3A_828, %slice3A_827, %select_n3A_823 : vector<512x128xi1>, vector<512x128xf32>
    %jit3A_830 = arith.constant 58 : i32
    %broadcast_in_dim3A_831 = vector.broadcast %jit3A_830 : i32 to vector<512x128xi32>
    %select_n3A_832 = arith.select %gt3A_828, %broadcast_in_dim3A_831, %select_n3A_826 : vector<512x128xi1>, vector<512x128xi32>
    %slice3A_833 = vector.extract_strided_slice %dot_general3A_814 {offsets = [0, 384], sizes = [512, 128], strides = [1, 1]} : vector<512x1024xf32> to vector<512x128xf32>
    %gt3A_834 = arith.cmpf ogt, %slice3A_833, %select_n3A_829 : vector<512x128xf32>
    %select_n3A_835 = arith.select %gt3A_834, %slice3A_833, %select_n3A_829 : vector<512x128xi1>, vector<512x128xf32>
    %jit3A_836 = arith.constant 59 : i32
    %broadcast_in_dim3A_837 = vector.broadcast %jit3A_836 : i32 to vector<512x128xi32>
    %select_n3A_838 = arith.select %gt3A_834, %broadcast_in_dim3A_837, %select_n3A_832 : vector<512x128xi1>, vector<512x128xi32>
    %slice3A_839 = vector.extract_strided_slice %dot_general3A_814 {offsets = [0, 512], sizes = [512, 128], strides = [1, 1]} : vector<512x1024xf32> to vector<512x128xf32>
    %gt3A_840 = arith.cmpf ogt, %slice3A_839, %select_n3A_835 : vector<512x128xf32>
    %select_n3A_841 = arith.select %gt3A_840, %slice3A_839, %select_n3A_835 : vector<512x128xi1>, vector<512x128xf32>
    %jit3A_842 = arith.constant 60 : i32
    %broadcast_in_dim3A_843 = vector.broadcast %jit3A_842 : i32 to vector<512x128xi32>
    %select_n3A_844 = arith.select %gt3A_840, %broadcast_in_dim3A_843, %select_n3A_838 : vector<512x128xi1>, vector<512x128xi32>
    %slice3A_845 = vector.extract_strided_slice %dot_general3A_814 {offsets = [0, 640], sizes = [512, 128], strides = [1, 1]} : vector<512x1024xf32> to vector<512x128xf32>
    %gt3A_846 = arith.cmpf ogt, %slice3A_845, %select_n3A_841 : vector<512x128xf32>
    %select_n3A_847 = arith.select %gt3A_846, %slice3A_845, %select_n3A_841 : vector<512x128xi1>, vector<512x128xf32>
    %jit3A_848 = arith.constant 61 : i32
    %broadcast_in_dim3A_849 = vector.broadcast %jit3A_848 : i32 to vector<512x128xi32>
    %select_n3A_850 = arith.select %gt3A_846, %broadcast_in_dim3A_849, %select_n3A_844 : vector<512x128xi1>, vector<512x128xi32>
    %slice3A_851 = vector.extract_strided_slice %dot_general3A_814 {offsets = [0, 768], sizes = [512, 128], strides = [1, 1]} : vector<512x1024xf32> to vector<512x128xf32>
    %gt3A_852 = arith.cmpf ogt, %slice3A_851, %select_n3A_847 : vector<512x128xf32>
    %select_n3A_853 = arith.select %gt3A_852, %slice3A_851, %select_n3A_847 : vector<512x128xi1>, vector<512x128xf32>
    %jit3A_854 = arith.constant 62 : i32
    %broadcast_in_dim3A_855 = vector.broadcast %jit3A_854 : i32 to vector<512x128xi32>
    %select_n3A_856 = arith.select %gt3A_852, %broadcast_in_dim3A_855, %select_n3A_850 : vector<512x128xi1>, vector<512x128xi32>
    %slice3A_857 = vector.extract_strided_slice %dot_general3A_814 {offsets = [0, 896], sizes = [512, 128], strides = [1, 1]} : vector<512x1024xf32> to vector<512x128xf32>
    %gt3A_858 = arith.cmpf ogt, %slice3A_857, %select_n3A_853 : vector<512x128xf32>
    %select_n3A_859 = arith.select %gt3A_858, %slice3A_857, %select_n3A_853 : vector<512x128xi1>, vector<512x128xf32>
    %jit3A_860 = arith.constant 63 : i32
    %broadcast_in_dim3A_861 = vector.broadcast %jit3A_860 : i32 to vector<512x128xi32>
    %select_n3A_862 = arith.select %gt3A_858, %broadcast_in_dim3A_861, %select_n3A_856 : vector<512x128xi1>, vector<512x128xi32>
    %mul3A_863 = arith.constant 128 : i32
    %mul3A_864 = vector.broadcast %mul3A_863 : i32 to vector<512x128xi32>
    %mul3A_865 = arith.muli %select_n3A_862, %mul3A_864 : vector<512x128xi32>
    %add3A_866 = arith.addi %mul3A_865, %iota3A : vector<512x128xi32>
    %reduce_max3A_867 = arith.constant dense<0xFF800000> : vector<512xf32>
    %reduce_max3A_868 = vector.multi_reduction <maximumf>, %select_n3A_859, %reduce_max3A_867 [1] : vector<512x128xf32> to vector<512xf32>
    %broadcast_in_dim3A_869 = vector.shape_cast %reduce_max3A_868 : vector<512xf32> to vector<512x1xf32>
    %eq3A_870 = vector.broadcast %broadcast_in_dim3A_869 : vector<512x1xf32> to vector<512x128xf32>
    %eq3A_871 = arith.cmpf oeq, %select_n3A_859, %eq3A_870 : vector<512x128xf32>
    %jit3A_872 = arith.constant 8192 : i32
    %broadcast_in_dim3A_873 = vector.broadcast %jit3A_872 : i32 to vector<512x128xi32>
    %select_n3A_874 = arith.select %eq3A_871, %add3A_866, %broadcast_in_dim3A_873 : vector<512x128xi1>, vector<512x128xi32>
    %reduce_min3A_875 = arith.constant dense<2147483647> : vector<512xi32>
    %reduce_min3A_876 = vector.multi_reduction <minsi>, %select_n3A_874, %reduce_min3A_875 [1] : vector<512x128xi32> to vector<512xi32>
    %swap3A_877 = arith.constant 0 : index
    %swap3A_878 = arith.constant 0 : index
    %swap3A_879 = arith.constant 512 : index
    %swap3A_880 = vector.load %arg3[%swap3A_877, %swap3A_878, %swap3A_879] : memref<1x1x2048xi32, #tpu.memory_space<vmem>>, vector<1x1x512xi32>
    %swap3A_881 = vector.shape_cast %swap3A_880 : vector<1x1x512xi32> to vector<512xi32>
    %swap3A_882 = vector.shape_cast %reduce_min3A_876 : vector<512xi32> to vector<1x1x512xi32>
    tpu.vector_store %arg3[%swap3A_877, %swap3A_878, %swap3A_879], %swap3A_882 {strides = array<i32>} : memref<1x1x2048xi32, #tpu.memory_space<vmem>>, vector<1x1x512xi32>,
    %slice3A_883 = vector.extract_strided_slice %div3A_7 {offsets = [1024, 0], sizes = [512, 256], strides = [1, 1]} : vector<2048x256xf32> to vector<512x256xf32>
    %get3A_884 = arith.constant 0 : index
    %get3A_885 = arith.constant 0 : index
    %get3A_886 = vector.load %arg4[%get3A_884, %get3A_885] : memref<8192x256xf32, #tpu.memory_space<vmem>>, vector<1024x256xf32>
    %dot_general3A_887 = arith.constant dense<0.000000e+00> : vector<512x1024xf32>
    %dot_general3A_888 = tpu.matmul %slice3A_883, %get3A_886, %dot_general3A_887 {dimension_numbers = #tpu.dot_dimension_numbers<[1], [1], [0], [0], [0, 0, 1, 0], [], []>, transpose_lhs_hint = false} : vector<512x256xf32>, vector<1024x256xf32>, vector<512x1024xf32> -> vector<512x1024xf32>
    %slice3A_889 = vector.extract_strided_slice %dot_general3A_888 {offsets = [0, 0], sizes = [512, 128], strides = [1, 1]} : vector<512x1024xf32> to vector<512x128xf32>
    %broadcast_in_dim3A_890 = arith.constant 0 : i32
    %broadcast_in_dim3A_891 = vector.broadcast %broadcast_in_dim3A_890 : i32 to vector<512x128xi32>
    %slice3A_892 = vector.extract_strided_slice %dot_general3A_888 {offsets = [0, 128], sizes = [512, 128], strides = [1, 1]} : vector<512x1024xf32> to vector<512x128xf32>
    %gt3A_893 = arith.cmpf ogt, %slice3A_892, %slice3A_889 : vector<512x128xf32>
    %select_n3A_894 = arith.select %gt3A_893, %slice3A_892, %slice3A_889 : vector<512x128xi1>, vector<512x128xf32>
    %jit3A_895 = arith.constant 1 : i32
    %broadcast_in_dim3A_896 = vector.broadcast %jit3A_895 : i32 to vector<512x128xi32>
    %select_n3A_897 = arith.select %gt3A_893, %broadcast_in_dim3A_896, %broadcast_in_dim3A_891 : vector<512x128xi1>, vector<512x128xi32>
    %slice3A_898 = vector.extract_strided_slice %dot_general3A_888 {offsets = [0, 256], sizes = [512, 128], strides = [1, 1]} : vector<512x1024xf32> to vector<512x128xf32>
    %gt3A_899 = arith.cmpf ogt, %slice3A_898, %select_n3A_894 : vector<512x128xf32>
    %select_n3A_900 = arith.select %gt3A_899, %slice3A_898, %select_n3A_894 : vector<512x128xi1>, vector<512x128xf32>
    %jit3A_901 = arith.constant 2 : i32
    %broadcast_in_dim3A_902 = vector.broadcast %jit3A_901 : i32 to vector<512x128xi32>
    %select_n3A_903 = arith.select %gt3A_899, %broadcast_in_dim3A_902, %select_n3A_897 : vector<512x128xi1>, vector<512x128xi32>
    %slice3A_904 = vector.extract_strided_slice %dot_general3A_888 {offsets = [0, 384], sizes = [512, 128], strides = [1, 1]} : vector<512x1024xf32> to vector<512x128xf32>
    %gt3A_905 = arith.cmpf ogt, %slice3A_904, %select_n3A_900 : vector<512x128xf32>
    %select_n3A_906 = arith.select %gt3A_905, %slice3A_904, %select_n3A_900 : vector<512x128xi1>, vector<512x128xf32>
    %jit3A_907 = arith.constant 3 : i32
    %broadcast_in_dim3A_908 = vector.broadcast %jit3A_907 : i32 to vector<512x128xi32>
    %select_n3A_909 = arith.select %gt3A_905, %broadcast_in_dim3A_908, %select_n3A_903 : vector<512x128xi1>, vector<512x128xi32>
    %slice3A_910 = vector.extract_strided_slice %dot_general3A_888 {offsets = [0, 512], sizes = [512, 128], strides = [1, 1]} : vector<512x1024xf32> to vector<512x128xf32>
    %gt3A_911 = arith.cmpf ogt, %slice3A_910, %select_n3A_906 : vector<512x128xf32>
    %select_n3A_912 = arith.select %gt3A_911, %slice3A_910, %select_n3A_906 : vector<512x128xi1>, vector<512x128xf32>
    %jit3A_913 = arith.constant 4 : i32
    %broadcast_in_dim3A_914 = vector.broadcast %jit3A_913 : i32 to vector<512x128xi32>
    %select_n3A_915 = arith.select %gt3A_911, %broadcast_in_dim3A_914, %select_n3A_909 : vector<512x128xi1>, vector<512x128xi32>
    %slice3A_916 = vector.extract_strided_slice %dot_general3A_888 {offsets = [0, 640], sizes = [512, 128], strides = [1, 1]} : vector<512x1024xf32> to vector<512x128xf32>
    %gt3A_917 = arith.cmpf ogt, %slice3A_916, %select_n3A_912 : vector<512x128xf32>
    %select_n3A_918 = arith.select %gt3A_917, %slice3A_916, %select_n3A_912 : vector<512x128xi1>, vector<512x128xf32>
    %jit3A_919 = arith.constant 5 : i32
    %broadcast_in_dim3A_920 = vector.broadcast %jit3A_919 : i32 to vector<512x128xi32>
    %select_n3A_921 = arith.select %gt3A_917, %broadcast_in_dim3A_920, %select_n3A_915 : vector<512x128xi1>, vector<512x128xi32>
    %slice3A_922 = vector.extract_strided_slice %dot_general3A_888 {offsets = [0, 768], sizes = [512, 128], strides = [1, 1]} : vector<512x1024xf32> to vector<512x128xf32>
    %gt3A_923 = arith.cmpf ogt, %slice3A_922, %select_n3A_918 : vector<512x128xf32>
    %select_n3A_924 = arith.select %gt3A_923, %slice3A_922, %select_n3A_918 : vector<512x128xi1>, vector<512x128xf32>
    %jit3A_925 = arith.constant 6 : i32
    %broadcast_in_dim3A_926 = vector.broadcast %jit3A_925 : i32 to vector<512x128xi32>
    %select_n3A_927 = arith.select %gt3A_923, %broadcast_in_dim3A_926, %select_n3A_921 : vector<512x128xi1>, vector<512x128xi32>
    %slice3A_928 = vector.extract_strided_slice %dot_general3A_888 {offsets = [0, 896], sizes = [512, 128], strides = [1, 1]} : vector<512x1024xf32> to vector<512x128xf32>
    %gt3A_929 = arith.cmpf ogt, %slice3A_928, %select_n3A_924 : vector<512x128xf32>
    %select_n3A_930 = arith.select %gt3A_929, %slice3A_928, %select_n3A_924 : vector<512x128xi1>, vector<512x128xf32>
    %jit3A_931 = arith.constant 7 : i32
    %broadcast_in_dim3A_932 = vector.broadcast %jit3A_931 : i32 to vector<512x128xi32>
    %select_n3A_933 = arith.select %gt3A_929, %broadcast_in_dim3A_932, %select_n3A_927 : vector<512x128xi1>, vector<512x128xi32>
    %get3A_934 = arith.constant 1024 : index
    %get3A_935 = arith.constant 0 : index
    %get3A_936 = vector.load %arg4[%get3A_934, %get3A_935] : memref<8192x256xf32, #tpu.memory_space<vmem>>, vector<1024x256xf32>
    %dot_general3A_937 = arith.constant dense<0.000000e+00> : vector<512x1024xf32>
    %dot_general3A_938 = tpu.matmul %slice3A_883, %get3A_936, %dot_general3A_937 {dimension_numbers = #tpu.dot_dimension_numbers<[1], [1], [0], [0], [0, 0, 1, 0], [], []>, transpose_lhs_hint = false} : vector<512x256xf32>, vector<1024x256xf32>, vector<512x1024xf32> -> vector<512x1024xf32>
    %slice3A_939 = vector.extract_strided_slice %dot_general3A_938 {offsets = [0, 0], sizes = [512, 128], strides = [1, 1]} : vector<512x1024xf32> to vector<512x128xf32>
    %gt3A_940 = arith.cmpf ogt, %slice3A_939, %select_n3A_930 : vector<512x128xf32>
    %select_n3A_941 = arith.select %gt3A_940, %slice3A_939, %select_n3A_930 : vector<512x128xi1>, vector<512x128xf32>
    %jit3A_942 = arith.constant 8 : i32
    %broadcast_in_dim3A_943 = vector.broadcast %jit3A_942 : i32 to vector<512x128xi32>
    %select_n3A_944 = arith.select %gt3A_940, %broadcast_in_dim3A_943, %select_n3A_933 : vector<512x128xi1>, vector<512x128xi32>
    %slice3A_945 = vector.extract_strided_slice %dot_general3A_938 {offsets = [0, 128], sizes = [512, 128], strides = [1, 1]} : vector<512x1024xf32> to vector<512x128xf32>
    %gt3A_946 = arith.cmpf ogt, %slice3A_945, %select_n3A_941 : vector<512x128xf32>
    %select_n3A_947 = arith.select %gt3A_946, %slice3A_945, %select_n3A_941 : vector<512x128xi1>, vector<512x128xf32>
    %jit3A_948 = arith.constant 9 : i32
    %broadcast_in_dim3A_949 = vector.broadcast %jit3A_948 : i32 to vector<512x128xi32>
    %select_n3A_950 = arith.select %gt3A_946, %broadcast_in_dim3A_949, %select_n3A_944 : vector<512x128xi1>, vector<512x128xi32>
    %slice3A_951 = vector.extract_strided_slice %dot_general3A_938 {offsets = [0, 256], sizes = [512, 128], strides = [1, 1]} : vector<512x1024xf32> to vector<512x128xf32>
    %gt3A_952 = arith.cmpf ogt, %slice3A_951, %select_n3A_947 : vector<512x128xf32>
    %select_n3A_953 = arith.select %gt3A_952, %slice3A_951, %select_n3A_947 : vector<512x128xi1>, vector<512x128xf32>
    %jit3A_954 = arith.constant 10 : i32
    %broadcast_in_dim3A_955 = vector.broadcast %jit3A_954 : i32 to vector<512x128xi32>
    %select_n3A_956 = arith.select %gt3A_952, %broadcast_in_dim3A_955, %select_n3A_950 : vector<512x128xi1>, vector<512x128xi32>
    %slice3A_957 = vector.extract_strided_slice %dot_general3A_938 {offsets = [0, 384], sizes = [512, 128], strides = [1, 1]} : vector<512x1024xf32> to vector<512x128xf32>
    %gt3A_958 = arith.cmpf ogt, %slice3A_957, %select_n3A_953 : vector<512x128xf32>
    %select_n3A_959 = arith.select %gt3A_958, %slice3A_957, %select_n3A_953 : vector<512x128xi1>, vector<512x128xf32>
    %jit3A_960 = arith.constant 11 : i32
    %broadcast_in_dim3A_961 = vector.broadcast %jit3A_960 : i32 to vector<512x128xi32>
    %select_n3A_962 = arith.select %gt3A_958, %broadcast_in_dim3A_961, %select_n3A_956 : vector<512x128xi1>, vector<512x128xi32>
    %slice3A_963 = vector.extract_strided_slice %dot_general3A_938 {offsets = [0, 512], sizes = [512, 128], strides = [1, 1]} : vector<512x1024xf32> to vector<512x128xf32>
    %gt3A_964 = arith.cmpf ogt, %slice3A_963, %select_n3A_959 : vector<512x128xf32>
    %select_n3A_965 = arith.select %gt3A_964, %slice3A_963, %select_n3A_959 : vector<512x128xi1>, vector<512x128xf32>
    %jit3A_966 = arith.constant 12 : i32
    %broadcast_in_dim3A_967 = vector.broadcast %jit3A_966 : i32 to vector<512x128xi32>
    %select_n3A_968 = arith.select %gt3A_964, %broadcast_in_dim3A_967, %select_n3A_962 : vector<512x128xi1>, vector<512x128xi32>
    %slice3A_969 = vector.extract_strided_slice %dot_general3A_938 {offsets = [0, 640], sizes = [512, 128], strides = [1, 1]} : vector<512x1024xf32> to vector<512x128xf32>
    %gt3A_970 = arith.cmpf ogt, %slice3A_969, %select_n3A_965 : vector<512x128xf32>
    %select_n3A_971 = arith.select %gt3A_970, %slice3A_969, %select_n3A_965 : vector<512x128xi1>, vector<512x128xf32>
    %jit3A_972 = arith.constant 13 : i32
    %broadcast_in_dim3A_973 = vector.broadcast %jit3A_972 : i32 to vector<512x128xi32>
    %select_n3A_974 = arith.select %gt3A_970, %broadcast_in_dim3A_973, %select_n3A_968 : vector<512x128xi1>, vector<512x128xi32>
    %slice3A_975 = vector.extract_strided_slice %dot_general3A_938 {offsets = [0, 768], sizes = [512, 128], strides = [1, 1]} : vector<512x1024xf32> to vector<512x128xf32>
    %gt3A_976 = arith.cmpf ogt, %slice3A_975, %select_n3A_971 : vector<512x128xf32>
    %select_n3A_977 = arith.select %gt3A_976, %slice3A_975, %select_n3A_971 : vector<512x128xi1>, vector<512x128xf32>
    %jit3A_978 = arith.constant 14 : i32
    %broadcast_in_dim3A_979 = vector.broadcast %jit3A_978 : i32 to vector<512x128xi32>
    %select_n3A_980 = arith.select %gt3A_976, %broadcast_in_dim3A_979, %select_n3A_974 : vector<512x128xi1>, vector<512x128xi32>
    %slice3A_981 = vector.extract_strided_slice %dot_general3A_938 {offsets = [0, 896], sizes = [512, 128], strides = [1, 1]} : vector<512x1024xf32> to vector<512x128xf32>
    %gt3A_982 = arith.cmpf ogt, %slice3A_981, %select_n3A_977 : vector<512x128xf32>
    %select_n3A_983 = arith.select %gt3A_982, %slice3A_981, %select_n3A_977 : vector<512x128xi1>, vector<512x128xf32>
    %jit3A_984 = arith.constant 15 : i32
    %broadcast_in_dim3A_985 = vector.broadcast %jit3A_984 : i32 to vector<512x128xi32>
    %select_n3A_986 = arith.select %gt3A_982, %broadcast_in_dim3A_985, %select_n3A_980 : vector<512x128xi1>, vector<512x128xi32>
    %get3A_987 = arith.constant 2048 : index
    %get3A_988 = arith.constant 0 : index
    %get3A_989 = vector.load %arg4[%get3A_987, %get3A_988] : memref<8192x256xf32, #tpu.memory_space<vmem>>, vector<1024x256xf32>
    %dot_general3A_990 = arith.constant dense<0.000000e+00> : vector<512x1024xf32>
    %dot_general3A_991 = tpu.matmul %slice3A_883, %get3A_989, %dot_general3A_990 {dimension_numbers = #tpu.dot_dimension_numbers<[1], [1], [0], [0], [0, 0, 1, 0], [], []>, transpose_lhs_hint = false} : vector<512x256xf32>, vector<1024x256xf32>, vector<512x1024xf32> -> vector<512x1024xf32>
    %slice3A_992 = vector.extract_strided_slice %dot_general3A_991 {offsets = [0, 0], sizes = [512, 128], strides = [1, 1]} : vector<512x1024xf32> to vector<512x128xf32>
    %gt3A_993 = arith.cmpf ogt, %slice3A_992, %select_n3A_983 : vector<512x128xf32>
    %select_n3A_994 = arith.select %gt3A_993, %slice3A_992, %select_n3A_983 : vector<512x128xi1>, vector<512x128xf32>
    %jit3A_995 = arith.constant 16 : i32
    %broadcast_in_dim3A_996 = vector.broadcast %jit3A_995 : i32 to vector<512x128xi32>
    %select_n3A_997 = arith.select %gt3A_993, %broadcast_in_dim3A_996, %select_n3A_986 : vector<512x128xi1>, vector<512x128xi32>
    %slice3A_998 = vector.extract_strided_slice %dot_general3A_991 {offsets = [0, 128], sizes = [512, 128], strides = [1, 1]} : vector<512x1024xf32> to vector<512x128xf32>
    %gt3A_999 = arith.cmpf ogt, %slice3A_998, %select_n3A_994 : vector<512x128xf32>
    %select_n3A_1000 = arith.select %gt3A_999, %slice3A_998, %select_n3A_994 : vector<512x128xi1>, vector<512x128xf32>
    %jit3A_1001 = arith.constant 17 : i32
    %broadcast_in_dim3A_1002 = vector.broadcast %jit3A_1001 : i32 to vector<512x128xi32>
    %select_n3A_1003 = arith.select %gt3A_999, %broadcast_in_dim3A_1002, %select_n3A_997 : vector<512x128xi1>, vector<512x128xi32>
    %slice3A_1004 = vector.extract_strided_slice %dot_general3A_991 {offsets = [0, 256], sizes = [512, 128], strides = [1, 1]} : vector<512x1024xf32> to vector<512x128xf32>
    %gt3A_1005 = arith.cmpf ogt, %slice3A_1004, %select_n3A_1000 : vector<512x128xf32>
    %select_n3A_1006 = arith.select %gt3A_1005, %slice3A_1004, %select_n3A_1000 : vector<512x128xi1>, vector<512x128xf32>
    %jit3A_1007 = arith.constant 18 : i32
    %broadcast_in_dim3A_1008 = vector.broadcast %jit3A_1007 : i32 to vector<512x128xi32>
    %select_n3A_1009 = arith.select %gt3A_1005, %broadcast_in_dim3A_1008, %select_n3A_1003 : vector<512x128xi1>, vector<512x128xi32>
    %slice3A_1010 = vector.extract_strided_slice %dot_general3A_991 {offsets = [0, 384], sizes = [512, 128], strides = [1, 1]} : vector<512x1024xf32> to vector<512x128xf32>
    %gt3A_1011 = arith.cmpf ogt, %slice3A_1010, %select_n3A_1006 : vector<512x128xf32>
    %select_n3A_1012 = arith.select %gt3A_1011, %slice3A_1010, %select_n3A_1006 : vector<512x128xi1>, vector<512x128xf32>
    %jit3A_1013 = arith.constant 19 : i32
    %broadcast_in_dim3A_1014 = vector.broadcast %jit3A_1013 : i32 to vector<512x128xi32>
    %select_n3A_1015 = arith.select %gt3A_1011, %broadcast_in_dim3A_1014, %select_n3A_1009 : vector<512x128xi1>, vector<512x128xi32>
    %slice3A_1016 = vector.extract_strided_slice %dot_general3A_991 {offsets = [0, 512], sizes = [512, 128], strides = [1, 1]} : vector<512x1024xf32> to vector<512x128xf32>
    %gt3A_1017 = arith.cmpf ogt, %slice3A_1016, %select_n3A_1012 : vector<512x128xf32>
    %select_n3A_1018 = arith.select %gt3A_1017, %slice3A_1016, %select_n3A_1012 : vector<512x128xi1>, vector<512x128xf32>
    %jit3A_1019 = arith.constant 20 : i32
    %broadcast_in_dim3A_1020 = vector.broadcast %jit3A_1019 : i32 to vector<512x128xi32>
    %select_n3A_1021 = arith.select %gt3A_1017, %broadcast_in_dim3A_1020, %select_n3A_1015 : vector<512x128xi1>, vector<512x128xi32>
    %slice3A_1022 = vector.extract_strided_slice %dot_general3A_991 {offsets = [0, 640], sizes = [512, 128], strides = [1, 1]} : vector<512x1024xf32> to vector<512x128xf32>
    %gt3A_1023 = arith.cmpf ogt, %slice3A_1022, %select_n3A_1018 : vector<512x128xf32>
    %select_n3A_1024 = arith.select %gt3A_1023, %slice3A_1022, %select_n3A_1018 : vector<512x128xi1>, vector<512x128xf32>
    %jit3A_1025 = arith.constant 21 : i32
    %broadcast_in_dim3A_1026 = vector.broadcast %jit3A_1025 : i32 to vector<512x128xi32>
    %select_n3A_1027 = arith.select %gt3A_1023, %broadcast_in_dim3A_1026, %select_n3A_1021 : vector<512x128xi1>, vector<512x128xi32>
    %slice3A_1028 = vector.extract_strided_slice %dot_general3A_991 {offsets = [0, 768], sizes = [512, 128], strides = [1, 1]} : vector<512x1024xf32> to vector<512x128xf32>
    %gt3A_1029 = arith.cmpf ogt, %slice3A_1028, %select_n3A_1024 : vector<512x128xf32>
    %select_n3A_1030 = arith.select %gt3A_1029, %slice3A_1028, %select_n3A_1024 : vector<512x128xi1>, vector<512x128xf32>
    %jit3A_1031 = arith.constant 22 : i32
    %broadcast_in_dim3A_1032 = vector.broadcast %jit3A_1031 : i32 to vector<512x128xi32>
    %select_n3A_1033 = arith.select %gt3A_1029, %broadcast_in_dim3A_1032, %select_n3A_1027 : vector<512x128xi1>, vector<512x128xi32>
    %slice3A_1034 = vector.extract_strided_slice %dot_general3A_991 {offsets = [0, 896], sizes = [512, 128], strides = [1, 1]} : vector<512x1024xf32> to vector<512x128xf32>
    %gt3A_1035 = arith.cmpf ogt, %slice3A_1034, %select_n3A_1030 : vector<512x128xf32>
    %select_n3A_1036 = arith.select %gt3A_1035, %slice3A_1034, %select_n3A_1030 : vector<512x128xi1>, vector<512x128xf32>
    %jit3A_1037 = arith.constant 23 : i32
    %broadcast_in_dim3A_1038 = vector.broadcast %jit3A_1037 : i32 to vector<512x128xi32>
    %select_n3A_1039 = arith.select %gt3A_1035, %broadcast_in_dim3A_1038, %select_n3A_1033 : vector<512x128xi1>, vector<512x128xi32>
    %get3A_1040 = arith.constant 3072 : index
    %get3A_1041 = arith.constant 0 : index
    %get3A_1042 = vector.load %arg4[%get3A_1040, %get3A_1041] : memref<8192x256xf32, #tpu.memory_space<vmem>>, vector<1024x256xf32>
    %dot_general3A_1043 = arith.constant dense<0.000000e+00> : vector<512x1024xf32>
    %dot_general3A_1044 = tpu.matmul %slice3A_883, %get3A_1042, %dot_general3A_1043 {dimension_numbers = #tpu.dot_dimension_numbers<[1], [1], [0], [0], [0, 0, 1, 0], [], []>, transpose_lhs_hint = false} : vector<512x256xf32>, vector<1024x256xf32>, vector<512x1024xf32> -> vector<512x1024xf32>
    %slice3A_1045 = vector.extract_strided_slice %dot_general3A_1044 {offsets = [0, 0], sizes = [512, 128], strides = [1, 1]} : vector<512x1024xf32> to vector<512x128xf32>
    %gt3A_1046 = arith.cmpf ogt, %slice3A_1045, %select_n3A_1036 : vector<512x128xf32>
    %select_n3A_1047 = arith.select %gt3A_1046, %slice3A_1045, %select_n3A_1036 : vector<512x128xi1>, vector<512x128xf32>
    %jit3A_1048 = arith.constant 24 : i32
    %broadcast_in_dim3A_1049 = vector.broadcast %jit3A_1048 : i32 to vector<512x128xi32>
    %select_n3A_1050 = arith.select %gt3A_1046, %broadcast_in_dim3A_1049, %select_n3A_1039 : vector<512x128xi1>, vector<512x128xi32>
    %slice3A_1051 = vector.extract_strided_slice %dot_general3A_1044 {offsets = [0, 128], sizes = [512, 128], strides = [1, 1]} : vector<512x1024xf32> to vector<512x128xf32>
    %gt3A_1052 = arith.cmpf ogt, %slice3A_1051, %select_n3A_1047 : vector<512x128xf32>
    %select_n3A_1053 = arith.select %gt3A_1052, %slice3A_1051, %select_n3A_1047 : vector<512x128xi1>, vector<512x128xf32>
    %jit3A_1054 = arith.constant 25 : i32
    %broadcast_in_dim3A_1055 = vector.broadcast %jit3A_1054 : i32 to vector<512x128xi32>
    %select_n3A_1056 = arith.select %gt3A_1052, %broadcast_in_dim3A_1055, %select_n3A_1050 : vector<512x128xi1>, vector<512x128xi32>
    %slice3A_1057 = vector.extract_strided_slice %dot_general3A_1044 {offsets = [0, 256], sizes = [512, 128], strides = [1, 1]} : vector<512x1024xf32> to vector<512x128xf32>
    %gt3A_1058 = arith.cmpf ogt, %slice3A_1057, %select_n3A_1053 : vector<512x128xf32>
    %select_n3A_1059 = arith.select %gt3A_1058, %slice3A_1057, %select_n3A_1053 : vector<512x128xi1>, vector<512x128xf32>
    %jit3A_1060 = arith.constant 26 : i32
    %broadcast_in_dim3A_1061 = vector.broadcast %jit3A_1060 : i32 to vector<512x128xi32>
    %select_n3A_1062 = arith.select %gt3A_1058, %broadcast_in_dim3A_1061, %select_n3A_1056 : vector<512x128xi1>, vector<512x128xi32>
    %slice3A_1063 = vector.extract_strided_slice %dot_general3A_1044 {offsets = [0, 384], sizes = [512, 128], strides = [1, 1]} : vector<512x1024xf32> to vector<512x128xf32>
    %gt3A_1064 = arith.cmpf ogt, %slice3A_1063, %select_n3A_1059 : vector<512x128xf32>
    %select_n3A_1065 = arith.select %gt3A_1064, %slice3A_1063, %select_n3A_1059 : vector<512x128xi1>, vector<512x128xf32>
    %jit3A_1066 = arith.constant 27 : i32
    %broadcast_in_dim3A_1067 = vector.broadcast %jit3A_1066 : i32 to vector<512x128xi32>
    %select_n3A_1068 = arith.select %gt3A_1064, %broadcast_in_dim3A_1067, %select_n3A_1062 : vector<512x128xi1>, vector<512x128xi32>
    %slice3A_1069 = vector.extract_strided_slice %dot_general3A_1044 {offsets = [0, 512], sizes = [512, 128], strides = [1, 1]} : vector<512x1024xf32> to vector<512x128xf32>
    %gt3A_1070 = arith.cmpf ogt, %slice3A_1069, %select_n3A_1065 : vector<512x128xf32>
    %select_n3A_1071 = arith.select %gt3A_1070, %slice3A_1069, %select_n3A_1065 : vector<512x128xi1>, vector<512x128xf32>
    %jit3A_1072 = arith.constant 28 : i32
    %broadcast_in_dim3A_1073 = vector.broadcast %jit3A_1072 : i32 to vector<512x128xi32>
    %select_n3A_1074 = arith.select %gt3A_1070, %broadcast_in_dim3A_1073, %select_n3A_1068 : vector<512x128xi1>, vector<512x128xi32>
    %slice3A_1075 = vector.extract_strided_slice %dot_general3A_1044 {offsets = [0, 640], sizes = [512, 128], strides = [1, 1]} : vector<512x1024xf32> to vector<512x128xf32>
    %gt3A_1076 = arith.cmpf ogt, %slice3A_1075, %select_n3A_1071 : vector<512x128xf32>
    %select_n3A_1077 = arith.select %gt3A_1076, %slice3A_1075, %select_n3A_1071 : vector<512x128xi1>, vector<512x128xf32>
    %jit3A_1078 = arith.constant 29 : i32
    %broadcast_in_dim3A_1079 = vector.broadcast %jit3A_1078 : i32 to vector<512x128xi32>
    %select_n3A_1080 = arith.select %gt3A_1076, %broadcast_in_dim3A_1079, %select_n3A_1074 : vector<512x128xi1>, vector<512x128xi32>
    %slice3A_1081 = vector.extract_strided_slice %dot_general3A_1044 {offsets = [0, 768], sizes = [512, 128], strides = [1, 1]} : vector<512x1024xf32> to vector<512x128xf32>
    %gt3A_1082 = arith.cmpf ogt, %slice3A_1081, %select_n3A_1077 : vector<512x128xf32>
    %select_n3A_1083 = arith.select %gt3A_1082, %slice3A_1081, %select_n3A_1077 : vector<512x128xi1>, vector<512x128xf32>
    %jit3A_1084 = arith.constant 30 : i32
    %broadcast_in_dim3A_1085 = vector.broadcast %jit3A_1084 : i32 to vector<512x128xi32>
    %select_n3A_1086 = arith.select %gt3A_1082, %broadcast_in_dim3A_1085, %select_n3A_1080 : vector<512x128xi1>, vector<512x128xi32>
    %slice3A_1087 = vector.extract_strided_slice %dot_general3A_1044 {offsets = [0, 896], sizes = [512, 128], strides = [1, 1]} : vector<512x1024xf32> to vector<512x128xf32>
    %gt3A_1088 = arith.cmpf ogt, %slice3A_1087, %select_n3A_1083 : vector<512x128xf32>
    %select_n3A_1089 = arith.select %gt3A_1088, %slice3A_1087, %select_n3A_1083 : vector<512x128xi1>, vector<512x128xf32>
    %jit3A_1090 = arith.constant 31 : i32
    %broadcast_in_dim3A_1091 = vector.broadcast %jit3A_1090 : i32 to vector<512x128xi32>
    %select_n3A_1092 = arith.select %gt3A_1088, %broadcast_in_dim3A_1091, %select_n3A_1086 : vector<512x128xi1>, vector<512x128xi32>
    %get3A_1093 = arith.constant 4096 : index
    %get3A_1094 = arith.constant 0 : index
    %get3A_1095 = vector.load %arg4[%get3A_1093, %get3A_1094] : memref<8192x256xf32, #tpu.memory_space<vmem>>, vector<1024x256xf32>
    %dot_general3A_1096 = arith.constant dense<0.000000e+00> : vector<512x1024xf32>
    %dot_general3A_1097 = tpu.matmul %slice3A_883, %get3A_1095, %dot_general3A_1096 {dimension_numbers = #tpu.dot_dimension_numbers<[1], [1], [0], [0], [0, 0, 1, 0], [], []>, transpose_lhs_hint = false} : vector<512x256xf32>, vector<1024x256xf32>, vector<512x1024xf32> -> vector<512x1024xf32>
    %slice3A_1098 = vector.extract_strided_slice %dot_general3A_1097 {offsets = [0, 0], sizes = [512, 128], strides = [1, 1]} : vector<512x1024xf32> to vector<512x128xf32>
    %gt3A_1099 = arith.cmpf ogt, %slice3A_1098, %select_n3A_1089 : vector<512x128xf32>
    %select_n3A_1100 = arith.select %gt3A_1099, %slice3A_1098, %select_n3A_1089 : vector<512x128xi1>, vector<512x128xf32>
    %jit3A_1101 = arith.constant 32 : i32
    %broadcast_in_dim3A_1102 = vector.broadcast %jit3A_1101 : i32 to vector<512x128xi32>
    %select_n3A_1103 = arith.select %gt3A_1099, %broadcast_in_dim3A_1102, %select_n3A_1092 : vector<512x128xi1>, vector<512x128xi32>
    %slice3A_1104 = vector.extract_strided_slice %dot_general3A_1097 {offsets = [0, 128], sizes = [512, 128], strides = [1, 1]} : vector<512x1024xf32> to vector<512x128xf32>
    %gt3A_1105 = arith.cmpf ogt, %slice3A_1104, %select_n3A_1100 : vector<512x128xf32>
    %select_n3A_1106 = arith.select %gt3A_1105, %slice3A_1104, %select_n3A_1100 : vector<512x128xi1>, vector<512x128xf32>
    %jit3A_1107 = arith.constant 33 : i32
    %broadcast_in_dim3A_1108 = vector.broadcast %jit3A_1107 : i32 to vector<512x128xi32>
    %select_n3A_1109 = arith.select %gt3A_1105, %broadcast_in_dim3A_1108, %select_n3A_1103 : vector<512x128xi1>, vector<512x128xi32>
    %slice3A_1110 = vector.extract_strided_slice %dot_general3A_1097 {offsets = [0, 256], sizes = [512, 128], strides = [1, 1]} : vector<512x1024xf32> to vector<512x128xf32>
    %gt3A_1111 = arith.cmpf ogt, %slice3A_1110, %select_n3A_1106 : vector<512x128xf32>
    %select_n3A_1112 = arith.select %gt3A_1111, %slice3A_1110, %select_n3A_1106 : vector<512x128xi1>, vector<512x128xf32>
    %jit3A_1113 = arith.constant 34 : i32
    %broadcast_in_dim3A_1114 = vector.broadcast %jit3A_1113 : i32 to vector<512x128xi32>
    %select_n3A_1115 = arith.select %gt3A_1111, %broadcast_in_dim3A_1114, %select_n3A_1109 : vector<512x128xi1>, vector<512x128xi32>
    %slice3A_1116 = vector.extract_strided_slice %dot_general3A_1097 {offsets = [0, 384], sizes = [512, 128], strides = [1, 1]} : vector<512x1024xf32> to vector<512x128xf32>
    %gt3A_1117 = arith.cmpf ogt, %slice3A_1116, %select_n3A_1112 : vector<512x128xf32>
    %select_n3A_1118 = arith.select %gt3A_1117, %slice3A_1116, %select_n3A_1112 : vector<512x128xi1>, vector<512x128xf32>
    %jit3A_1119 = arith.constant 35 : i32
    %broadcast_in_dim3A_1120 = vector.broadcast %jit3A_1119 : i32 to vector<512x128xi32>
    %select_n3A_1121 = arith.select %gt3A_1117, %broadcast_in_dim3A_1120, %select_n3A_1115 : vector<512x128xi1>, vector<512x128xi32>
    %slice3A_1122 = vector.extract_strided_slice %dot_general3A_1097 {offsets = [0, 512], sizes = [512, 128], strides = [1, 1]} : vector<512x1024xf32> to vector<512x128xf32>
    %gt3A_1123 = arith.cmpf ogt, %slice3A_1122, %select_n3A_1118 : vector<512x128xf32>
    %select_n3A_1124 = arith.select %gt3A_1123, %slice3A_1122, %select_n3A_1118 : vector<512x128xi1>, vector<512x128xf32>
    %jit3A_1125 = arith.constant 36 : i32
    %broadcast_in_dim3A_1126 = vector.broadcast %jit3A_1125 : i32 to vector<512x128xi32>
    %select_n3A_1127 = arith.select %gt3A_1123, %broadcast_in_dim3A_1126, %select_n3A_1121 : vector<512x128xi1>, vector<512x128xi32>
    %slice3A_1128 = vector.extract_strided_slice %dot_general3A_1097 {offsets = [0, 640], sizes = [512, 128], strides = [1, 1]} : vector<512x1024xf32> to vector<512x128xf32>
    %gt3A_1129 = arith.cmpf ogt, %slice3A_1128, %select_n3A_1124 : vector<512x128xf32>
    %select_n3A_1130 = arith.select %gt3A_1129, %slice3A_1128, %select_n3A_1124 : vector<512x128xi1>, vector<512x128xf32>
    %jit3A_1131 = arith.constant 37 : i32
    %broadcast_in_dim3A_1132 = vector.broadcast %jit3A_1131 : i32 to vector<512x128xi32>
    %select_n3A_1133 = arith.select %gt3A_1129, %broadcast_in_dim3A_1132, %select_n3A_1127 : vector<512x128xi1>, vector<512x128xi32>
    %slice3A_1134 = vector.extract_strided_slice %dot_general3A_1097 {offsets = [0, 768], sizes = [512, 128], strides = [1, 1]} : vector<512x1024xf32> to vector<512x128xf32>
    %gt3A_1135 = arith.cmpf ogt, %slice3A_1134, %select_n3A_1130 : vector<512x128xf32>
    %select_n3A_1136 = arith.select %gt3A_1135, %slice3A_1134, %select_n3A_1130 : vector<512x128xi1>, vector<512x128xf32>
    %jit3A_1137 = arith.constant 38 : i32
    %broadcast_in_dim3A_1138 = vector.broadcast %jit3A_1137 : i32 to vector<512x128xi32>
    %select_n3A_1139 = arith.select %gt3A_1135, %broadcast_in_dim3A_1138, %select_n3A_1133 : vector<512x128xi1>, vector<512x128xi32>
    %slice3A_1140 = vector.extract_strided_slice %dot_general3A_1097 {offsets = [0, 896], sizes = [512, 128], strides = [1, 1]} : vector<512x1024xf32> to vector<512x128xf32>
    %gt3A_1141 = arith.cmpf ogt, %slice3A_1140, %select_n3A_1136 : vector<512x128xf32>
    %select_n3A_1142 = arith.select %gt3A_1141, %slice3A_1140, %select_n3A_1136 : vector<512x128xi1>, vector<512x128xf32>
    %jit3A_1143 = arith.constant 39 : i32
    %broadcast_in_dim3A_1144 = vector.broadcast %jit3A_1143 : i32 to vector<512x128xi32>
    %select_n3A_1145 = arith.select %gt3A_1141, %broadcast_in_dim3A_1144, %select_n3A_1139 : vector<512x128xi1>, vector<512x128xi32>
    %get3A_1146 = arith.constant 5120 : index
    %get3A_1147 = arith.constant 0 : index
    %get3A_1148 = vector.load %arg4[%get3A_1146, %get3A_1147] : memref<8192x256xf32, #tpu.memory_space<vmem>>, vector<1024x256xf32>
    %dot_general3A_1149 = arith.constant dense<0.000000e+00> : vector<512x1024xf32>
    %dot_general3A_1150 = tpu.matmul %slice3A_883, %get3A_1148, %dot_general3A_1149 {dimension_numbers = #tpu.dot_dimension_numbers<[1], [1], [0], [0], [0, 0, 1, 0], [], []>, transpose_lhs_hint = false} : vector<512x256xf32>, vector<1024x256xf32>, vector<512x1024xf32> -> vector<512x1024xf32>
    %slice3A_1151 = vector.extract_strided_slice %dot_general3A_1150 {offsets = [0, 0], sizes = [512, 128], strides = [1, 1]} : vector<512x1024xf32> to vector<512x128xf32>
    %gt3A_1152 = arith.cmpf ogt, %slice3A_1151, %select_n3A_1142 : vector<512x128xf32>
    %select_n3A_1153 = arith.select %gt3A_1152, %slice3A_1151, %select_n3A_1142 : vector<512x128xi1>, vector<512x128xf32>
    %jit3A_1154 = arith.constant 40 : i32
    %broadcast_in_dim3A_1155 = vector.broadcast %jit3A_1154 : i32 to vector<512x128xi32>
    %select_n3A_1156 = arith.select %gt3A_1152, %broadcast_in_dim3A_1155, %select_n3A_1145 : vector<512x128xi1>, vector<512x128xi32>
    %slice3A_1157 = vector.extract_strided_slice %dot_general3A_1150 {offsets = [0, 128], sizes = [512, 128], strides = [1, 1]} : vector<512x1024xf32> to vector<512x128xf32>
    %gt3A_1158 = arith.cmpf ogt, %slice3A_1157, %select_n3A_1153 : vector<512x128xf32>
    %select_n3A_1159 = arith.select %gt3A_1158, %slice3A_1157, %select_n3A_1153 : vector<512x128xi1>, vector<512x128xf32>
    %jit3A_1160 = arith.constant 41 : i32
    %broadcast_in_dim3A_1161 = vector.broadcast %jit3A_1160 : i32 to vector<512x128xi32>
    %select_n3A_1162 = arith.select %gt3A_1158, %broadcast_in_dim3A_1161, %select_n3A_1156 : vector<512x128xi1>, vector<512x128xi32>
    %slice3A_1163 = vector.extract_strided_slice %dot_general3A_1150 {offsets = [0, 256], sizes = [512, 128], strides = [1, 1]} : vector<512x1024xf32> to vector<512x128xf32>
    %gt3A_1164 = arith.cmpf ogt, %slice3A_1163, %select_n3A_1159 : vector<512x128xf32>
    %select_n3A_1165 = arith.select %gt3A_1164, %slice3A_1163, %select_n3A_1159 : vector<512x128xi1>, vector<512x128xf32>
    %jit3A_1166 = arith.constant 42 : i32
    %broadcast_in_dim3A_1167 = vector.broadcast %jit3A_1166 : i32 to vector<512x128xi32>
    %select_n3A_1168 = arith.select %gt3A_1164, %broadcast_in_dim3A_1167, %select_n3A_1162 : vector<512x128xi1>, vector<512x128xi32>
    %slice3A_1169 = vector.extract_strided_slice %dot_general3A_1150 {offsets = [0, 384], sizes = [512, 128], strides = [1, 1]} : vector<512x1024xf32> to vector<512x128xf32>
    %gt3A_1170 = arith.cmpf ogt, %slice3A_1169, %select_n3A_1165 : vector<512x128xf32>
    %select_n3A_1171 = arith.select %gt3A_1170, %slice3A_1169, %select_n3A_1165 : vector<512x128xi1>, vector<512x128xf32>
    %jit3A_1172 = arith.constant 43 : i32
    %broadcast_in_dim3A_1173 = vector.broadcast %jit3A_1172 : i32 to vector<512x128xi32>
    %select_n3A_1174 = arith.select %gt3A_1170, %broadcast_in_dim3A_1173, %select_n3A_1168 : vector<512x128xi1>, vector<512x128xi32>
    %slice3A_1175 = vector.extract_strided_slice %dot_general3A_1150 {offsets = [0, 512], sizes = [512, 128], strides = [1, 1]} : vector<512x1024xf32> to vector<512x128xf32>
    %gt3A_1176 = arith.cmpf ogt, %slice3A_1175, %select_n3A_1171 : vector<512x128xf32>
    %select_n3A_1177 = arith.select %gt3A_1176, %slice3A_1175, %select_n3A_1171 : vector<512x128xi1>, vector<512x128xf32>
    %jit3A_1178 = arith.constant 44 : i32
    %broadcast_in_dim3A_1179 = vector.broadcast %jit3A_1178 : i32 to vector<512x128xi32>
    %select_n3A_1180 = arith.select %gt3A_1176, %broadcast_in_dim3A_1179, %select_n3A_1174 : vector<512x128xi1>, vector<512x128xi32>
    %slice3A_1181 = vector.extract_strided_slice %dot_general3A_1150 {offsets = [0, 640], sizes = [512, 128], strides = [1, 1]} : vector<512x1024xf32> to vector<512x128xf32>
    %gt3A_1182 = arith.cmpf ogt, %slice3A_1181, %select_n3A_1177 : vector<512x128xf32>
    %select_n3A_1183 = arith.select %gt3A_1182, %slice3A_1181, %select_n3A_1177 : vector<512x128xi1>, vector<512x128xf32>
    %jit3A_1184 = arith.constant 45 : i32
    %broadcast_in_dim3A_1185 = vector.broadcast %jit3A_1184 : i32 to vector<512x128xi32>
    %select_n3A_1186 = arith.select %gt3A_1182, %broadcast_in_dim3A_1185, %select_n3A_1180 : vector<512x128xi1>, vector<512x128xi32>
    %slice3A_1187 = vector.extract_strided_slice %dot_general3A_1150 {offsets = [0, 768], sizes = [512, 128], strides = [1, 1]} : vector<512x1024xf32> to vector<512x128xf32>
    %gt3A_1188 = arith.cmpf ogt, %slice3A_1187, %select_n3A_1183 : vector<512x128xf32>
    %select_n3A_1189 = arith.select %gt3A_1188, %slice3A_1187, %select_n3A_1183 : vector<512x128xi1>, vector<512x128xf32>
    %jit3A_1190 = arith.constant 46 : i32
    %broadcast_in_dim3A_1191 = vector.broadcast %jit3A_1190 : i32 to vector<512x128xi32>
    %select_n3A_1192 = arith.select %gt3A_1188, %broadcast_in_dim3A_1191, %select_n3A_1186 : vector<512x128xi1>, vector<512x128xi32>
    %slice3A_1193 = vector.extract_strided_slice %dot_general3A_1150 {offsets = [0, 896], sizes = [512, 128], strides = [1, 1]} : vector<512x1024xf32> to vector<512x128xf32>
    %gt3A_1194 = arith.cmpf ogt, %slice3A_1193, %select_n3A_1189 : vector<512x128xf32>
    %select_n3A_1195 = arith.select %gt3A_1194, %slice3A_1193, %select_n3A_1189 : vector<512x128xi1>, vector<512x128xf32>
    %jit3A_1196 = arith.constant 47 : i32
    %broadcast_in_dim3A_1197 = vector.broadcast %jit3A_1196 : i32 to vector<512x128xi32>
    %select_n3A_1198 = arith.select %gt3A_1194, %broadcast_in_dim3A_1197, %select_n3A_1192 : vector<512x128xi1>, vector<512x128xi32>
    %get3A_1199 = arith.constant 6144 : index
    %get3A_1200 = arith.constant 0 : index
    %get3A_1201 = vector.load %arg4[%get3A_1199, %get3A_1200] : memref<8192x256xf32, #tpu.memory_space<vmem>>, vector<1024x256xf32>
    %dot_general3A_1202 = arith.constant dense<0.000000e+00> : vector<512x1024xf32>
    %dot_general3A_1203 = tpu.matmul %slice3A_883, %get3A_1201, %dot_general3A_1202 {dimension_numbers = #tpu.dot_dimension_numbers<[1], [1], [0], [0], [0, 0, 1, 0], [], []>, transpose_lhs_hint = false} : vector<512x256xf32>, vector<1024x256xf32>, vector<512x1024xf32> -> vector<512x1024xf32>
    %slice3A_1204 = vector.extract_strided_slice %dot_general3A_1203 {offsets = [0, 0], sizes = [512, 128], strides = [1, 1]} : vector<512x1024xf32> to vector<512x128xf32>
    %gt3A_1205 = arith.cmpf ogt, %slice3A_1204, %select_n3A_1195 : vector<512x128xf32>
    %select_n3A_1206 = arith.select %gt3A_1205, %slice3A_1204, %select_n3A_1195 : vector<512x128xi1>, vector<512x128xf32>
    %jit3A_1207 = arith.constant 48 : i32
    %broadcast_in_dim3A_1208 = vector.broadcast %jit3A_1207 : i32 to vector<512x128xi32>
    %select_n3A_1209 = arith.select %gt3A_1205, %broadcast_in_dim3A_1208, %select_n3A_1198 : vector<512x128xi1>, vector<512x128xi32>
    %slice3A_1210 = vector.extract_strided_slice %dot_general3A_1203 {offsets = [0, 128], sizes = [512, 128], strides = [1, 1]} : vector<512x1024xf32> to vector<512x128xf32>
    %gt3A_1211 = arith.cmpf ogt, %slice3A_1210, %select_n3A_1206 : vector<512x128xf32>
    %select_n3A_1212 = arith.select %gt3A_1211, %slice3A_1210, %select_n3A_1206 : vector<512x128xi1>, vector<512x128xf32>
    %jit3A_1213 = arith.constant 49 : i32
    %broadcast_in_dim3A_1214 = vector.broadcast %jit3A_1213 : i32 to vector<512x128xi32>
    %select_n3A_1215 = arith.select %gt3A_1211, %broadcast_in_dim3A_1214, %select_n3A_1209 : vector<512x128xi1>, vector<512x128xi32>
    %slice3A_1216 = vector.extract_strided_slice %dot_general3A_1203 {offsets = [0, 256], sizes = [512, 128], strides = [1, 1]} : vector<512x1024xf32> to vector<512x128xf32>
    %gt3A_1217 = arith.cmpf ogt, %slice3A_1216, %select_n3A_1212 : vector<512x128xf32>
    %select_n3A_1218 = arith.select %gt3A_1217, %slice3A_1216, %select_n3A_1212 : vector<512x128xi1>, vector<512x128xf32>
    %jit3A_1219 = arith.constant 50 : i32
    %broadcast_in_dim3A_1220 = vector.broadcast %jit3A_1219 : i32 to vector<512x128xi32>
    %select_n3A_1221 = arith.select %gt3A_1217, %broadcast_in_dim3A_1220, %select_n3A_1215 : vector<512x128xi1>, vector<512x128xi32>
    %slice3A_1222 = vector.extract_strided_slice %dot_general3A_1203 {offsets = [0, 384], sizes = [512, 128], strides = [1, 1]} : vector<512x1024xf32> to vector<512x128xf32>
    %gt3A_1223 = arith.cmpf ogt, %slice3A_1222, %select_n3A_1218 : vector<512x128xf32>
    %select_n3A_1224 = arith.select %gt3A_1223, %slice3A_1222, %select_n3A_1218 : vector<512x128xi1>, vector<512x128xf32>
    %jit3A_1225 = arith.constant 51 : i32
    %broadcast_in_dim3A_1226 = vector.broadcast %jit3A_1225 : i32 to vector<512x128xi32>
    %select_n3A_1227 = arith.select %gt3A_1223, %broadcast_in_dim3A_1226, %select_n3A_1221 : vector<512x128xi1>, vector<512x128xi32>
    %slice3A_1228 = vector.extract_strided_slice %dot_general3A_1203 {offsets = [0, 512], sizes = [512, 128], strides = [1, 1]} : vector<512x1024xf32> to vector<512x128xf32>
    %gt3A_1229 = arith.cmpf ogt, %slice3A_1228, %select_n3A_1224 : vector<512x128xf32>
    %select_n3A_1230 = arith.select %gt3A_1229, %slice3A_1228, %select_n3A_1224 : vector<512x128xi1>, vector<512x128xf32>
    %jit3A_1231 = arith.constant 52 : i32
    %broadcast_in_dim3A_1232 = vector.broadcast %jit3A_1231 : i32 to vector<512x128xi32>
    %select_n3A_1233 = arith.select %gt3A_1229, %broadcast_in_dim3A_1232, %select_n3A_1227 : vector<512x128xi1>, vector<512x128xi32>
    %slice3A_1234 = vector.extract_strided_slice %dot_general3A_1203 {offsets = [0, 640], sizes = [512, 128], strides = [1, 1]} : vector<512x1024xf32> to vector<512x128xf32>
    %gt3A_1235 = arith.cmpf ogt, %slice3A_1234, %select_n3A_1230 : vector<512x128xf32>
    %select_n3A_1236 = arith.select %gt3A_1235, %slice3A_1234, %select_n3A_1230 : vector<512x128xi1>, vector<512x128xf32>
    %jit3A_1237 = arith.constant 53 : i32
    %broadcast_in_dim3A_1238 = vector.broadcast %jit3A_1237 : i32 to vector<512x128xi32>
    %select_n3A_1239 = arith.select %gt3A_1235, %broadcast_in_dim3A_1238, %select_n3A_1233 : vector<512x128xi1>, vector<512x128xi32>
    %slice3A_1240 = vector.extract_strided_slice %dot_general3A_1203 {offsets = [0, 768], sizes = [512, 128], strides = [1, 1]} : vector<512x1024xf32> to vector<512x128xf32>
    %gt3A_1241 = arith.cmpf ogt, %slice3A_1240, %select_n3A_1236 : vector<512x128xf32>
    %select_n3A_1242 = arith.select %gt3A_1241, %slice3A_1240, %select_n3A_1236 : vector<512x128xi1>, vector<512x128xf32>
    %jit3A_1243 = arith.constant 54 : i32
    %broadcast_in_dim3A_1244 = vector.broadcast %jit3A_1243 : i32 to vector<512x128xi32>
    %select_n3A_1245 = arith.select %gt3A_1241, %broadcast_in_dim3A_1244, %select_n3A_1239 : vector<512x128xi1>, vector<512x128xi32>
    %slice3A_1246 = vector.extract_strided_slice %dot_general3A_1203 {offsets = [0, 896], sizes = [512, 128], strides = [1, 1]} : vector<512x1024xf32> to vector<512x128xf32>
    %gt3A_1247 = arith.cmpf ogt, %slice3A_1246, %select_n3A_1242 : vector<512x128xf32>
    %select_n3A_1248 = arith.select %gt3A_1247, %slice3A_1246, %select_n3A_1242 : vector<512x128xi1>, vector<512x128xf32>
    %jit3A_1249 = arith.constant 55 : i32
    %broadcast_in_dim3A_1250 = vector.broadcast %jit3A_1249 : i32 to vector<512x128xi32>
    %select_n3A_1251 = arith.select %gt3A_1247, %broadcast_in_dim3A_1250, %select_n3A_1245 : vector<512x128xi1>, vector<512x128xi32>
    %get3A_1252 = arith.constant 7168 : index
    %get3A_1253 = arith.constant 0 : index
    %get3A_1254 = vector.load %arg4[%get3A_1252, %get3A_1253] : memref<8192x256xf32, #tpu.memory_space<vmem>>, vector<1024x256xf32>
    %dot_general3A_1255 = arith.constant dense<0.000000e+00> : vector<512x1024xf32>
    %dot_general3A_1256 = tpu.matmul %slice3A_883, %get3A_1254, %dot_general3A_1255 {dimension_numbers = #tpu.dot_dimension_numbers<[1], [1], [0], [0], [0, 0, 1, 0], [], []>, transpose_lhs_hint = false} : vector<512x256xf32>, vector<1024x256xf32>, vector<512x1024xf32> -> vector<512x1024xf32>
    %slice3A_1257 = vector.extract_strided_slice %dot_general3A_1256 {offsets = [0, 0], sizes = [512, 128], strides = [1, 1]} : vector<512x1024xf32> to vector<512x128xf32>
    %gt3A_1258 = arith.cmpf ogt, %slice3A_1257, %select_n3A_1248 : vector<512x128xf32>
    %select_n3A_1259 = arith.select %gt3A_1258, %slice3A_1257, %select_n3A_1248 : vector<512x128xi1>, vector<512x128xf32>
    %jit3A_1260 = arith.constant 56 : i32
    %broadcast_in_dim3A_1261 = vector.broadcast %jit3A_1260 : i32 to vector<512x128xi32>
    %select_n3A_1262 = arith.select %gt3A_1258, %broadcast_in_dim3A_1261, %select_n3A_1251 : vector<512x128xi1>, vector<512x128xi32>
    %slice3A_1263 = vector.extract_strided_slice %dot_general3A_1256 {offsets = [0, 128], sizes = [512, 128], strides = [1, 1]} : vector<512x1024xf32> to vector<512x128xf32>
    %gt3A_1264 = arith.cmpf ogt, %slice3A_1263, %select_n3A_1259 : vector<512x128xf32>
    %select_n3A_1265 = arith.select %gt3A_1264, %slice3A_1263, %select_n3A_1259 : vector<512x128xi1>, vector<512x128xf32>
    %jit3A_1266 = arith.constant 57 : i32
    %broadcast_in_dim3A_1267 = vector.broadcast %jit3A_1266 : i32 to vector<512x128xi32>
    %select_n3A_1268 = arith.select %gt3A_1264, %broadcast_in_dim3A_1267, %select_n3A_1262 : vector<512x128xi1>, vector<512x128xi32>
    %slice3A_1269 = vector.extract_strided_slice %dot_general3A_1256 {offsets = [0, 256], sizes = [512, 128], strides = [1, 1]} : vector<512x1024xf32> to vector<512x128xf32>
    %gt3A_1270 = arith.cmpf ogt, %slice3A_1269, %select_n3A_1265 : vector<512x128xf32>
    %select_n3A_1271 = arith.select %gt3A_1270, %slice3A_1269, %select_n3A_1265 : vector<512x128xi1>, vector<512x128xf32>
    %jit3A_1272 = arith.constant 58 : i32
    %broadcast_in_dim3A_1273 = vector.broadcast %jit3A_1272 : i32 to vector<512x128xi32>
    %select_n3A_1274 = arith.select %gt3A_1270, %broadcast_in_dim3A_1273, %select_n3A_1268 : vector<512x128xi1>, vector<512x128xi32>
    %slice3A_1275 = vector.extract_strided_slice %dot_general3A_1256 {offsets = [0, 384], sizes = [512, 128], strides = [1, 1]} : vector<512x1024xf32> to vector<512x128xf32>
    %gt3A_1276 = arith.cmpf ogt, %slice3A_1275, %select_n3A_1271 : vector<512x128xf32>
    %select_n3A_1277 = arith.select %gt3A_1276, %slice3A_1275, %select_n3A_1271 : vector<512x128xi1>, vector<512x128xf32>
    %jit3A_1278 = arith.constant 59 : i32
    %broadcast_in_dim3A_1279 = vector.broadcast %jit3A_1278 : i32 to vector<512x128xi32>
    %select_n3A_1280 = arith.select %gt3A_1276, %broadcast_in_dim3A_1279, %select_n3A_1274 : vector<512x128xi1>, vector<512x128xi32>
    %slice3A_1281 = vector.extract_strided_slice %dot_general3A_1256 {offsets = [0, 512], sizes = [512, 128], strides = [1, 1]} : vector<512x1024xf32> to vector<512x128xf32>
    %gt3A_1282 = arith.cmpf ogt, %slice3A_1281, %select_n3A_1277 : vector<512x128xf32>
    %select_n3A_1283 = arith.select %gt3A_1282, %slice3A_1281, %select_n3A_1277 : vector<512x128xi1>, vector<512x128xf32>
    %jit3A_1284 = arith.constant 60 : i32
    %broadcast_in_dim3A_1285 = vector.broadcast %jit3A_1284 : i32 to vector<512x128xi32>
    %select_n3A_1286 = arith.select %gt3A_1282, %broadcast_in_dim3A_1285, %select_n3A_1280 : vector<512x128xi1>, vector<512x128xi32>
    %slice3A_1287 = vector.extract_strided_slice %dot_general3A_1256 {offsets = [0, 640], sizes = [512, 128], strides = [1, 1]} : vector<512x1024xf32> to vector<512x128xf32>
    %gt3A_1288 = arith.cmpf ogt, %slice3A_1287, %select_n3A_1283 : vector<512x128xf32>
    %select_n3A_1289 = arith.select %gt3A_1288, %slice3A_1287, %select_n3A_1283 : vector<512x128xi1>, vector<512x128xf32>
    %jit3A_1290 = arith.constant 61 : i32
    %broadcast_in_dim3A_1291 = vector.broadcast %jit3A_1290 : i32 to vector<512x128xi32>
    %select_n3A_1292 = arith.select %gt3A_1288, %broadcast_in_dim3A_1291, %select_n3A_1286 : vector<512x128xi1>, vector<512x128xi32>
    %slice3A_1293 = vector.extract_strided_slice %dot_general3A_1256 {offsets = [0, 768], sizes = [512, 128], strides = [1, 1]} : vector<512x1024xf32> to vector<512x128xf32>
    %gt3A_1294 = arith.cmpf ogt, %slice3A_1293, %select_n3A_1289 : vector<512x128xf32>
    %select_n3A_1295 = arith.select %gt3A_1294, %slice3A_1293, %select_n3A_1289 : vector<512x128xi1>, vector<512x128xf32>
    %jit3A_1296 = arith.constant 62 : i32
    %broadcast_in_dim3A_1297 = vector.broadcast %jit3A_1296 : i32 to vector<512x128xi32>
    %select_n3A_1298 = arith.select %gt3A_1294, %broadcast_in_dim3A_1297, %select_n3A_1292 : vector<512x128xi1>, vector<512x128xi32>
    %slice3A_1299 = vector.extract_strided_slice %dot_general3A_1256 {offsets = [0, 896], sizes = [512, 128], strides = [1, 1]} : vector<512x1024xf32> to vector<512x128xf32>
    %gt3A_1300 = arith.cmpf ogt, %slice3A_1299, %select_n3A_1295 : vector<512x128xf32>
    %select_n3A_1301 = arith.select %gt3A_1300, %slice3A_1299, %select_n3A_1295 : vector<512x128xi1>, vector<512x128xf32>
    %jit3A_1302 = arith.constant 63 : i32
    %broadcast_in_dim3A_1303 = vector.broadcast %jit3A_1302 : i32 to vector<512x128xi32>
    %select_n3A_1304 = arith.select %gt3A_1300, %broadcast_in_dim3A_1303, %select_n3A_1298 : vector<512x128xi1>, vector<512x128xi32>
    %mul3A_1305 = arith.constant 128 : i32
    %mul3A_1306 = vector.broadcast %mul3A_1305 : i32 to vector<512x128xi32>
    %mul3A_1307 = arith.muli %select_n3A_1304, %mul3A_1306 : vector<512x128xi32>
    %add3A_1308 = arith.addi %mul3A_1307, %iota3A : vector<512x128xi32>
    %reduce_max3A_1309 = arith.constant dense<0xFF800000> : vector<512xf32>
    %reduce_max3A_1310 = vector.multi_reduction <maximumf>, %select_n3A_1301, %reduce_max3A_1309 [1] : vector<512x128xf32> to vector<512xf32>
    %broadcast_in_dim3A_1311 = vector.shape_cast %reduce_max3A_1310 : vector<512xf32> to vector<512x1xf32>
    %eq3A_1312 = vector.broadcast %broadcast_in_dim3A_1311 : vector<512x1xf32> to vector<512x128xf32>
    %eq3A_1313 = arith.cmpf oeq, %select_n3A_1301, %eq3A_1312 : vector<512x128xf32>
    %jit3A_1314 = arith.constant 8192 : i32
    %broadcast_in_dim3A_1315 = vector.broadcast %jit3A_1314 : i32 to vector<512x128xi32>
    %select_n3A_1316 = arith.select %eq3A_1313, %add3A_1308, %broadcast_in_dim3A_1315 : vector<512x128xi1>, vector<512x128xi32>
    %reduce_min3A_1317 = arith.constant dense<2147483647> : vector<512xi32>
    %reduce_min3A_1318 = vector.multi_reduction <minsi>, %select_n3A_1316, %reduce_min3A_1317 [1] : vector<512x128xi32> to vector<512xi32>
    %swap3A_1319 = arith.constant 0 : index
    %swap3A_1320 = arith.constant 0 : index
    %swap3A_1321 = arith.constant 1024 : index
    %swap3A_1322 = vector.load %arg3[%swap3A_1319, %swap3A_1320, %swap3A_1321] : memref<1x1x2048xi32, #tpu.memory_space<vmem>>, vector<1x1x512xi32>
    %swap3A_1323 = vector.shape_cast %swap3A_1322 : vector<1x1x512xi32> to vector<512xi32>
    %swap3A_1324 = vector.shape_cast %reduce_min3A_1318 : vector<512xi32> to vector<1x1x512xi32>
    tpu.vector_store %arg3[%swap3A_1319, %swap3A_1320, %swap3A_1321], %swap3A_1324 {strides = array<i32>} : memref<1x1x2048xi32, #tpu.memory_space<vmem>>, vector<1x1x512xi32>,
    %slice3A_1325 = vector.extract_strided_slice %div3A_7 {offsets = [1536, 0], sizes = [512, 256], strides = [1, 1]} : vector<2048x256xf32> to vector<512x256xf32>
    %get3A_1326 = arith.constant 0 : index
    %get3A_1327 = arith.constant 0 : index
    %get3A_1328 = vector.load %arg4[%get3A_1326, %get3A_1327] : memref<8192x256xf32, #tpu.memory_space<vmem>>, vector<1024x256xf32>
    %dot_general3A_1329 = arith.constant dense<0.000000e+00> : vector<512x1024xf32>
    %dot_general3A_1330 = tpu.matmul %slice3A_1325, %get3A_1328, %dot_general3A_1329 {dimension_numbers = #tpu.dot_dimension_numbers<[1], [1], [0], [0], [0, 0, 1, 0], [], []>, transpose_lhs_hint = false} : vector<512x256xf32>, vector<1024x256xf32>, vector<512x1024xf32> -> vector<512x1024xf32>
    %slice3A_1331 = vector.extract_strided_slice %dot_general3A_1330 {offsets = [0, 0], sizes = [512, 128], strides = [1, 1]} : vector<512x1024xf32> to vector<512x128xf32>
    %broadcast_in_dim3A_1332 = arith.constant 0 : i32
    %broadcast_in_dim3A_1333 = vector.broadcast %broadcast_in_dim3A_1332 : i32 to vector<512x128xi32>
    %slice3A_1334 = vector.extract_strided_slice %dot_general3A_1330 {offsets = [0, 128], sizes = [512, 128], strides = [1, 1]} : vector<512x1024xf32> to vector<512x128xf32>
    %gt3A_1335 = arith.cmpf ogt, %slice3A_1334, %slice3A_1331 : vector<512x128xf32>
    %select_n3A_1336 = arith.select %gt3A_1335, %slice3A_1334, %slice3A_1331 : vector<512x128xi1>, vector<512x128xf32>
    %jit3A_1337 = arith.constant 1 : i32
    %broadcast_in_dim3A_1338 = vector.broadcast %jit3A_1337 : i32 to vector<512x128xi32>
    %select_n3A_1339 = arith.select %gt3A_1335, %broadcast_in_dim3A_1338, %broadcast_in_dim3A_1333 : vector<512x128xi1>, vector<512x128xi32>
    %slice3A_1340 = vector.extract_strided_slice %dot_general3A_1330 {offsets = [0, 256], sizes = [512, 128], strides = [1, 1]} : vector<512x1024xf32> to vector<512x128xf32>
    %gt3A_1341 = arith.cmpf ogt, %slice3A_1340, %select_n3A_1336 : vector<512x128xf32>
    %select_n3A_1342 = arith.select %gt3A_1341, %slice3A_1340, %select_n3A_1336 : vector<512x128xi1>, vector<512x128xf32>
    %jit3A_1343 = arith.constant 2 : i32
    %broadcast_in_dim3A_1344 = vector.broadcast %jit3A_1343 : i32 to vector<512x128xi32>
    %select_n3A_1345 = arith.select %gt3A_1341, %broadcast_in_dim3A_1344, %select_n3A_1339 : vector<512x128xi1>, vector<512x128xi32>
    %slice3A_1346 = vector.extract_strided_slice %dot_general3A_1330 {offsets = [0, 384], sizes = [512, 128], strides = [1, 1]} : vector<512x1024xf32> to vector<512x128xf32>
    %gt3A_1347 = arith.cmpf ogt, %slice3A_1346, %select_n3A_1342 : vector<512x128xf32>
    %select_n3A_1348 = arith.select %gt3A_1347, %slice3A_1346, %select_n3A_1342 : vector<512x128xi1>, vector<512x128xf32>
    %jit3A_1349 = arith.constant 3 : i32
    %broadcast_in_dim3A_1350 = vector.broadcast %jit3A_1349 : i32 to vector<512x128xi32>
    %select_n3A_1351 = arith.select %gt3A_1347, %broadcast_in_dim3A_1350, %select_n3A_1345 : vector<512x128xi1>, vector<512x128xi32>
    %slice3A_1352 = vector.extract_strided_slice %dot_general3A_1330 {offsets = [0, 512], sizes = [512, 128], strides = [1, 1]} : vector<512x1024xf32> to vector<512x128xf32>
    %gt3A_1353 = arith.cmpf ogt, %slice3A_1352, %select_n3A_1348 : vector<512x128xf32>
    %select_n3A_1354 = arith.select %gt3A_1353, %slice3A_1352, %select_n3A_1348 : vector<512x128xi1>, vector<512x128xf32>
    %jit3A_1355 = arith.constant 4 : i32
    %broadcast_in_dim3A_1356 = vector.broadcast %jit3A_1355 : i32 to vector<512x128xi32>
    %select_n3A_1357 = arith.select %gt3A_1353, %broadcast_in_dim3A_1356, %select_n3A_1351 : vector<512x128xi1>, vector<512x128xi32>
    %slice3A_1358 = vector.extract_strided_slice %dot_general3A_1330 {offsets = [0, 640], sizes = [512, 128], strides = [1, 1]} : vector<512x1024xf32> to vector<512x128xf32>
    %gt3A_1359 = arith.cmpf ogt, %slice3A_1358, %select_n3A_1354 : vector<512x128xf32>
    %select_n3A_1360 = arith.select %gt3A_1359, %slice3A_1358, %select_n3A_1354 : vector<512x128xi1>, vector<512x128xf32>
    %jit3A_1361 = arith.constant 5 : i32
    %broadcast_in_dim3A_1362 = vector.broadcast %jit3A_1361 : i32 to vector<512x128xi32>
    %select_n3A_1363 = arith.select %gt3A_1359, %broadcast_in_dim3A_1362, %select_n3A_1357 : vector<512x128xi1>, vector<512x128xi32>
    %slice3A_1364 = vector.extract_strided_slice %dot_general3A_1330 {offsets = [0, 768], sizes = [512, 128], strides = [1, 1]} : vector<512x1024xf32> to vector<512x128xf32>
    %gt3A_1365 = arith.cmpf ogt, %slice3A_1364, %select_n3A_1360 : vector<512x128xf32>
    %select_n3A_1366 = arith.select %gt3A_1365, %slice3A_1364, %select_n3A_1360 : vector<512x128xi1>, vector<512x128xf32>
    %jit3A_1367 = arith.constant 6 : i32
    %broadcast_in_dim3A_1368 = vector.broadcast %jit3A_1367 : i32 to vector<512x128xi32>
    %select_n3A_1369 = arith.select %gt3A_1365, %broadcast_in_dim3A_1368, %select_n3A_1363 : vector<512x128xi1>, vector<512x128xi32>
    %slice3A_1370 = vector.extract_strided_slice %dot_general3A_1330 {offsets = [0, 896], sizes = [512, 128], strides = [1, 1]} : vector<512x1024xf32> to vector<512x128xf32>
    %gt3A_1371 = arith.cmpf ogt, %slice3A_1370, %select_n3A_1366 : vector<512x128xf32>
    %select_n3A_1372 = arith.select %gt3A_1371, %slice3A_1370, %select_n3A_1366 : vector<512x128xi1>, vector<512x128xf32>
    %jit3A_1373 = arith.constant 7 : i32
    %broadcast_in_dim3A_1374 = vector.broadcast %jit3A_1373 : i32 to vector<512x128xi32>
    %select_n3A_1375 = arith.select %gt3A_1371, %broadcast_in_dim3A_1374, %select_n3A_1369 : vector<512x128xi1>, vector<512x128xi32>
    %get3A_1376 = arith.constant 1024 : index
    %get3A_1377 = arith.constant 0 : index
    %get3A_1378 = vector.load %arg4[%get3A_1376, %get3A_1377] : memref<8192x256xf32, #tpu.memory_space<vmem>>, vector<1024x256xf32>
    %dot_general3A_1379 = arith.constant dense<0.000000e+00> : vector<512x1024xf32>
    %dot_general3A_1380 = tpu.matmul %slice3A_1325, %get3A_1378, %dot_general3A_1379 {dimension_numbers = #tpu.dot_dimension_numbers<[1], [1], [0], [0], [0, 0, 1, 0], [], []>, transpose_lhs_hint = false} : vector<512x256xf32>, vector<1024x256xf32>, vector<512x1024xf32> -> vector<512x1024xf32>
    %slice3A_1381 = vector.extract_strided_slice %dot_general3A_1380 {offsets = [0, 0], sizes = [512, 128], strides = [1, 1]} : vector<512x1024xf32> to vector<512x128xf32>
    %gt3A_1382 = arith.cmpf ogt, %slice3A_1381, %select_n3A_1372 : vector<512x128xf32>
    %select_n3A_1383 = arith.select %gt3A_1382, %slice3A_1381, %select_n3A_1372 : vector<512x128xi1>, vector<512x128xf32>
    %jit3A_1384 = arith.constant 8 : i32
    %broadcast_in_dim3A_1385 = vector.broadcast %jit3A_1384 : i32 to vector<512x128xi32>
    %select_n3A_1386 = arith.select %gt3A_1382, %broadcast_in_dim3A_1385, %select_n3A_1375 : vector<512x128xi1>, vector<512x128xi32>
    %slice3A_1387 = vector.extract_strided_slice %dot_general3A_1380 {offsets = [0, 128], sizes = [512, 128], strides = [1, 1]} : vector<512x1024xf32> to vector<512x128xf32>
    %gt3A_1388 = arith.cmpf ogt, %slice3A_1387, %select_n3A_1383 : vector<512x128xf32>
    %select_n3A_1389 = arith.select %gt3A_1388, %slice3A_1387, %select_n3A_1383 : vector<512x128xi1>, vector<512x128xf32>
    %jit3A_1390 = arith.constant 9 : i32
    %broadcast_in_dim3A_1391 = vector.broadcast %jit3A_1390 : i32 to vector<512x128xi32>
    %select_n3A_1392 = arith.select %gt3A_1388, %broadcast_in_dim3A_1391, %select_n3A_1386 : vector<512x128xi1>, vector<512x128xi32>
    %slice3A_1393 = vector.extract_strided_slice %dot_general3A_1380 {offsets = [0, 256], sizes = [512, 128], strides = [1, 1]} : vector<512x1024xf32> to vector<512x128xf32>
    %gt3A_1394 = arith.cmpf ogt, %slice3A_1393, %select_n3A_1389 : vector<512x128xf32>
    %select_n3A_1395 = arith.select %gt3A_1394, %slice3A_1393, %select_n3A_1389 : vector<512x128xi1>, vector<512x128xf32>
    %jit3A_1396 = arith.constant 10 : i32
    %broadcast_in_dim3A_1397 = vector.broadcast %jit3A_1396 : i32 to vector<512x128xi32>
    %select_n3A_1398 = arith.select %gt3A_1394, %broadcast_in_dim3A_1397, %select_n3A_1392 : vector<512x128xi1>, vector<512x128xi32>
    %slice3A_1399 = vector.extract_strided_slice %dot_general3A_1380 {offsets = [0, 384], sizes = [512, 128], strides = [1, 1]} : vector<512x1024xf32> to vector<512x128xf32>
    %gt3A_1400 = arith.cmpf ogt, %slice3A_1399, %select_n3A_1395 : vector<512x128xf32>
    %select_n3A_1401 = arith.select %gt3A_1400, %slice3A_1399, %select_n3A_1395 : vector<512x128xi1>, vector<512x128xf32>
    %jit3A_1402 = arith.constant 11 : i32
    %broadcast_in_dim3A_1403 = vector.broadcast %jit3A_1402 : i32 to vector<512x128xi32>
    %select_n3A_1404 = arith.select %gt3A_1400, %broadcast_in_dim3A_1403, %select_n3A_1398 : vector<512x128xi1>, vector<512x128xi32>
    %slice3A_1405 = vector.extract_strided_slice %dot_general3A_1380 {offsets = [0, 512], sizes = [512, 128], strides = [1, 1]} : vector<512x1024xf32> to vector<512x128xf32>
    %gt3A_1406 = arith.cmpf ogt, %slice3A_1405, %select_n3A_1401 : vector<512x128xf32>
    %select_n3A_1407 = arith.select %gt3A_1406, %slice3A_1405, %select_n3A_1401 : vector<512x128xi1>, vector<512x128xf32>
    %jit3A_1408 = arith.constant 12 : i32
    %broadcast_in_dim3A_1409 = vector.broadcast %jit3A_1408 : i32 to vector<512x128xi32>
    %select_n3A_1410 = arith.select %gt3A_1406, %broadcast_in_dim3A_1409, %select_n3A_1404 : vector<512x128xi1>, vector<512x128xi32>
    %slice3A_1411 = vector.extract_strided_slice %dot_general3A_1380 {offsets = [0, 640], sizes = [512, 128], strides = [1, 1]} : vector<512x1024xf32> to vector<512x128xf32>
    %gt3A_1412 = arith.cmpf ogt, %slice3A_1411, %select_n3A_1407 : vector<512x128xf32>
    %select_n3A_1413 = arith.select %gt3A_1412, %slice3A_1411, %select_n3A_1407 : vector<512x128xi1>, vector<512x128xf32>
    %jit3A_1414 = arith.constant 13 : i32
    %broadcast_in_dim3A_1415 = vector.broadcast %jit3A_1414 : i32 to vector<512x128xi32>
    %select_n3A_1416 = arith.select %gt3A_1412, %broadcast_in_dim3A_1415, %select_n3A_1410 : vector<512x128xi1>, vector<512x128xi32>
    %slice3A_1417 = vector.extract_strided_slice %dot_general3A_1380 {offsets = [0, 768], sizes = [512, 128], strides = [1, 1]} : vector<512x1024xf32> to vector<512x128xf32>
    %gt3A_1418 = arith.cmpf ogt, %slice3A_1417, %select_n3A_1413 : vector<512x128xf32>
    %select_n3A_1419 = arith.select %gt3A_1418, %slice3A_1417, %select_n3A_1413 : vector<512x128xi1>, vector<512x128xf32>
    %jit3A_1420 = arith.constant 14 : i32
    %broadcast_in_dim3A_1421 = vector.broadcast %jit3A_1420 : i32 to vector<512x128xi32>
    %select_n3A_1422 = arith.select %gt3A_1418, %broadcast_in_dim3A_1421, %select_n3A_1416 : vector<512x128xi1>, vector<512x128xi32>
    %slice3A_1423 = vector.extract_strided_slice %dot_general3A_1380 {offsets = [0, 896], sizes = [512, 128], strides = [1, 1]} : vector<512x1024xf32> to vector<512x128xf32>
    %gt3A_1424 = arith.cmpf ogt, %slice3A_1423, %select_n3A_1419 : vector<512x128xf32>
    %select_n3A_1425 = arith.select %gt3A_1424, %slice3A_1423, %select_n3A_1419 : vector<512x128xi1>, vector<512x128xf32>
    %jit3A_1426 = arith.constant 15 : i32
    %broadcast_in_dim3A_1427 = vector.broadcast %jit3A_1426 : i32 to vector<512x128xi32>
    %select_n3A_1428 = arith.select %gt3A_1424, %broadcast_in_dim3A_1427, %select_n3A_1422 : vector<512x128xi1>, vector<512x128xi32>
    %get3A_1429 = arith.constant 2048 : index
    %get3A_1430 = arith.constant 0 : index
    %get3A_1431 = vector.load %arg4[%get3A_1429, %get3A_1430] : memref<8192x256xf32, #tpu.memory_space<vmem>>, vector<1024x256xf32>
    %dot_general3A_1432 = arith.constant dense<0.000000e+00> : vector<512x1024xf32>
    %dot_general3A_1433 = tpu.matmul %slice3A_1325, %get3A_1431, %dot_general3A_1432 {dimension_numbers = #tpu.dot_dimension_numbers<[1], [1], [0], [0], [0, 0, 1, 0], [], []>, transpose_lhs_hint = false} : vector<512x256xf32>, vector<1024x256xf32>, vector<512x1024xf32> -> vector<512x1024xf32>
    %slice3A_1434 = vector.extract_strided_slice %dot_general3A_1433 {offsets = [0, 0], sizes = [512, 128], strides = [1, 1]} : vector<512x1024xf32> to vector<512x128xf32>
    %gt3A_1435 = arith.cmpf ogt, %slice3A_1434, %select_n3A_1425 : vector<512x128xf32>
    %select_n3A_1436 = arith.select %gt3A_1435, %slice3A_1434, %select_n3A_1425 : vector<512x128xi1>, vector<512x128xf32>
    %jit3A_1437 = arith.constant 16 : i32
    %broadcast_in_dim3A_1438 = vector.broadcast %jit3A_1437 : i32 to vector<512x128xi32>
    %select_n3A_1439 = arith.select %gt3A_1435, %broadcast_in_dim3A_1438, %select_n3A_1428 : vector<512x128xi1>, vector<512x128xi32>
    %slice3A_1440 = vector.extract_strided_slice %dot_general3A_1433 {offsets = [0, 128], sizes = [512, 128], strides = [1, 1]} : vector<512x1024xf32> to vector<512x128xf32>
    %gt3A_1441 = arith.cmpf ogt, %slice3A_1440, %select_n3A_1436 : vector<512x128xf32>
    %select_n3A_1442 = arith.select %gt3A_1441, %slice3A_1440, %select_n3A_1436 : vector<512x128xi1>, vector<512x128xf32>
    %jit3A_1443 = arith.constant 17 : i32
    %broadcast_in_dim3A_1444 = vector.broadcast %jit3A_1443 : i32 to vector<512x128xi32>
    %select_n3A_1445 = arith.select %gt3A_1441, %broadcast_in_dim3A_1444, %select_n3A_1439 : vector<512x128xi1>, vector<512x128xi32>
    %slice3A_1446 = vector.extract_strided_slice %dot_general3A_1433 {offsets = [0, 256], sizes = [512, 128], strides = [1, 1]} : vector<512x1024xf32> to vector<512x128xf32>
    %gt3A_1447 = arith.cmpf ogt, %slice3A_1446, %select_n3A_1442 : vector<512x128xf32>
    %select_n3A_1448 = arith.select %gt3A_1447, %slice3A_1446, %select_n3A_1442 : vector<512x128xi1>, vector<512x128xf32>
    %jit3A_1449 = arith.constant 18 : i32
    %broadcast_in_dim3A_1450 = vector.broadcast %jit3A_1449 : i32 to vector<512x128xi32>
    %select_n3A_1451 = arith.select %gt3A_1447, %broadcast_in_dim3A_1450, %select_n3A_1445 : vector<512x128xi1>, vector<512x128xi32>
    %slice3A_1452 = vector.extract_strided_slice %dot_general3A_1433 {offsets = [0, 384], sizes = [512, 128], strides = [1, 1]} : vector<512x1024xf32> to vector<512x128xf32>
    %gt3A_1453 = arith.cmpf ogt, %slice3A_1452, %select_n3A_1448 : vector<512x128xf32>
    %select_n3A_1454 = arith.select %gt3A_1453, %slice3A_1452, %select_n3A_1448 : vector<512x128xi1>, vector<512x128xf32>
    %jit3A_1455 = arith.constant 19 : i32
    %broadcast_in_dim3A_1456 = vector.broadcast %jit3A_1455 : i32 to vector<512x128xi32>
    %select_n3A_1457 = arith.select %gt3A_1453, %broadcast_in_dim3A_1456, %select_n3A_1451 : vector<512x128xi1>, vector<512x128xi32>
    %slice3A_1458 = vector.extract_strided_slice %dot_general3A_1433 {offsets = [0, 512], sizes = [512, 128], strides = [1, 1]} : vector<512x1024xf32> to vector<512x128xf32>
    %gt3A_1459 = arith.cmpf ogt, %slice3A_1458, %select_n3A_1454 : vector<512x128xf32>
    %select_n3A_1460 = arith.select %gt3A_1459, %slice3A_1458, %select_n3A_1454 : vector<512x128xi1>, vector<512x128xf32>
    %jit3A_1461 = arith.constant 20 : i32
    %broadcast_in_dim3A_1462 = vector.broadcast %jit3A_1461 : i32 to vector<512x128xi32>
    %select_n3A_1463 = arith.select %gt3A_1459, %broadcast_in_dim3A_1462, %select_n3A_1457 : vector<512x128xi1>, vector<512x128xi32>
    %slice3A_1464 = vector.extract_strided_slice %dot_general3A_1433 {offsets = [0, 640], sizes = [512, 128], strides = [1, 1]} : vector<512x1024xf32> to vector<512x128xf32>
    %gt3A_1465 = arith.cmpf ogt, %slice3A_1464, %select_n3A_1460 : vector<512x128xf32>
    %select_n3A_1466 = arith.select %gt3A_1465, %slice3A_1464, %select_n3A_1460 : vector<512x128xi1>, vector<512x128xf32>
    %jit3A_1467 = arith.constant 21 : i32
    %broadcast_in_dim3A_1468 = vector.broadcast %jit3A_1467 : i32 to vector<512x128xi32>
    %select_n3A_1469 = arith.select %gt3A_1465, %broadcast_in_dim3A_1468, %select_n3A_1463 : vector<512x128xi1>, vector<512x128xi32>
    %slice3A_1470 = vector.extract_strided_slice %dot_general3A_1433 {offsets = [0, 768], sizes = [512, 128], strides = [1, 1]} : vector<512x1024xf32> to vector<512x128xf32>
    %gt3A_1471 = arith.cmpf ogt, %slice3A_1470, %select_n3A_1466 : vector<512x128xf32>
    %select_n3A_1472 = arith.select %gt3A_1471, %slice3A_1470, %select_n3A_1466 : vector<512x128xi1>, vector<512x128xf32>
    %jit3A_1473 = arith.constant 22 : i32
    %broadcast_in_dim3A_1474 = vector.broadcast %jit3A_1473 : i32 to vector<512x128xi32>
    %select_n3A_1475 = arith.select %gt3A_1471, %broadcast_in_dim3A_1474, %select_n3A_1469 : vector<512x128xi1>, vector<512x128xi32>
    %slice3A_1476 = vector.extract_strided_slice %dot_general3A_1433 {offsets = [0, 896], sizes = [512, 128], strides = [1, 1]} : vector<512x1024xf32> to vector<512x128xf32>
    %gt3A_1477 = arith.cmpf ogt, %slice3A_1476, %select_n3A_1472 : vector<512x128xf32>
    %select_n3A_1478 = arith.select %gt3A_1477, %slice3A_1476, %select_n3A_1472 : vector<512x128xi1>, vector<512x128xf32>
    %jit3A_1479 = arith.constant 23 : i32
    %broadcast_in_dim3A_1480 = vector.broadcast %jit3A_1479 : i32 to vector<512x128xi32>
    %select_n3A_1481 = arith.select %gt3A_1477, %broadcast_in_dim3A_1480, %select_n3A_1475 : vector<512x128xi1>, vector<512x128xi32>
    %get3A_1482 = arith.constant 3072 : index
    %get3A_1483 = arith.constant 0 : index
    %get3A_1484 = vector.load %arg4[%get3A_1482, %get3A_1483] : memref<8192x256xf32, #tpu.memory_space<vmem>>, vector<1024x256xf32>
    %dot_general3A_1485 = arith.constant dense<0.000000e+00> : vector<512x1024xf32>
    %dot_general3A_1486 = tpu.matmul %slice3A_1325, %get3A_1484, %dot_general3A_1485 {dimension_numbers = #tpu.dot_dimension_numbers<[1], [1], [0], [0], [0, 0, 1, 0], [], []>, transpose_lhs_hint = false} : vector<512x256xf32>, vector<1024x256xf32>, vector<512x1024xf32> -> vector<512x1024xf32>
    %slice3A_1487 = vector.extract_strided_slice %dot_general3A_1486 {offsets = [0, 0], sizes = [512, 128], strides = [1, 1]} : vector<512x1024xf32> to vector<512x128xf32>
    %gt3A_1488 = arith.cmpf ogt, %slice3A_1487, %select_n3A_1478 : vector<512x128xf32>
    %select_n3A_1489 = arith.select %gt3A_1488, %slice3A_1487, %select_n3A_1478 : vector<512x128xi1>, vector<512x128xf32>
    %jit3A_1490 = arith.constant 24 : i32
    %broadcast_in_dim3A_1491 = vector.broadcast %jit3A_1490 : i32 to vector<512x128xi32>
    %select_n3A_1492 = arith.select %gt3A_1488, %broadcast_in_dim3A_1491, %select_n3A_1481 : vector<512x128xi1>, vector<512x128xi32>
    %slice3A_1493 = vector.extract_strided_slice %dot_general3A_1486 {offsets = [0, 128], sizes = [512, 128], strides = [1, 1]} : vector<512x1024xf32> to vector<512x128xf32>
    %gt3A_1494 = arith.cmpf ogt, %slice3A_1493, %select_n3A_1489 : vector<512x128xf32>
    %select_n3A_1495 = arith.select %gt3A_1494, %slice3A_1493, %select_n3A_1489 : vector<512x128xi1>, vector<512x128xf32>
    %jit3A_1496 = arith.constant 25 : i32
    %broadcast_in_dim3A_1497 = vector.broadcast %jit3A_1496 : i32 to vector<512x128xi32>
    %select_n3A_1498 = arith.select %gt3A_1494, %broadcast_in_dim3A_1497, %select_n3A_1492 : vector<512x128xi1>, vector<512x128xi32>
    %slice3A_1499 = vector.extract_strided_slice %dot_general3A_1486 {offsets = [0, 256], sizes = [512, 128], strides = [1, 1]} : vector<512x1024xf32> to vector<512x128xf32>
    %gt3A_1500 = arith.cmpf ogt, %slice3A_1499, %select_n3A_1495 : vector<512x128xf32>
    %select_n3A_1501 = arith.select %gt3A_1500, %slice3A_1499, %select_n3A_1495 : vector<512x128xi1>, vector<512x128xf32>
    %jit3A_1502 = arith.constant 26 : i32
    %broadcast_in_dim3A_1503 = vector.broadcast %jit3A_1502 : i32 to vector<512x128xi32>
    %select_n3A_1504 = arith.select %gt3A_1500, %broadcast_in_dim3A_1503, %select_n3A_1498 : vector<512x128xi1>, vector<512x128xi32>
    %slice3A_1505 = vector.extract_strided_slice %dot_general3A_1486 {offsets = [0, 384], sizes = [512, 128], strides = [1, 1]} : vector<512x1024xf32> to vector<512x128xf32>
    %gt3A_1506 = arith.cmpf ogt, %slice3A_1505, %select_n3A_1501 : vector<512x128xf32>
    %select_n3A_1507 = arith.select %gt3A_1506, %slice3A_1505, %select_n3A_1501 : vector<512x128xi1>, vector<512x128xf32>
    %jit3A_1508 = arith.constant 27 : i32
    %broadcast_in_dim3A_1509 = vector.broadcast %jit3A_1508 : i32 to vector<512x128xi32>
    %select_n3A_1510 = arith.select %gt3A_1506, %broadcast_in_dim3A_1509, %select_n3A_1504 : vector<512x128xi1>, vector<512x128xi32>
    %slice3A_1511 = vector.extract_strided_slice %dot_general3A_1486 {offsets = [0, 512], sizes = [512, 128], strides = [1, 1]} : vector<512x1024xf32> to vector<512x128xf32>
    %gt3A_1512 = arith.cmpf ogt, %slice3A_1511, %select_n3A_1507 : vector<512x128xf32>
    %select_n3A_1513 = arith.select %gt3A_1512, %slice3A_1511, %select_n3A_1507 : vector<512x128xi1>, vector<512x128xf32>
    %jit3A_1514 = arith.constant 28 : i32
    %broadcast_in_dim3A_1515 = vector.broadcast %jit3A_1514 : i32 to vector<512x128xi32>
    %select_n3A_1516 = arith.select %gt3A_1512, %broadcast_in_dim3A_1515, %select_n3A_1510 : vector<512x128xi1>, vector<512x128xi32>
    %slice3A_1517 = vector.extract_strided_slice %dot_general3A_1486 {offsets = [0, 640], sizes = [512, 128], strides = [1, 1]} : vector<512x1024xf32> to vector<512x128xf32>
    %gt3A_1518 = arith.cmpf ogt, %slice3A_1517, %select_n3A_1513 : vector<512x128xf32>
    %select_n3A_1519 = arith.select %gt3A_1518, %slice3A_1517, %select_n3A_1513 : vector<512x128xi1>, vector<512x128xf32>
    %jit3A_1520 = arith.constant 29 : i32
    %broadcast_in_dim3A_1521 = vector.broadcast %jit3A_1520 : i32 to vector<512x128xi32>
    %select_n3A_1522 = arith.select %gt3A_1518, %broadcast_in_dim3A_1521, %select_n3A_1516 : vector<512x128xi1>, vector<512x128xi32>
    %slice3A_1523 = vector.extract_strided_slice %dot_general3A_1486 {offsets = [0, 768], sizes = [512, 128], strides = [1, 1]} : vector<512x1024xf32> to vector<512x128xf32>
    %gt3A_1524 = arith.cmpf ogt, %slice3A_1523, %select_n3A_1519 : vector<512x128xf32>
    %select_n3A_1525 = arith.select %gt3A_1524, %slice3A_1523, %select_n3A_1519 : vector<512x128xi1>, vector<512x128xf32>
    %jit3A_1526 = arith.constant 30 : i32
    %broadcast_in_dim3A_1527 = vector.broadcast %jit3A_1526 : i32 to vector<512x128xi32>
    %select_n3A_1528 = arith.select %gt3A_1524, %broadcast_in_dim3A_1527, %select_n3A_1522 : vector<512x128xi1>, vector<512x128xi32>
    %slice3A_1529 = vector.extract_strided_slice %dot_general3A_1486 {offsets = [0, 896], sizes = [512, 128], strides = [1, 1]} : vector<512x1024xf32> to vector<512x128xf32>
    %gt3A_1530 = arith.cmpf ogt, %slice3A_1529, %select_n3A_1525 : vector<512x128xf32>
    %select_n3A_1531 = arith.select %gt3A_1530, %slice3A_1529, %select_n3A_1525 : vector<512x128xi1>, vector<512x128xf32>
    %jit3A_1532 = arith.constant 31 : i32
    %broadcast_in_dim3A_1533 = vector.broadcast %jit3A_1532 : i32 to vector<512x128xi32>
    %select_n3A_1534 = arith.select %gt3A_1530, %broadcast_in_dim3A_1533, %select_n3A_1528 : vector<512x128xi1>, vector<512x128xi32>
    %get3A_1535 = arith.constant 4096 : index
    %get3A_1536 = arith.constant 0 : index
    %get3A_1537 = vector.load %arg4[%get3A_1535, %get3A_1536] : memref<8192x256xf32, #tpu.memory_space<vmem>>, vector<1024x256xf32>
    %dot_general3A_1538 = arith.constant dense<0.000000e+00> : vector<512x1024xf32>
    %dot_general3A_1539 = tpu.matmul %slice3A_1325, %get3A_1537, %dot_general3A_1538 {dimension_numbers = #tpu.dot_dimension_numbers<[1], [1], [0], [0], [0, 0, 1, 0], [], []>, transpose_lhs_hint = false} : vector<512x256xf32>, vector<1024x256xf32>, vector<512x1024xf32> -> vector<512x1024xf32>
    %slice3A_1540 = vector.extract_strided_slice %dot_general3A_1539 {offsets = [0, 0], sizes = [512, 128], strides = [1, 1]} : vector<512x1024xf32> to vector<512x128xf32>
    %gt3A_1541 = arith.cmpf ogt, %slice3A_1540, %select_n3A_1531 : vector<512x128xf32>
    %select_n3A_1542 = arith.select %gt3A_1541, %slice3A_1540, %select_n3A_1531 : vector<512x128xi1>, vector<512x128xf32>
    %jit3A_1543 = arith.constant 32 : i32
    %broadcast_in_dim3A_1544 = vector.broadcast %jit3A_1543 : i32 to vector<512x128xi32>
    %select_n3A_1545 = arith.select %gt3A_1541, %broadcast_in_dim3A_1544, %select_n3A_1534 : vector<512x128xi1>, vector<512x128xi32>
    %slice3A_1546 = vector.extract_strided_slice %dot_general3A_1539 {offsets = [0, 128], sizes = [512, 128], strides = [1, 1]} : vector<512x1024xf32> to vector<512x128xf32>
    %gt3A_1547 = arith.cmpf ogt, %slice3A_1546, %select_n3A_1542 : vector<512x128xf32>
    %select_n3A_1548 = arith.select %gt3A_1547, %slice3A_1546, %select_n3A_1542 : vector<512x128xi1>, vector<512x128xf32>
    %jit3A_1549 = arith.constant 33 : i32
    %broadcast_in_dim3A_1550 = vector.broadcast %jit3A_1549 : i32 to vector<512x128xi32>
    %select_n3A_1551 = arith.select %gt3A_1547, %broadcast_in_dim3A_1550, %select_n3A_1545 : vector<512x128xi1>, vector<512x128xi32>
    %slice3A_1552 = vector.extract_strided_slice %dot_general3A_1539 {offsets = [0, 256], sizes = [512, 128], strides = [1, 1]} : vector<512x1024xf32> to vector<512x128xf32>
    %gt3A_1553 = arith.cmpf ogt, %slice3A_1552, %select_n3A_1548 : vector<512x128xf32>
    %select_n3A_1554 = arith.select %gt3A_1553, %slice3A_1552, %select_n3A_1548 : vector<512x128xi1>, vector<512x128xf32>
    %jit3A_1555 = arith.constant 34 : i32
    %broadcast_in_dim3A_1556 = vector.broadcast %jit3A_1555 : i32 to vector<512x128xi32>
    %select_n3A_1557 = arith.select %gt3A_1553, %broadcast_in_dim3A_1556, %select_n3A_1551 : vector<512x128xi1>, vector<512x128xi32>
    %slice3A_1558 = vector.extract_strided_slice %dot_general3A_1539 {offsets = [0, 384], sizes = [512, 128], strides = [1, 1]} : vector<512x1024xf32> to vector<512x128xf32>
    %gt3A_1559 = arith.cmpf ogt, %slice3A_1558, %select_n3A_1554 : vector<512x128xf32>
    %select_n3A_1560 = arith.select %gt3A_1559, %slice3A_1558, %select_n3A_1554 : vector<512x128xi1>, vector<512x128xf32>
    %jit3A_1561 = arith.constant 35 : i32
    %broadcast_in_dim3A_1562 = vector.broadcast %jit3A_1561 : i32 to vector<512x128xi32>
    %select_n3A_1563 = arith.select %gt3A_1559, %broadcast_in_dim3A_1562, %select_n3A_1557 : vector<512x128xi1>, vector<512x128xi32>
    %slice3A_1564 = vector.extract_strided_slice %dot_general3A_1539 {offsets = [0, 512], sizes = [512, 128], strides = [1, 1]} : vector<512x1024xf32> to vector<512x128xf32>
    %gt3A_1565 = arith.cmpf ogt, %slice3A_1564, %select_n3A_1560 : vector<512x128xf32>
    %select_n3A_1566 = arith.select %gt3A_1565, %slice3A_1564, %select_n3A_1560 : vector<512x128xi1>, vector<512x128xf32>
    %jit3A_1567 = arith.constant 36 : i32
    %broadcast_in_dim3A_1568 = vector.broadcast %jit3A_1567 : i32 to vector<512x128xi32>
    %select_n3A_1569 = arith.select %gt3A_1565, %broadcast_in_dim3A_1568, %select_n3A_1563 : vector<512x128xi1>, vector<512x128xi32>
    %slice3A_1570 = vector.extract_strided_slice %dot_general3A_1539 {offsets = [0, 640], sizes = [512, 128], strides = [1, 1]} : vector<512x1024xf32> to vector<512x128xf32>
    %gt3A_1571 = arith.cmpf ogt, %slice3A_1570, %select_n3A_1566 : vector<512x128xf32>
    %select_n3A_1572 = arith.select %gt3A_1571, %slice3A_1570, %select_n3A_1566 : vector<512x128xi1>, vector<512x128xf32>
    %jit3A_1573 = arith.constant 37 : i32
    %broadcast_in_dim3A_1574 = vector.broadcast %jit3A_1573 : i32 to vector<512x128xi32>
    %select_n3A_1575 = arith.select %gt3A_1571, %broadcast_in_dim3A_1574, %select_n3A_1569 : vector<512x128xi1>, vector<512x128xi32>
    %slice3A_1576 = vector.extract_strided_slice %dot_general3A_1539 {offsets = [0, 768], sizes = [512, 128], strides = [1, 1]} : vector<512x1024xf32> to vector<512x128xf32>
    %gt3A_1577 = arith.cmpf ogt, %slice3A_1576, %select_n3A_1572 : vector<512x128xf32>
    %select_n3A_1578 = arith.select %gt3A_1577, %slice3A_1576, %select_n3A_1572 : vector<512x128xi1>, vector<512x128xf32>
    %jit3A_1579 = arith.constant 38 : i32
    %broadcast_in_dim3A_1580 = vector.broadcast %jit3A_1579 : i32 to vector<512x128xi32>
    %select_n3A_1581 = arith.select %gt3A_1577, %broadcast_in_dim3A_1580, %select_n3A_1575 : vector<512x128xi1>, vector<512x128xi32>
    %slice3A_1582 = vector.extract_strided_slice %dot_general3A_1539 {offsets = [0, 896], sizes = [512, 128], strides = [1, 1]} : vector<512x1024xf32> to vector<512x128xf32>
    %gt3A_1583 = arith.cmpf ogt, %slice3A_1582, %select_n3A_1578 : vector<512x128xf32>
    %select_n3A_1584 = arith.select %gt3A_1583, %slice3A_1582, %select_n3A_1578 : vector<512x128xi1>, vector<512x128xf32>
    %jit3A_1585 = arith.constant 39 : i32
    %broadcast_in_dim3A_1586 = vector.broadcast %jit3A_1585 : i32 to vector<512x128xi32>
    %select_n3A_1587 = arith.select %gt3A_1583, %broadcast_in_dim3A_1586, %select_n3A_1581 : vector<512x128xi1>, vector<512x128xi32>
    %get3A_1588 = arith.constant 5120 : index
    %get3A_1589 = arith.constant 0 : index
    %get3A_1590 = vector.load %arg4[%get3A_1588, %get3A_1589] : memref<8192x256xf32, #tpu.memory_space<vmem>>, vector<1024x256xf32>
    %dot_general3A_1591 = arith.constant dense<0.000000e+00> : vector<512x1024xf32>
    %dot_general3A_1592 = tpu.matmul %slice3A_1325, %get3A_1590, %dot_general3A_1591 {dimension_numbers = #tpu.dot_dimension_numbers<[1], [1], [0], [0], [0, 0, 1, 0], [], []>, transpose_lhs_hint = false} : vector<512x256xf32>, vector<1024x256xf32>, vector<512x1024xf32> -> vector<512x1024xf32>
    %slice3A_1593 = vector.extract_strided_slice %dot_general3A_1592 {offsets = [0, 0], sizes = [512, 128], strides = [1, 1]} : vector<512x1024xf32> to vector<512x128xf32>
    %gt3A_1594 = arith.cmpf ogt, %slice3A_1593, %select_n3A_1584 : vector<512x128xf32>
    %select_n3A_1595 = arith.select %gt3A_1594, %slice3A_1593, %select_n3A_1584 : vector<512x128xi1>, vector<512x128xf32>
    %jit3A_1596 = arith.constant 40 : i32
    %broadcast_in_dim3A_1597 = vector.broadcast %jit3A_1596 : i32 to vector<512x128xi32>
    %select_n3A_1598 = arith.select %gt3A_1594, %broadcast_in_dim3A_1597, %select_n3A_1587 : vector<512x128xi1>, vector<512x128xi32>
    %slice3A_1599 = vector.extract_strided_slice %dot_general3A_1592 {offsets = [0, 128], sizes = [512, 128], strides = [1, 1]} : vector<512x1024xf32> to vector<512x128xf32>
    %gt3A_1600 = arith.cmpf ogt, %slice3A_1599, %select_n3A_1595 : vector<512x128xf32>
    %select_n3A_1601 = arith.select %gt3A_1600, %slice3A_1599, %select_n3A_1595 : vector<512x128xi1>, vector<512x128xf32>
    %jit3A_1602 = arith.constant 41 : i32
    %broadcast_in_dim3A_1603 = vector.broadcast %jit3A_1602 : i32 to vector<512x128xi32>
    %select_n3A_1604 = arith.select %gt3A_1600, %broadcast_in_dim3A_1603, %select_n3A_1598 : vector<512x128xi1>, vector<512x128xi32>
    %slice3A_1605 = vector.extract_strided_slice %dot_general3A_1592 {offsets = [0, 256], sizes = [512, 128], strides = [1, 1]} : vector<512x1024xf32> to vector<512x128xf32>
    %gt3A_1606 = arith.cmpf ogt, %slice3A_1605, %select_n3A_1601 : vector<512x128xf32>
    %select_n3A_1607 = arith.select %gt3A_1606, %slice3A_1605, %select_n3A_1601 : vector<512x128xi1>, vector<512x128xf32>
    %jit3A_1608 = arith.constant 42 : i32
    %broadcast_in_dim3A_1609 = vector.broadcast %jit3A_1608 : i32 to vector<512x128xi32>
    %select_n3A_1610 = arith.select %gt3A_1606, %broadcast_in_dim3A_1609, %select_n3A_1604 : vector<512x128xi1>, vector<512x128xi32>
    %slice3A_1611 = vector.extract_strided_slice %dot_general3A_1592 {offsets = [0, 384], sizes = [512, 128], strides = [1, 1]} : vector<512x1024xf32> to vector<512x128xf32>
    %gt3A_1612 = arith.cmpf ogt, %slice3A_1611, %select_n3A_1607 : vector<512x128xf32>
    %select_n3A_1613 = arith.select %gt3A_1612, %slice3A_1611, %select_n3A_1607 : vector<512x128xi1>, vector<512x128xf32>
    %jit3A_1614 = arith.constant 43 : i32
    %broadcast_in_dim3A_1615 = vector.broadcast %jit3A_1614 : i32 to vector<512x128xi32>
    %select_n3A_1616 = arith.select %gt3A_1612, %broadcast_in_dim3A_1615, %select_n3A_1610 : vector<512x128xi1>, vector<512x128xi32>
    %slice3A_1617 = vector.extract_strided_slice %dot_general3A_1592 {offsets = [0, 512], sizes = [512, 128], strides = [1, 1]} : vector<512x1024xf32> to vector<512x128xf32>
    %gt3A_1618 = arith.cmpf ogt, %slice3A_1617, %select_n3A_1613 : vector<512x128xf32>
    %select_n3A_1619 = arith.select %gt3A_1618, %slice3A_1617, %select_n3A_1613 : vector<512x128xi1>, vector<512x128xf32>
    %jit3A_1620 = arith.constant 44 : i32
    %broadcast_in_dim3A_1621 = vector.broadcast %jit3A_1620 : i32 to vector<512x128xi32>
    %select_n3A_1622 = arith.select %gt3A_1618, %broadcast_in_dim3A_1621, %select_n3A_1616 : vector<512x128xi1>, vector<512x128xi32>
    %slice3A_1623 = vector.extract_strided_slice %dot_general3A_1592 {offsets = [0, 640], sizes = [512, 128], strides = [1, 1]} : vector<512x1024xf32> to vector<512x128xf32>
    %gt3A_1624 = arith.cmpf ogt, %slice3A_1623, %select_n3A_1619 : vector<512x128xf32>
    %select_n3A_1625 = arith.select %gt3A_1624, %slice3A_1623, %select_n3A_1619 : vector<512x128xi1>, vector<512x128xf32>
    %jit3A_1626 = arith.constant 45 : i32
    %broadcast_in_dim3A_1627 = vector.broadcast %jit3A_1626 : i32 to vector<512x128xi32>
    %select_n3A_1628 = arith.select %gt3A_1624, %broadcast_in_dim3A_1627, %select_n3A_1622 : vector<512x128xi1>, vector<512x128xi32>
    %slice3A_1629 = vector.extract_strided_slice %dot_general3A_1592 {offsets = [0, 768], sizes = [512, 128], strides = [1, 1]} : vector<512x1024xf32> to vector<512x128xf32>
    %gt3A_1630 = arith.cmpf ogt, %slice3A_1629, %select_n3A_1625 : vector<512x128xf32>
    %select_n3A_1631 = arith.select %gt3A_1630, %slice3A_1629, %select_n3A_1625 : vector<512x128xi1>, vector<512x128xf32>
    %jit3A_1632 = arith.constant 46 : i32
    %broadcast_in_dim3A_1633 = vector.broadcast %jit3A_1632 : i32 to vector<512x128xi32>
    %select_n3A_1634 = arith.select %gt3A_1630, %broadcast_in_dim3A_1633, %select_n3A_1628 : vector<512x128xi1>, vector<512x128xi32>
    %slice3A_1635 = vector.extract_strided_slice %dot_general3A_1592 {offsets = [0, 896], sizes = [512, 128], strides = [1, 1]} : vector<512x1024xf32> to vector<512x128xf32>
    %gt3A_1636 = arith.cmpf ogt, %slice3A_1635, %select_n3A_1631 : vector<512x128xf32>
    %select_n3A_1637 = arith.select %gt3A_1636, %slice3A_1635, %select_n3A_1631 : vector<512x128xi1>, vector<512x128xf32>
    %jit3A_1638 = arith.constant 47 : i32
    %broadcast_in_dim3A_1639 = vector.broadcast %jit3A_1638 : i32 to vector<512x128xi32>
    %select_n3A_1640 = arith.select %gt3A_1636, %broadcast_in_dim3A_1639, %select_n3A_1634 : vector<512x128xi1>, vector<512x128xi32>
    %get3A_1641 = arith.constant 6144 : index
    %get3A_1642 = arith.constant 0 : index
    %get3A_1643 = vector.load %arg4[%get3A_1641, %get3A_1642] : memref<8192x256xf32, #tpu.memory_space<vmem>>, vector<1024x256xf32>
    %dot_general3A_1644 = arith.constant dense<0.000000e+00> : vector<512x1024xf32>
    %dot_general3A_1645 = tpu.matmul %slice3A_1325, %get3A_1643, %dot_general3A_1644 {dimension_numbers = #tpu.dot_dimension_numbers<[1], [1], [0], [0], [0, 0, 1, 0], [], []>, transpose_lhs_hint = false} : vector<512x256xf32>, vector<1024x256xf32>, vector<512x1024xf32> -> vector<512x1024xf32>
    %slice3A_1646 = vector.extract_strided_slice %dot_general3A_1645 {offsets = [0, 0], sizes = [512, 128], strides = [1, 1]} : vector<512x1024xf32> to vector<512x128xf32>
    %gt3A_1647 = arith.cmpf ogt, %slice3A_1646, %select_n3A_1637 : vector<512x128xf32>
    %select_n3A_1648 = arith.select %gt3A_1647, %slice3A_1646, %select_n3A_1637 : vector<512x128xi1>, vector<512x128xf32>
    %jit3A_1649 = arith.constant 48 : i32
    %broadcast_in_dim3A_1650 = vector.broadcast %jit3A_1649 : i32 to vector<512x128xi32>
    %select_n3A_1651 = arith.select %gt3A_1647, %broadcast_in_dim3A_1650, %select_n3A_1640 : vector<512x128xi1>, vector<512x128xi32>
    %slice3A_1652 = vector.extract_strided_slice %dot_general3A_1645 {offsets = [0, 128], sizes = [512, 128], strides = [1, 1]} : vector<512x1024xf32> to vector<512x128xf32>
    %gt3A_1653 = arith.cmpf ogt, %slice3A_1652, %select_n3A_1648 : vector<512x128xf32>
    %select_n3A_1654 = arith.select %gt3A_1653, %slice3A_1652, %select_n3A_1648 : vector<512x128xi1>, vector<512x128xf32>
    %jit3A_1655 = arith.constant 49 : i32
    %broadcast_in_dim3A_1656 = vector.broadcast %jit3A_1655 : i32 to vector<512x128xi32>
    %select_n3A_1657 = arith.select %gt3A_1653, %broadcast_in_dim3A_1656, %select_n3A_1651 : vector<512x128xi1>, vector<512x128xi32>
    %slice3A_1658 = vector.extract_strided_slice %dot_general3A_1645 {offsets = [0, 256], sizes = [512, 128], strides = [1, 1]} : vector<512x1024xf32> to vector<512x128xf32>
    %gt3A_1659 = arith.cmpf ogt, %slice3A_1658, %select_n3A_1654 : vector<512x128xf32>
    %select_n3A_1660 = arith.select %gt3A_1659, %slice3A_1658, %select_n3A_1654 : vector<512x128xi1>, vector<512x128xf32>
    %jit3A_1661 = arith.constant 50 : i32
    %broadcast_in_dim3A_1662 = vector.broadcast %jit3A_1661 : i32 to vector<512x128xi32>
    %select_n3A_1663 = arith.select %gt3A_1659, %broadcast_in_dim3A_1662, %select_n3A_1657 : vector<512x128xi1>, vector<512x128xi32>
    %slice3A_1664 = vector.extract_strided_slice %dot_general3A_1645 {offsets = [0, 384], sizes = [512, 128], strides = [1, 1]} : vector<512x1024xf32> to vector<512x128xf32>
    %gt3A_1665 = arith.cmpf ogt, %slice3A_1664, %select_n3A_1660 : vector<512x128xf32>
    %select_n3A_1666 = arith.select %gt3A_1665, %slice3A_1664, %select_n3A_1660 : vector<512x128xi1>, vector<512x128xf32>
    %jit3A_1667 = arith.constant 51 : i32
    %broadcast_in_dim3A_1668 = vector.broadcast %jit3A_1667 : i32 to vector<512x128xi32>
    %select_n3A_1669 = arith.select %gt3A_1665, %broadcast_in_dim3A_1668, %select_n3A_1663 : vector<512x128xi1>, vector<512x128xi32>
    %slice3A_1670 = vector.extract_strided_slice %dot_general3A_1645 {offsets = [0, 512], sizes = [512, 128], strides = [1, 1]} : vector<512x1024xf32> to vector<512x128xf32>
    %gt3A_1671 = arith.cmpf ogt, %slice3A_1670, %select_n3A_1666 : vector<512x128xf32>
    %select_n3A_1672 = arith.select %gt3A_1671, %slice3A_1670, %select_n3A_1666 : vector<512x128xi1>, vector<512x128xf32>
    %jit3A_1673 = arith.constant 52 : i32
    %broadcast_in_dim3A_1674 = vector.broadcast %jit3A_1673 : i32 to vector<512x128xi32>
    %select_n3A_1675 = arith.select %gt3A_1671, %broadcast_in_dim3A_1674, %select_n3A_1669 : vector<512x128xi1>, vector<512x128xi32>
    %slice3A_1676 = vector.extract_strided_slice %dot_general3A_1645 {offsets = [0, 640], sizes = [512, 128], strides = [1, 1]} : vector<512x1024xf32> to vector<512x128xf32>
    %gt3A_1677 = arith.cmpf ogt, %slice3A_1676, %select_n3A_1672 : vector<512x128xf32>
    %select_n3A_1678 = arith.select %gt3A_1677, %slice3A_1676, %select_n3A_1672 : vector<512x128xi1>, vector<512x128xf32>
    %jit3A_1679 = arith.constant 53 : i32
    %broadcast_in_dim3A_1680 = vector.broadcast %jit3A_1679 : i32 to vector<512x128xi32>
    %select_n3A_1681 = arith.select %gt3A_1677, %broadcast_in_dim3A_1680, %select_n3A_1675 : vector<512x128xi1>, vector<512x128xi32>
    %slice3A_1682 = vector.extract_strided_slice %dot_general3A_1645 {offsets = [0, 768], sizes = [512, 128], strides = [1, 1]} : vector<512x1024xf32> to vector<512x128xf32>
    %gt3A_1683 = arith.cmpf ogt, %slice3A_1682, %select_n3A_1678 : vector<512x128xf32>
    %select_n3A_1684 = arith.select %gt3A_1683, %slice3A_1682, %select_n3A_1678 : vector<512x128xi1>, vector<512x128xf32>
    %jit3A_1685 = arith.constant 54 : i32
    %broadcast_in_dim3A_1686 = vector.broadcast %jit3A_1685 : i32 to vector<512x128xi32>
    %select_n3A_1687 = arith.select %gt3A_1683, %broadcast_in_dim3A_1686, %select_n3A_1681 : vector<512x128xi1>, vector<512x128xi32>
    %slice3A_1688 = vector.extract_strided_slice %dot_general3A_1645 {offsets = [0, 896], sizes = [512, 128], strides = [1, 1]} : vector<512x1024xf32> to vector<512x128xf32>
    %gt3A_1689 = arith.cmpf ogt, %slice3A_1688, %select_n3A_1684 : vector<512x128xf32>
    %select_n3A_1690 = arith.select %gt3A_1689, %slice3A_1688, %select_n3A_1684 : vector<512x128xi1>, vector<512x128xf32>
    %jit3A_1691 = arith.constant 55 : i32
    %broadcast_in_dim3A_1692 = vector.broadcast %jit3A_1691 : i32 to vector<512x128xi32>
    %select_n3A_1693 = arith.select %gt3A_1689, %broadcast_in_dim3A_1692, %select_n3A_1687 : vector<512x128xi1>, vector<512x128xi32>
    %get3A_1694 = arith.constant 7168 : index
    %get3A_1695 = arith.constant 0 : index
    %get3A_1696 = vector.load %arg4[%get3A_1694, %get3A_1695] : memref<8192x256xf32, #tpu.memory_space<vmem>>, vector<1024x256xf32>
    %dot_general3A_1697 = arith.constant dense<0.000000e+00> : vector<512x1024xf32>
    %dot_general3A_1698 = tpu.matmul %slice3A_1325, %get3A_1696, %dot_general3A_1697 {dimension_numbers = #tpu.dot_dimension_numbers<[1], [1], [0], [0], [0, 0, 1, 0], [], []>, transpose_lhs_hint = false} : vector<512x256xf32>, vector<1024x256xf32>, vector<512x1024xf32> -> vector<512x1024xf32>
    %slice3A_1699 = vector.extract_strided_slice %dot_general3A_1698 {offsets = [0, 0], sizes = [512, 128], strides = [1, 1]} : vector<512x1024xf32> to vector<512x128xf32>
    %gt3A_1700 = arith.cmpf ogt, %slice3A_1699, %select_n3A_1690 : vector<512x128xf32>
    %select_n3A_1701 = arith.select %gt3A_1700, %slice3A_1699, %select_n3A_1690 : vector<512x128xi1>, vector<512x128xf32>
    %jit3A_1702 = arith.constant 56 : i32
    %broadcast_in_dim3A_1703 = vector.broadcast %jit3A_1702 : i32 to vector<512x128xi32>
    %select_n3A_1704 = arith.select %gt3A_1700, %broadcast_in_dim3A_1703, %select_n3A_1693 : vector<512x128xi1>, vector<512x128xi32>
    %slice3A_1705 = vector.extract_strided_slice %dot_general3A_1698 {offsets = [0, 128], sizes = [512, 128], strides = [1, 1]} : vector<512x1024xf32> to vector<512x128xf32>
    %gt3A_1706 = arith.cmpf ogt, %slice3A_1705, %select_n3A_1701 : vector<512x128xf32>
    %select_n3A_1707 = arith.select %gt3A_1706, %slice3A_1705, %select_n3A_1701 : vector<512x128xi1>, vector<512x128xf32>
    %jit3A_1708 = arith.constant 57 : i32
    %broadcast_in_dim3A_1709 = vector.broadcast %jit3A_1708 : i32 to vector<512x128xi32>
    %select_n3A_1710 = arith.select %gt3A_1706, %broadcast_in_dim3A_1709, %select_n3A_1704 : vector<512x128xi1>, vector<512x128xi32>
    %slice3A_1711 = vector.extract_strided_slice %dot_general3A_1698 {offsets = [0, 256], sizes = [512, 128], strides = [1, 1]} : vector<512x1024xf32> to vector<512x128xf32>
    %gt3A_1712 = arith.cmpf ogt, %slice3A_1711, %select_n3A_1707 : vector<512x128xf32>
    %select_n3A_1713 = arith.select %gt3A_1712, %slice3A_1711, %select_n3A_1707 : vector<512x128xi1>, vector<512x128xf32>
    %jit3A_1714 = arith.constant 58 : i32
    %broadcast_in_dim3A_1715 = vector.broadcast %jit3A_1714 : i32 to vector<512x128xi32>
    %select_n3A_1716 = arith.select %gt3A_1712, %broadcast_in_dim3A_1715, %select_n3A_1710 : vector<512x128xi1>, vector<512x128xi32>
    %slice3A_1717 = vector.extract_strided_slice %dot_general3A_1698 {offsets = [0, 384], sizes = [512, 128], strides = [1, 1]} : vector<512x1024xf32> to vector<512x128xf32>
    %gt3A_1718 = arith.cmpf ogt, %slice3A_1717, %select_n3A_1713 : vector<512x128xf32>
    %select_n3A_1719 = arith.select %gt3A_1718, %slice3A_1717, %select_n3A_1713 : vector<512x128xi1>, vector<512x128xf32>
    %jit3A_1720 = arith.constant 59 : i32
    %broadcast_in_dim3A_1721 = vector.broadcast %jit3A_1720 : i32 to vector<512x128xi32>
    %select_n3A_1722 = arith.select %gt3A_1718, %broadcast_in_dim3A_1721, %select_n3A_1716 : vector<512x128xi1>, vector<512x128xi32>
    %slice3A_1723 = vector.extract_strided_slice %dot_general3A_1698 {offsets = [0, 512], sizes = [512, 128], strides = [1, 1]} : vector<512x1024xf32> to vector<512x128xf32>
    %gt3A_1724 = arith.cmpf ogt, %slice3A_1723, %select_n3A_1719 : vector<512x128xf32>
    %select_n3A_1725 = arith.select %gt3A_1724, %slice3A_1723, %select_n3A_1719 : vector<512x128xi1>, vector<512x128xf32>
    %jit3A_1726 = arith.constant 60 : i32
    %broadcast_in_dim3A_1727 = vector.broadcast %jit3A_1726 : i32 to vector<512x128xi32>
    %select_n3A_1728 = arith.select %gt3A_1724, %broadcast_in_dim3A_1727, %select_n3A_1722 : vector<512x128xi1>, vector<512x128xi32>
    %slice3A_1729 = vector.extract_strided_slice %dot_general3A_1698 {offsets = [0, 640], sizes = [512, 128], strides = [1, 1]} : vector<512x1024xf32> to vector<512x128xf32>
    %gt3A_1730 = arith.cmpf ogt, %slice3A_1729, %select_n3A_1725 : vector<512x128xf32>
    %select_n3A_1731 = arith.select %gt3A_1730, %slice3A_1729, %select_n3A_1725 : vector<512x128xi1>, vector<512x128xf32>
    %jit3A_1732 = arith.constant 61 : i32
    %broadcast_in_dim3A_1733 = vector.broadcast %jit3A_1732 : i32 to vector<512x128xi32>
    %select_n3A_1734 = arith.select %gt3A_1730, %broadcast_in_dim3A_1733, %select_n3A_1728 : vector<512x128xi1>, vector<512x128xi32>
    %slice3A_1735 = vector.extract_strided_slice %dot_general3A_1698 {offsets = [0, 768], sizes = [512, 128], strides = [1, 1]} : vector<512x1024xf32> to vector<512x128xf32>
    %gt3A_1736 = arith.cmpf ogt, %slice3A_1735, %select_n3A_1731 : vector<512x128xf32>
    %select_n3A_1737 = arith.select %gt3A_1736, %slice3A_1735, %select_n3A_1731 : vector<512x128xi1>, vector<512x128xf32>
    %jit3A_1738 = arith.constant 62 : i32
    %broadcast_in_dim3A_1739 = vector.broadcast %jit3A_1738 : i32 to vector<512x128xi32>
    %select_n3A_1740 = arith.select %gt3A_1736, %broadcast_in_dim3A_1739, %select_n3A_1734 : vector<512x128xi1>, vector<512x128xi32>
    %slice3A_1741 = vector.extract_strided_slice %dot_general3A_1698 {offsets = [0, 896], sizes = [512, 128], strides = [1, 1]} : vector<512x1024xf32> to vector<512x128xf32>
    %gt3A_1742 = arith.cmpf ogt, %slice3A_1741, %select_n3A_1737 : vector<512x128xf32>
    %select_n3A_1743 = arith.select %gt3A_1742, %slice3A_1741, %select_n3A_1737 : vector<512x128xi1>, vector<512x128xf32>
    %jit3A_1744 = arith.constant 63 : i32
    %broadcast_in_dim3A_1745 = vector.broadcast %jit3A_1744 : i32 to vector<512x128xi32>
    %select_n3A_1746 = arith.select %gt3A_1742, %broadcast_in_dim3A_1745, %select_n3A_1740 : vector<512x128xi1>, vector<512x128xi32>
    %mul3A_1747 = arith.constant 128 : i32
    %mul3A_1748 = vector.broadcast %mul3A_1747 : i32 to vector<512x128xi32>
    %mul3A_1749 = arith.muli %select_n3A_1746, %mul3A_1748 : vector<512x128xi32>
    %add3A_1750 = arith.addi %mul3A_1749, %iota3A : vector<512x128xi32>
    %reduce_max3A_1751 = arith.constant dense<0xFF800000> : vector<512xf32>
    %reduce_max3A_1752 = vector.multi_reduction <maximumf>, %select_n3A_1743, %reduce_max3A_1751 [1] : vector<512x128xf32> to vector<512xf32>
    %broadcast_in_dim3A_1753 = vector.shape_cast %reduce_max3A_1752 : vector<512xf32> to vector<512x1xf32>
    %eq3A_1754 = vector.broadcast %broadcast_in_dim3A_1753 : vector<512x1xf32> to vector<512x128xf32>
    %eq3A_1755 = arith.cmpf oeq, %select_n3A_1743, %eq3A_1754 : vector<512x128xf32>
    %jit3A_1756 = arith.constant 8192 : i32
    %broadcast_in_dim3A_1757 = vector.broadcast %jit3A_1756 : i32 to vector<512x128xi32>
    %select_n3A_1758 = arith.select %eq3A_1755, %add3A_1750, %broadcast_in_dim3A_1757 : vector<512x128xi1>, vector<512x128xi32>
    %reduce_min3A_1759 = arith.constant dense<2147483647> : vector<512xi32>
    %reduce_min3A_1760 = vector.multi_reduction <minsi>, %select_n3A_1758, %reduce_min3A_1759 [1] : vector<512x128xi32> to vector<512xi32>
    %swap3A_1761 = arith.constant 0 : index
    %swap3A_1762 = arith.constant 0 : index
    %swap3A_1763 = arith.constant 1536 : index
    %swap3A_1764 = vector.load %arg3[%swap3A_1761, %swap3A_1762, %swap3A_1763] : memref<1x1x2048xi32, #tpu.memory_space<vmem>>, vector<1x1x512xi32>
    %swap3A_1765 = vector.shape_cast %swap3A_1764 : vector<1x1x512xi32> to vector<512xi32>
    %swap3A_1766 = vector.shape_cast %reduce_min3A_1760 : vector<512xi32> to vector<1x1x512xi32>
    tpu.vector_store %arg3[%swap3A_1761, %swap3A_1762, %swap3A_1763], %swap3A_1766 {strides = array<i32>} : memref<1x1x2048xi32, #tpu.memory_space<vmem>>, vector<1x1x512xi32>,
    return
  }
  func.func @transform_0(%arg0: i32) -> (i32, i32) {
    %c0_i32 = arith.constant 0 : i32
    %c0_i32_0 = arith.constant 0 : i32
    return %arg0, %c0_i32 : i32, i32
  }
  func.func @transform_1(%arg0: i32) -> (i32, i32) {
    %c0_i32 = arith.constant 0 : i32
    %c0_i32_0 = arith.constant 0 : i32
    %c0_i32_1 = arith.constant 0 : i32
    return %c0_i32, %c0_i32_0 : i32, i32
  }
  func.func @transform_2(%arg0: i32) -> (i32, i32, i32) {
    %c0_i32 = arith.constant 0 : i32
    %c0_i32_0 = arith.constant 0 : i32
    %c0_i32_1 = arith.constant 0 : i32
    return %arg0, %c0_i32, %c0_i32_0 : i32, i32, i32
  }
}

</mosaic_0001>

<sc_bundles>
// kernel: kernel.5.cloned.1.call-start
scs
__scs_entry_jumppad:
0x0: {  	(pc) =	sbr.rel $0x88, $3  }
0x1: {  	(tag) =	ssettag $0x0;
	lr =	simm.s32 $0x1  }
0x2: {  	[smem:$0x3F9F] =	sst lr;
	_ =	strace $0xD0000000  }
0x3: {  	_ = 	snop  }
0x4: {  	_ = 	snop  }
0x5: {  	_ = 	snop  }
0x6: {  	_ = 	snop  }
0x7: {  	_ = 	snop  }
__scs_overlays_trampoline_lowered:
0x8: {  	[smem:$0x3FAE] =	sst s0  }
0x9: {  	[smem:$0x3FAF] =	sst s1  }
0xa: {  	[smem:$0x3FB0] =	sst s2  }
0xb: {  	[smem:$0x3FB1] =	sst s3  }
0xc: {  	[smem:$0x3FB2] =	sst s4  }
0xd: {  	[smem:$0x3FB3] =	sst s5  }
0xe: {  	[smem:$0x3FB4] =	sst s6  }
0xf: {  	[smem:$0x3FB5] =	sst s7  }
0x10: {  	[smem:$0x3FB6] =	sst s8  }
0x11: {  	[smem:$0x3FB7] =	sst s9;
	s0 =	simm.s32 @!p0 $0x0  }
0x12: {  	s1 =	sld [smem:$0x3F9D];
	s0 =	simm.s32 @p0 $0x1  }
0x13: {  	[smem:$0x3FB8] =	sst s0;
	s0 =	simm.s32 @!p1 $0x0  }
0x14: {  	s2 =	sld [smem:$0x3F9C];
	s0 =	simm.s32 @p1 $0x1  }
0x15: {  	[smem:$0x3FB9] =	sst s0;
	s0 =	simm.s32 @!p2 $0x0  }
0x16: {  	s3 =	sld [smem:$0x3FDB];
	s0 =	simm.s32 @p2 $0x1  }
0x17: {  	s4 =	simm.s32 $0x1BF5;
	[smem:$0x3FBB] =	sst s0  }
0x18: {  	s0 =	sld [smem:$0x3F9E];
	_ =	swait.ge [sflag:s4], $0x0  }
0x19: {  	s7 =	sld [smem:$0x3F9F]  }
0x1a: {  	s8 =	sadd.s32 $0xFFFFE003, lr  }
0x1b: {  	s9 =	sadd.s32 $0xFFFFFEF7, lr;
	s5 =	simm.s32 $0xFFFFFFFF;
	p2 =	slt.u32 s8, $0xFFFFF086  }
0x1c: {  	p1 =	slt.u32 s9, $0xF7A;
	s5 =	simm.s32 @!p2 $0x0  }
0x1d: {  	s5 =	simm.s32 @p1 $0x1;
	p0 =	seq.s32 s7, s2  }
0x1e: {  	s7 =	smul.u32 @!p0 $0xF7A, s2;
	p2 =	seq.s32 @!p0 s5, $0x0  }
0x1f: {  	s9 =	smul.u32 $0xF7A, s1;
	s8 =	simm.s32 @!p0 $0x1BF5;
	p2 =	por !p2, p0  }
0x20: {  	[sflag:s8] =	ssyncset.s32 @!p0 $0xFFFFF086;
	s6 =	sadd.s32 @!p0 s3, s7;
	s7 =	simm.s32 @!p0 $0x108  }
0x21: {  	s3 =	sadd.s32 s3, s9;
	s6 =	sadd.s32 @!p0 $0x88, s6;
	s7 =	simm.s32 @p2 $0x1082  }
0x22: {  	[simem:s7], [sflag:s8] =	dma.local @!p0 [hbm:s6], $0xF7A  }
0x23: {  	s9 =	sor.u32 $0xD0000000, s2;
	s6 =	simm.s32 $0x108;
	_ =	swait.ge @!p0 [sflag:s8], $0x0  }
0x24: {  	s3 =	sadd.s32 $0x88, s3;
	s6 =	simm.s32 @!p1 $0x1082;
	[sflag:s4] =	ssyncset.s32 $0xFFFFF086  }
0x25: {  	[simem:s6], [sflag:s4] =	dma.local [hbm:s3], $0xF7A  }
0x26: {  	[smem:$0x3F9F] =	sst s1;
	(tag) =	ssettag s2;
	_ =	strace s9  }
0x27: {  	s1 =	sld [smem:$0x3FAF]  }
0x28: {  	s2 =	sld [smem:$0x3FB0]  }
0x29: {  	s4 =	sld [smem:$0x3FB2]  }
0x2a: {  	p0 =	seq.s32 s5, $0x0;
	s5 =	sld [smem:$0x3FB3]  }
0x2b: {  	s6 =	sld [smem:$0x3FB4]  }
0x2c: {  	s7 =	sld [smem:$0x3FB5]  }
0x2d: {  	s3 =	simm.s32 $0x108;
	s8 =	sld [smem:$0x3FB6]  }
0x2e: {  	s3 =	simm.s32 @!p0 $0x1082;
	s9 =	sld [smem:$0x3FB7]  }
0x2f: {  	lr =	sadd.s32 s0, s3;
	s0 =	sld [smem:$0x3FAE]  }
0x30: {  	s3 =	sld [smem:$0x3FB1]  }
0x31: {  	[smem:$0x3FBA] =	sst s10  }
0x32: {  	s10 =	sld [smem:$0x3FB8];
	_ =	sdelay $0x3  }
0x33: {  	p0 =	seq.s32 s10, $0x1;
	s10 =	sld [smem:$0x3FBA];
	_ =	sdelay $0x3  }
0x34: {  	[smem:$0x3FBA] =	sst s10  }
0x35: {  	s10 =	sld [smem:$0x3FB9];
	_ =	sdelay $0x3  }
0x36: {  	p1 =	seq.s32 s10, $0x1;
	s10 =	sld [smem:$0x3FBA];
	_ =	sdelay $0x3  }
0x37: {  	[smem:$0x3FBA] =	sst s10  }
0x38: {  	s10 =	sld [smem:$0x3FBB]  }
0x39: {  	_ = 	snop;
	(pc) =	sbr.ind lr, $3  }
0x3a: {  	_ = 	snop  }
0x3b: {  	_ = 	snop  }
0x3c: {  	p2 =	seq.s32 s10, $0x1;
	s10 =	sld [smem:$0x3FBA]  }
0x3d: {  	_ =	shalt  }
0x3e: {  	_ =	shalt  }
0x3f: {  	_ =	shalt  }
0x40: {  	_ =	shalt  }
0x41: {  	_ =	shalt  }
0x42: {  	_ =	shalt  }
0x43: {  	_ =	shalt  }
0x44: {  	_ =	shalt  }
0x45: {  	_ =	shalt  }
0x46: {  	_ =	shalt  }
0x47: {  	_ =	shalt  }
0x48: {  	_ =	shalt  }
0x49: {  	_ =	shalt  }
0x4a: {  	_ =	shalt  }
0x4b: {  	_ =	shalt  }
0x4c: {  	_ =	shalt  }
0x4d: {  	_ =	shalt  }
0x4e: {  	_ =	shalt  }
0x4f: {  	_ =	shalt  }
0x50: {  	_ =	shalt  }
0x51: {  	_ =	shalt  }
0x52: {  	_ =	shalt  }
0x53: {  	_ =	shalt  }
0x54: {  	_ =	shalt  }
0x55: {  	_ =	shalt  }
0x56: {  	_ =	shalt  }
0x57: {  	_ =	shalt  }
0x58: {  	_ =	shalt  }
0x59: {  	_ =	shalt  }
0x5a: {  	_ =	shalt  }
0x5b: {  	_ =	shalt  }
0x5c: {  	_ =	shalt  }
0x5d: {  	_ =	shalt  }
0x5e: {  	_ =	shalt  }
0x5f: {  	_ =	shalt  }
0x60: {  	_ =	shalt  }
0x61: {  	_ =	shalt  }
0x62: {  	_ =	shalt  }
0x63: {  	_ =	shalt  }
0x64: {  	_ =	shalt  }
0x65: {  	_ =	shalt  }
0x66: {  	_ =	shalt  }
0x67: {  	_ =	shalt  }
0x68: {  	_ =	shalt  }
0x69: {  	_ =	shalt  }
0x6a: {  	_ =	shalt  }
0x6b: {  	_ =	shalt  }
0x6c: {  	_ =	shalt  }
0x6d: {  	_ =	shalt  }
0x6e: {  	_ =	shalt  }
0x6f: {  	_ =	shalt  }
0x70: {  	_ =	shalt  }
0x71: {  	_ =	shalt  }
0x72: {  	_ =	shalt  }
0x73: {  	_ =	shalt  }
0x74: {  	_ =	shalt  }
0x75: {  	_ =	shalt  }
0x76: {  	_ =	shalt  }
0x77: {  	_ =	shalt  }
0x78: {  	_ =	shalt  }
0x79: {  	_ =	shalt  }
0x7a: {  	_ =	shalt  }
0x7b: {  	_ =	shalt  }
0x7c: {  	_ =	shalt  }
0x7d: {  	_ =	shalt  }
0x7e: {  	_ =	shalt  }
0x7f: {  	_ =	shalt  }
0x80: {  	_ =	shalt  }
0x81: {  	_ =	shalt  }
0x82: {  	_ =	shalt  }
0x83: {  	_ =	shalt  }
0x84: {  	_ =	shalt  }
0x85: {  	_ =	shalt  }
0x86: {  	_ =	shalt  }
0x87: {  	_ =	shalt  }
.Lfunc_end0:
.L_simem_size_0:
called_computation_lowered:
.L_overlay_start_0:
0x88: {  	s2 =	sld [smem:$0x3FD9]  }
0x89: {  	s3 =	sld [smem:$0x3FFE];
	_ =	sdelay $0x1  }
0x8a: {  	s1 =	srdreg.scid  }
0x8b: {  	s0 =	sand.u32 $0x1, s1  }
0x8c: {  	s14 =	sshll.u32 s0, $0xA;
	s2 =	sadd.s32 s3, s2  }
0x8d: {  	s2 =	sadd.s32 s2, s14  }
0x8e: {  	[smem:$0x3FC6] =	sst s2  }
0x8f: {  	_ = 	snop  }
0x90: {  	s2 =	sld [smem:$0x3FD0];
	_ =	sdelay $0x2  }
0x91: {  	s4 =	simm.s32 $0xA;
	s5 =	simm.s32 $0x10;
	s15 =	sld [smem:$0x3FC8]  }
0x92: {  	[smem:s5], [sflag:s4] =	dma.local [hbm:s2], $0x1  }
0x93: {  	_ =	swait.eq [sflag:s4], $0x1  }
0x94: {  	[sflag:s4] =	ssyncset.done $0x0  }
0x95: {  	[sflag:s4] =	ssyncadd.s32 $0xFFFFFFFF  }
0x96: {  	s16 =	sld [smem:$0x12];
	(tm) =	ssettm $0x1  }
0x97: {  	s17 =	sld [smem:$0x3FFB];
	_ =	sdelay $0x3  }
0x98: {  	_ =	strace s17  }
0x99: {  	s4 =	sld [smem:$0x3FFC];
	_ =	sdelay $0x3  }
0x9a: {  	_ =	strace s4  }
0x9b: {  	s4 =	sld [smem:$0x3FFD];
	_ =	sdelay $0x3  }
0x9c: {  	_ =	strace s4  }
0x9d: {  	_ =	strace $0x8FFFFFFF  }
0x9e: {  	s18 =	sld [smem:$0x3FDB];
	_ =	sdelay $0x1  }
0x9f: {  	s19 =	simm.s32 $_scs_section_size  }
0xa0: {  	s6 =	simm.s32 $_size__tile_overlayer_lowered;
	s7 =	simm.s32 $_tile_overlayer_lowered  }
0xa1: {  	s22 =	simm.s32 $0x1BFF;
	s21 =	sshll.u32 s7, $0x1;
	s4 =	sadd.s32 s19, s18  }
0xa2: {  	s8 =	simm.s32 $0x0;
	s20 =	sshll.u32 s6, $0x1;
	s6 =	sadd.s32 s21, s4  }
0xa3: {  	[timem:s8], [sflag:s22] =	dma.local [hbm:s6], s20  }
0xa4: {  	_ =	swait.ge [sflag:s22], s20  }
0xa5: {  	s5 =	ssub.s32 $0x0, s20;
	[sflag:s22] =	ssyncset.done $0x0  }
0xa6: {  	[sflag:s22] =	ssyncadd.s32 s5;
	_ =	sdelay $0x1  }
0xa7: {  	s23 =	simm.s32 $0x1B8B  }
0xa8: {  	_ =	swait.ge [sflag:s23], $0x1  }
0xa9: {  	[sflag:s23] =	ssyncset.done $0x0  }
0xaa: {  	s25 =	simm.s32 $0x1B8E;
	s24 =	sld [smem:$0x3FFE];
	[sflag:s23] =	ssyncadd.s32 $0xFFFFFFFF  }
0xab: {  	s26 =	simm.s32 $execute0_lowered;
	[smem:$0x3FD2] =	sst s25  }
0xac: {  	s6 =	sshll.u32 s26, $0x1;
	_ =	strace $0x80000046;
	[dreg:$0x1] =	wrdreg $0xFFFFFFFF  }
0xad: {  	s28 =	simm.s32 $_size_execute0_lowered;
	s4 =	sadd.s32 s4, s6;
	[dreg:$0x0] =	wrdreg $0x0  }
0xae: {  	s6 =	sshll.u32 s28, $0x1;
	[dreg:$0x2] =	wrdreg s4  }
0xaf: {  	[dreg:$0x3] =	wrdreg s6  }
0xb0: {  	[dreg:$0x4] =	wrdreg $0xC0  }
0xb1: {  	_ =	task [dreg:s8], $0x5FFFF  }
0xb2: {  	[dreg:$0x1] =	wrdreg $0xFFFFFFFF  }
0xb3: {  	[dreg:$0x0] =	wrdreg $0x60  }
0xb4: {  	[dreg:$0x2] =	wrdreg s15  }
0xb5: {  	[dreg:$0x3] =	wrdreg s16  }
0xb6: {  	[dreg:$0x4] =	wrdreg s24  }
0xb7: {  	[dreg:$0x5] =	wrdreg $0x9  }
0xb8: {  	_ =	task.clear_ibuf [dreg:s8], $0x6FFFF;
	_ =	strace $0x90000046  }
0xb9: {  	s29 =	simm.s32 $0x9;
	_ =	strace $0x80000048  }
0xba: {  	_ =	swait.ge [sflag:s29], $0x1  }
0xbb: {  	[sflag:s29] =	ssyncadd.s32 $0xFFFFFFFF  }
0xbc: {  	_ =	strace $0x90000048  }
0xbd: {  	_ =	sfence  }
0xbe: {  	s30 =	sld [smem:$0x0];
	_ =	sdelay $0x2  }
0xbf: {  	s31 =	sshll.u32 s1, $0xD;
	s1 =	sshrl.u32 s1, $0x2  }
0xc0: {  	s3 =	sand.u32 $0x4000, s31;
	s1 =	sadd.s32 s1, s30  }
0xc1: {  	s0 =	sor.u32 s3, s0;
	s1 =	sshll.u32 s1, $0x11  }
0xc2: {  	s0 =	sor.u32 s1, s0  }
0xc3: {  	s0 =	sadd.s32 $0x8F2B, s0  }
0xc4: {  	[sflag:s0] =	ssyncadd.remote.s32 $0x1  }
0xc5: {  	_ =	sfence.sel $0xFFFF  }
0xc6: {  	[dreg:$0x0] =	wrdreg $0xFFFFFFFF;
	(pc) =	sbr.abs _section_cstart, $3  }
0xc7: {  	[dreg:$0x1] =	wrdreg $0xFFFFFFFF  }
0xc8: {  	_ =	task.clear_ibuf [dreg:s8], $0x2FFFF;
	_ =	strace $0x9FFFFFFF  }
0xc9: {  	(tm) =	ssettm $0x7FFFFFFF  }
tec
execute0_lowered:
.L_overlay_start_1:
0x0: {  	(tag) =	ssettag $0x1  }
0x1: {  	s1 =	rddreg [dreg:$0x0]  }
0x2: {  	s0 =	srdreg.scid;
	s2 =	rddreg [dreg:$0x1]  }
0x3: {  	s3 =	stileid.u32;
	s4 =	rddreg [dreg:$0x2]  }
0x4: {  	s13 =	simm.s32 $0x2;
	s15 =	simm.s32 $0xA00;
	s16 =	simm.s32 $0x1200  }
0x5: {  	s17 =	simm.s32 $0x1A00;
	s18 =	simm.s32 $0x2200;
	s19 =	simm.s32 $0x2A00  }
0x6: {  	s20 =	simm.s32 $0x3200;
	s21 =	simm.s32 $0x3A00;
	s28 =	simm.s32 $0x6200  }
0x7: {  	s29 =	simm.s32 $0x6A00;
	s30 =	simm.s32 $0x7200;
	s31 =	simm.s32 $0x7A00  }
0x8: {  	s7 =	simm.s32 $0x9A00;
	s8 =	simm.s32 $0xA200;
	s9 =	simm.s32 $0xAA00  }
0x9: {  	s10 =	simm.s32 $0xB200;
	s11 =	simm.s32 $0xBA00;
	s0 =	sand.u32 $0x1, s0  }
0xa: {  	s5 =	sshll.u32 s3, $0xA;
	s3 =	simm.s32 $0x0;
	s6 =	sshll.u32 s0, $0x9  }
0xb: {  	[smem:$0x7FF] =	sst s3;
	s0 =	ssub.s32 $0x2, s0;
	s5 =	sor.u32 s6, s5  }
0xc: {  	_ =	strace $0x80000047;
	s6 =	sshll.u32 s5, $0x5;
	s5 =	sshrl.u32 s5, $0x3  }
0xd: {  	s25 =	sshrl.u32 s0, $0x1;
	s4 =	sadd.s32 s6, s4;
	s2 =	sadd.s32 s2, s5  }
0xe: {  	s0 =	ssub.s32 s0, s25;
	[dreg:$0x4] =	wrdreg s2;
	s22 =	sadd.s32 $0x1800, s4  }
0xf: {  	s25 =	simm.s32 $0x5200;
	s23 =	sadd.s32 $0x2800, s4;
	[dreg:$0x5] =	wrdreg s22  }
0x10: {  	s5 =	simm.s32 $0x3;
	s24 =	sadd.s32 $0x3800, s4;
	[dreg:$0x6] =	wrdreg s23  }
0x11: {  	v2 =	vlaneseq.u32;
	s26 =	sadd.s32 $0x4800, s4;
	s4 =	smax.u32 s0, $0x1;
	[dreg:$0x7] =	wrdreg s24  }
0x12: {  	vm0 =	vmmov $0xffff;
	v1 =	vshrl.u32 v2, $0x3;
	s2 =	simm.s32 $0x1;
	[dreg:$0x8] =	wrdreg s26;
	s23 =	simm.s32 $0x4200  }
0x13: {  	v0 =	vand.u32 $0x7, v2;
	v2 =	vor.u32 $0x8, v2;
	v1 =	vmul.u32 $0x8, v1;
	s24 =	simm.s32 $0x4A00;
	s26 =	simm.s32 $0x5A00;
	s22 =	simm.s32 $0x9200  }
.LBB2_1:
0x14: {  	s14 =	rddreg [dreg:$0x4]  }
0x15: {  	[tilespmem:s3], [sflag:$0x3] =	stream.linear.gather [hbm4b:s14+s3], $0x200, $0x38;
	[tilespmem:$0x10200] =	vst v63  }
0x16: {  	_ =	swait.ge [sflag:s5], $0x200  }
0x17: {  	[sflag:s5] =	ssyncset.done $0x0  }
0x18: {  	[sflag:s5] =	ssyncadd.s32 $0xFFFFFE00  }
0x19: {  	v3 =	vld [tilespmem:$0x0];
	_ =	sdelay $0x4  }
0x1a: {  	v4 =	vshll.u32 v3, $0x1  }
0x1b: {  	v3 =	vand.u32 $0x7, v3;
	v4 =	vand.u32 $0xFFFFFFF0, v4  }
0x1c: {  	v3 =	vor.u32 v3, v4  }
0x1d: {  	v4 =	vperm.xlane v3, v0;
	_ =	sdelay $0x1  }
0x1e: {  	v3 =	vperm.xlane v3, v2;
	v4 =	vadd.s32 v1, v4;
	_ =	sdelay $0x1  }
0x1f: {  	v3 =	vadd.s32 v1, v3;
	_ =	sdelay $0x1  }
0x20: {  	s0 =	simm.s32 $0x200  }
0x21: {  	[tilespmem:s0], [sflag:$0x1] =	stream.indirect_vreg.gather [hbm4b:s1+s3], $0x80, v4, vm0, $0xb8;
	[tilespmem:$0x10200] =	vst v63  }
0x22: {  	_ = 	snop  }
0x23: {  	[tilespmem:s15], [sflag:$0x1] =	stream.indirect_vreg.gather [hbm4b:s1+s3], $0x80, v3, vm0, $0xb8;
	[tilespmem:$0x10200] =	vst v63  }
0x24: {  	v3 =	vld [tilespmem:$0x10];
	_ =	sdelay $0x4  }
0x25: {  	v33 =	vshll.u32 v3, $0x1  }
0x26: {  	v3 =	vand.u32 $0x7, v3;
	v4 =	vand.u32 $0xFFFFFFF0, v33  }
0x27: {  	v3 =	vor.u32 v3, v4  }
0x28: {  	v4 =	vperm.xlane v3, v0;
	_ =	sdelay $0x1  }
0x29: {  	v3 =	vperm.xlane v3, v2;
	v4 =	vadd.s32 v1, v4;
	_ =	sdelay $0x1  }
0x2a: {  	v3 =	vadd.s32 v1, v3;
	_ =	sdelay $0x2  }
0x2b: {  	[tilespmem:s16], [sflag:$0x1] =	stream.indirect_vreg.gather [hbm4b:s1+s3], $0x80, v4, vm0, $0xb8;
	[tilespmem:$0x10200] =	vst v63  }
0x2c: {  	_ = 	snop  }
0x2d: {  	[tilespmem:s17], [sflag:$0x1] =	stream.indirect_vreg.gather [hbm4b:s1+s3], $0x80, v3, vm0, $0xb8;
	[tilespmem:$0x10200] =	vst v63  }
0x2e: {  	v3 =	vld [tilespmem:$0x20];
	_ =	sdelay $0x4  }
0x2f: {  	v34 =	vshll.u32 v3, $0x1  }
0x30: {  	v3 =	vand.u32 $0x7, v3;
	v4 =	vand.u32 $0xFFFFFFF0, v34  }
0x31: {  	v3 =	vor.u32 v3, v4  }
0x32: {  	v4 =	vperm.xlane v3, v0;
	_ =	sdelay $0x1  }
0x33: {  	v3 =	vperm.xlane v3, v2;
	v4 =	vadd.s32 v1, v4;
	_ =	sdelay $0x1  }
0x34: {  	v3 =	vadd.s32 v1, v3;
	_ =	sdelay $0x2  }
0x35: {  	[tilespmem:s18], [sflag:$0x1] =	stream.indirect_vreg.gather [hbm4b:s1+s3], $0x80, v4, vm0, $0xb8;
	[tilespmem:$0x10200] =	vst v63  }
0x36: {  	_ = 	snop  }
0x37: {  	[tilespmem:s19], [sflag:$0x1] =	stream.indirect_vreg.gather [hbm4b:s1+s3], $0x80, v3, vm0, $0xb8;
	[tilespmem:$0x10200] =	vst v63  }
0x38: {  	v3 =	vld [tilespmem:$0x30];
	_ =	sdelay $0x4  }
0x39: {  	v35 =	vshll.u32 v3, $0x1  }
0x3a: {  	v3 =	vand.u32 $0x7, v3;
	v4 =	vand.u32 $0xFFFFFFF0, v35  }
0x3b: {  	v3 =	vor.u32 v3, v4  }
0x3c: {  	v4 =	vperm.xlane v3, v0;
	_ =	sdelay $0x1  }
0x3d: {  	v3 =	vperm.xlane v3, v2;
	v4 =	vadd.s32 v1, v4;
	_ =	sdelay $0x1  }
0x3e: {  	v3 =	vadd.s32 v1, v3;
	_ =	sdelay $0x2  }
0x3f: {  	[tilespmem:s20], [sflag:$0x1] =	stream.indirect_vreg.gather [hbm4b:s1+s3], $0x80, v4, vm0, $0xb8;
	[tilespmem:$0x10200] =	vst v63  }
0x40: {  	_ = 	snop  }
0x41: {  	[tilespmem:s21], [sflag:$0x1] =	stream.indirect_vreg.gather [hbm4b:s1+s3], $0x80, v3, vm0, $0xb8;
	[tilespmem:$0x10200] =	vst v63  }
0x42: {  	v3 =	vld [tilespmem:$0x40];
	_ =	sdelay $0x4  }
0x43: {  	v36 =	vshll.u32 v3, $0x1  }
0x44: {  	v3 =	vand.u32 $0x7, v3;
	v4 =	vand.u32 $0xFFFFFFF0, v36  }
0x45: {  	v3 =	vor.u32 v3, v4  }
0x46: {  	v4 =	vperm.xlane v3, v0;
	_ =	sdelay $0x1  }
0x47: {  	v3 =	vperm.xlane v3, v2;
	v4 =	vadd.s32 v1, v4;
	_ =	sdelay $0x1  }
0x48: {  	v3 =	vadd.s32 v1, v3;
	_ =	sdelay $0x2  }
0x49: {  	[tilespmem:s23], [sflag:$0x1] =	stream.indirect_vreg.gather [hbm4b:s1+s3], $0x80, v4, vm0, $0xb8;
	[tilespmem:$0x10200] =	vst v63  }
0x4a: {  	_ = 	snop  }
0x4b: {  	[tilespmem:s24], [sflag:$0x1] =	stream.indirect_vreg.gather [hbm4b:s1+s3], $0x80, v3, vm0, $0xb8;
	[tilespmem:$0x10200] =	vst v63  }
0x4c: {  	v3 =	vld [tilespmem:$0x50];
	_ =	sdelay $0x4  }
0x4d: {  	v37 =	vshll.u32 v3, $0x1  }
0x4e: {  	v3 =	vand.u32 $0x7, v3;
	v4 =	vand.u32 $0xFFFFFFF0, v37  }
0x4f: {  	v3 =	vor.u32 v3, v4  }
0x50: {  	v4 =	vperm.xlane v3, v0;
	_ =	sdelay $0x1  }
0x51: {  	v3 =	vperm.xlane v3, v2;
	v4 =	vadd.s32 v1, v4;
	_ =	sdelay $0x1  }
0x52: {  	v3 =	vadd.s32 v1, v3;
	_ =	sdelay $0x2  }
0x53: {  	[tilespmem:s25], [sflag:$0x1] =	stream.indirect_vreg.gather [hbm4b:s1+s3], $0x80, v4, vm0, $0xb8;
	[tilespmem:$0x10200] =	vst v63  }
0x54: {  	_ = 	snop  }
0x55: {  	[tilespmem:s26], [sflag:$0x1] =	stream.indirect_vreg.gather [hbm4b:s1+s3], $0x80, v3, vm0, $0xb8;
	[tilespmem:$0x10200] =	vst v63  }
0x56: {  	v3 =	vld [tilespmem:$0x60];
	_ =	sdelay $0x4  }
0x57: {  	v38 =	vshll.u32 v3, $0x1  }
0x58: {  	v3 =	vand.u32 $0x7, v3;
	v4 =	vand.u32 $0xFFFFFFF0, v38  }
0x59: {  	v3 =	vor.u32 v3, v4  }
0x5a: {  	v4 =	vperm.xlane v3, v0;
	_ =	sdelay $0x1  }
0x5b: {  	v3 =	vperm.xlane v3, v2;
	v4 =	vadd.s32 v1, v4;
	_ =	sdelay $0x1  }
0x5c: {  	v3 =	vadd.s32 v1, v3;
	_ =	sdelay $0x2  }
0x5d: {  	[tilespmem:s28], [sflag:$0x1] =	stream.indirect_vreg.gather [hbm4b:s1+s3], $0x80, v4, vm0, $0xb8;
	[tilespmem:$0x10200] =	vst v63  }
0x5e: {  	_ = 	snop  }
0x5f: {  	[tilespmem:s29], [sflag:$0x1] =	stream.indirect_vreg.gather [hbm4b:s1+s3], $0x80, v3, vm0, $0xb8;
	[tilespmem:$0x10200] =	vst v63  }
0x60: {  	v3 =	vld [tilespmem:$0x70];
	_ =	sdelay $0x4  }
0x61: {  	v39 =	vshll.u32 v3, $0x1  }
0x62: {  	v3 =	vand.u32 $0x7, v3;
	v4 =	vand.u32 $0xFFFFFFF0, v39  }
0x63: {  	v3 =	vor.u32 v3, v4  }
0x64: {  	v4 =	vperm.xlane v3, v0;
	_ =	sdelay $0x1  }
0x65: {  	v3 =	vperm.xlane v3, v2;
	v4 =	vadd.s32 v1, v4;
	_ =	sdelay $0x1  }
0x66: {  	v3 =	vadd.s32 v1, v3;
	_ =	sdelay $0x2  }
0x67: {  	[tilespmem:s30], [sflag:$0x1] =	stream.indirect_vreg.gather [hbm4b:s1+s3], $0x80, v4, vm0, $0xb8;
	[tilespmem:$0x10200] =	vst v63  }
0x68: {  	_ = 	snop  }
0x69: {  	[tilespmem:s31], [sflag:$0x1] =	stream.indirect_vreg.gather [hbm4b:s1+s3], $0x80, v3, vm0, $0xb8;
	[tilespmem:$0x10200] =	vst v63  }
0x6a: {  	v3 =	vld [tilespmem:$0x80];
	_ =	sdelay $0x4  }
0x6b: {  	v40 =	vshll.u32 v3, $0x1  }
0x6c: {  	v3 =	vand.u32 $0x7, v3;
	v4 =	vand.u32 $0xFFFFFFF0, v40  }
0x6d: {  	v3 =	vor.u32 v3, v4  }
0x6e: {  	v4 =	vperm.xlane v3, v0;
	_ =	sdelay $0x1  }
0x6f: {  	v3 =	vperm.xlane v3, v2;
	v4 =	vadd.s32 v1, v4;
	_ =	sdelay $0x1  }
0x70: {  	v3 =	vadd.s32 v1, v3;
	_ =	sdelay $0x1  }
0x71: {  	s0 =	simm.s32 $0x8200  }
0x72: {  	[tilespmem:s0], [sflag:$0x2] =	stream.indirect_vreg.gather [hbm4b:s1+s3], $0x80, v4, vm0, $0xb8;
	[tilespmem:$0x10200] =	vst v63  }
0x73: {  	s6 =	simm.s32 $0x8A00  }
0x74: {  	[tilespmem:s6], [sflag:$0x2] =	stream.indirect_vreg.gather [hbm4b:s1+s3], $0x80, v3, vm0, $0xb8;
	[tilespmem:$0x10200] =	vst v63  }
0x75: {  	v3 =	vld [tilespmem:$0x90];
	_ =	sdelay $0x4  }
0x76: {  	v41 =	vshll.u32 v3, $0x1  }
0x77: {  	v3 =	vand.u32 $0x7, v3;
	v4 =	vand.u32 $0xFFFFFFF0, v41  }
0x78: {  	v3 =	vor.u32 v3, v4  }
0x79: {  	v4 =	vperm.xlane v3, v0;
	_ =	sdelay $0x1  }
0x7a: {  	v3 =	vperm.xlane v3, v2;
	v4 =	vadd.s32 v1, v4;
	_ =	sdelay $0x1  }
0x7b: {  	v3 =	vadd.s32 v1, v3;
	_ =	sdelay $0x2  }
0x7c: {  	[tilespmem:s22], [sflag:$0x2] =	stream.indirect_vreg.gather [hbm4b:s1+s3], $0x80, v4, vm0, $0xb8;
	[tilespmem:$0x10200] =	vst v63  }
0x7d: {  	_ = 	snop  }
0x7e: {  	[tilespmem:s7], [sflag:$0x2] =	stream.indirect_vreg.gather [hbm4b:s1+s3], $0x80, v3, vm0, $0xb8;
	[tilespmem:$0x10200] =	vst v63  }
0x7f: {  	v3 =	vld [tilespmem:$0xA0];
	_ =	sdelay $0x4  }
0x80: {  	v42 =	vshll.u32 v3, $0x1  }
0x81: {  	v3 =	vand.u32 $0x7, v3;
	v4 =	vand.u32 $0xFFFFFFF0, v42  }
0x82: {  	v3 =	vor.u32 v3, v4  }
0x83: {  	v4 =	vperm.xlane v3, v0;
	_ =	sdelay $0x1  }
0x84: {  	v3 =	vperm.xlane v3, v2;
	v4 =	vadd.s32 v1, v4;
	_ =	sdelay $0x1  }
0x85: {  	v3 =	vadd.s32 v1, v3;
	_ =	sdelay $0x2  }
0x86: {  	[tilespmem:s8], [sflag:$0x2] =	stream.indirect_vreg.gather [hbm4b:s1+s3], $0x80, v4, vm0, $0xb8;
	[tilespmem:$0x10200] =	vst v63  }
0x87: {  	_ = 	snop  }
0x88: {  	[tilespmem:s9], [sflag:$0x2] =	stream.indirect_vreg.gather [hbm4b:s1+s3], $0x80, v3, vm0, $0xb8;
	[tilespmem:$0x10200] =	vst v63  }
0x89: {  	v3 =	vld [tilespmem:$0xB0];
	_ =	sdelay $0x4  }
0x8a: {  	v43 =	vshll.u32 v3, $0x1  }
0x8b: {  	v3 =	vand.u32 $0x7, v3;
	v4 =	vand.u32 $0xFFFFFFF0, v43  }
0x8c: {  	v3 =	vor.u32 v3, v4  }
0x8d: {  	v4 =	vperm.xlane v3, v0;
	_ =	sdelay $0x1  }
0x8e: {  	v3 =	vperm.xlane v3, v2;
	v4 =	vadd.s32 v1, v4;
	_ =	sdelay $0x1  }
0x8f: {  	v3 =	vadd.s32 v1, v3;
	_ =	sdelay $0x2  }
0x90: {  	[tilespmem:s10], [sflag:$0x2] =	stream.indirect_vreg.gather [hbm4b:s1+s3], $0x80, v4, vm0, $0xb8;
	[tilespmem:$0x10200] =	vst v63  }
0x91: {  	_ = 	snop  }
0x92: {  	[tilespmem:s11], [sflag:$0x2] =	stream.indirect_vreg.gather [hbm4b:s1+s3], $0x80, v3, vm0, $0xb8;
	[tilespmem:$0x10200] =	vst v63  }
0x93: {  	v3 =	vld [tilespmem:$0xC0];
	_ =	sdelay $0x4  }
0x94: {  	v44 =	vshll.u32 v3, $0x1  }
0x95: {  	v3 =	vand.u32 $0x7, v3;
	v4 =	vand.u32 $0xFFFFFFF0, v44  }
0x96: {  	v3 =	vor.u32 v3, v4  }
0x97: {  	v4 =	vperm.xlane v3, v0;
	_ =	sdelay $0x1  }
0x98: {  	v3 =	vperm.xlane v3, v2;
	v4 =	vadd.s32 v1, v4;
	_ =	sdelay $0x1  }
0x99: {  	v3 =	vadd.s32 v1, v3;
	_ =	sdelay $0x1  }
0x9a: {  	s6 =	simm.s32 $0xC200  }
0x9b: {  	[tilespmem:s6], [sflag:$0x2] =	stream.indirect_vreg.gather [hbm4b:s1+s3], $0x80, v4, vm0, $0xb8;
	[tilespmem:$0x10200] =	vst v63  }
0x9c: {  	s12 =	simm.s32 $0xCA00  }
0x9d: {  	[tilespmem:s12], [sflag:$0x2] =	stream.indirect_vreg.gather [hbm4b:s1+s3], $0x80, v3, vm0, $0xb8;
	[tilespmem:$0x10200] =	vst v63  }
0x9e: {  	v3 =	vld [tilespmem:$0xD0];
	_ =	sdelay $0x4  }
0x9f: {  	v45 =	vshll.u32 v3, $0x1  }
0xa0: {  	v3 =	vand.u32 $0x7, v3;
	v4 =	vand.u32 $0xFFFFFFF0, v45  }
0xa1: {  	v3 =	vor.u32 v3, v4  }
0xa2: {  	v4 =	vperm.xlane v3, v0;
	_ =	sdelay $0x1  }
0xa3: {  	v3 =	vperm.xlane v3, v2;
	v4 =	vadd.s32 v1, v4;
	_ =	sdelay $0x1  }
0xa4: {  	v3 =	vadd.s32 v1, v3;
	_ =	sdelay $0x1  }
0xa5: {  	s14 =	simm.s32 $0xD200  }
0xa6: {  	[tilespmem:s14], [sflag:$0x2] =	stream.indirect_vreg.gather [hbm4b:s1+s3], $0x80, v4, vm0, $0xb8;
	[tilespmem:$0x10200] =	vst v63  }
0xa7: {  	s14 =	simm.s32 $0xDA00  }
0xa8: {  	[tilespmem:s14], [sflag:$0x2] =	stream.indirect_vreg.gather [hbm4b:s1+s3], $0x80, v3, vm0, $0xb8;
	[tilespmem:$0x10200] =	vst v63  }
0xa9: {  	v3 =	vld [tilespmem:$0xE0];
	_ =	sdelay $0x4  }
0xaa: {  	v46 =	vshll.u32 v3, $0x1  }
0xab: {  	v3 =	vand.u32 $0x7, v3;
	v4 =	vand.u32 $0xFFFFFFF0, v46  }
0xac: {  	v3 =	vor.u32 v3, v4  }
0xad: {  	v4 =	vperm.xlane v3, v0;
	_ =	sdelay $0x1  }
0xae: {  	v3 =	vperm.xlane v3, v2;
	v4 =	vadd.s32 v1, v4;
	_ =	sdelay $0x1  }
0xaf: {  	v3 =	vadd.s32 v1, v3;
	_ =	sdelay $0x1  }
0xb0: {  	s14 =	simm.s32 $0xE200  }
0xb1: {  	[tilespmem:s14], [sflag:$0x2] =	stream.indirect_vreg.gather [hbm4b:s1+s3], $0x80, v4, vm0, $0xb8;
	[tilespmem:$0x10200] =	vst v63  }
0xb2: {  	s14 =	simm.s32 $0xEA00  }
0xb3: {  	[tilespmem:s14], [sflag:$0x2] =	stream.indirect_vreg.gather [hbm4b:s1+s3], $0x80, v3, vm0, $0xb8;
	[tilespmem:$0x10200] =	vst v63  }
0xb4: {  	v3 =	vld [tilespmem:$0xF0];
	_ =	sdelay $0x4  }
0xb5: {  	v47 =	vshll.u32 v3, $0x1  }
0xb6: {  	v3 =	vand.u32 $0x7, v3;
	v4 =	vand.u32 $0xFFFFFFF0, v47  }
0xb7: {  	v3 =	vor.u32 v3, v4  }
0xb8: {  	v4 =	vperm.xlane v3, v0;
	_ =	sdelay $0x1  }
0xb9: {  	v3 =	vperm.xlane v3, v2;
	v4 =	vadd.s32 v1, v4;
	_ =	sdelay $0x1  }
0xba: {  	v3 =	vadd.s32 v1, v3;
	_ =	sdelay $0x1  }
0xbb: {  	s14 =	simm.s32 $0xF200  }
0xbc: {  	[tilespmem:s14], [sflag:$0x2] =	stream.indirect_vreg.gather [hbm4b:s1+s3], $0x80, v4, vm0, $0xb8;
	[tilespmem:$0x10200] =	vst v63  }
0xbd: {  	s14 =	simm.s32 $0xFA00  }
0xbe: {  	[tilespmem:s14], [sflag:$0x2] =	stream.indirect_vreg.gather [hbm4b:s1+s3], $0x80, v3, vm0, $0xb8;
	[tilespmem:$0x10200] =	vst v63  }
0xbf: {  	_ =	swait.ge [sflag:s2], $0x8000  }
0xc0: {  	[sflag:s2] =	ssyncset.done $0x0  }
0xc1: {  	s12 =	simm.s32 $0x200;
	s14 =	rddreg [dreg:$0x5];
	[sflag:s2] =	ssyncadd.s32 $0xFFFF8000  }
0xc2: {  	[hbm4b:s14+s3] =	stream.linear.scatter [tilespmem:s12], [sflag:$0x3], $0x8000, $0x38;
	[tilespmem:$0x10200] =	vst v63  }
0xc3: {  	_ =	swait.ge [sflag:s5], $0x8000  }
0xc4: {  	[sflag:s5] =	ssyncset.done $0x0  }
0xc5: {  	[sflag:s5] =	ssyncadd.s32 $0xFFFF8000  }
0xc6: {  	v3 =	vld [tilespmem:$0x100];
	_ =	sdelay $0x4  }
0xc7: {  	v48 =	vshll.u32 v3, $0x1  }
0xc8: {  	v3 =	vand.u32 $0x7, v3;
	v4 =	vand.u32 $0xFFFFFFF0, v48  }
0xc9: {  	v3 =	vor.u32 v3, v4  }
0xca: {  	v4 =	vperm.xlane v3, v0;
	_ =	sdelay $0x1  }
0xcb: {  	v3 =	vperm.xlane v3, v2;
	v4 =	vadd.s32 v1, v4;
	_ =	sdelay $0x1  }
0xcc: {  	v3 =	vadd.s32 v1, v3;
	_ =	sdelay $0x2  }
0xcd: {  	[tilespmem:s12], [sflag:$0x1] =	stream.indirect_vreg.gather [hbm4b:s1+s3], $0x80, v4, vm0, $0xb8;
	[tilespmem:$0x10200] =	vst v63  }
0xce: {  	_ = 	snop  }
0xcf: {  	[tilespmem:s15], [sflag:$0x1] =	stream.indirect_vreg.gather [hbm4b:s1+s3], $0x80, v3, vm0, $0xb8;
	[tilespmem:$0x10200] =	vst v63  }
0xd0: {  	v3 =	vld [tilespmem:$0x110];
	_ =	sdelay $0x4  }
0xd1: {  	v49 =	vshll.u32 v3, $0x1  }
0xd2: {  	v3 =	vand.u32 $0x7, v3;
	v4 =	vand.u32 $0xFFFFFFF0, v49  }
0xd3: {  	v3 =	vor.u32 v3, v4  }
0xd4: {  	v4 =	vperm.xlane v3, v0;
	_ =	sdelay $0x1  }
0xd5: {  	v3 =	vperm.xlane v3, v2;
	v4 =	vadd.s32 v1, v4;
	_ =	sdelay $0x1  }
0xd6: {  	v3 =	vadd.s32 v1, v3;
	_ =	sdelay $0x2  }
0xd7: {  	[tilespmem:s16], [sflag:$0x1] =	stream.indirect_vreg.gather [hbm4b:s1+s3], $0x80, v4, vm0, $0xb8;
	[tilespmem:$0x10200] =	vst v63  }
0xd8: {  	_ = 	snop  }
0xd9: {  	[tilespmem:s17], [sflag:$0x1] =	stream.indirect_vreg.gather [hbm4b:s1+s3], $0x80, v3, vm0, $0xb8;
	[tilespmem:$0x10200] =	vst v63  }
0xda: {  	v3 =	vld [tilespmem:$0x120];
	_ =	sdelay $0x4  }
0xdb: {  	v50 =	vshll.u32 v3, $0x1  }
0xdc: {  	v3 =	vand.u32 $0x7, v3;
	v4 =	vand.u32 $0xFFFFFFF0, v50  }
0xdd: {  	v3 =	vor.u32 v3, v4  }
0xde: {  	v4 =	vperm.xlane v3, v0;
	_ =	sdelay $0x1  }
0xdf: {  	v3 =	vperm.xlane v3, v2;
	v4 =	vadd.s32 v1, v4;
	_ =	sdelay $0x1  }
0xe0: {  	v3 =	vadd.s32 v1, v3;
	_ =	sdelay $0x2  }
0xe1: {  	[tilespmem:s18], [sflag:$0x1] =	stream.indirect_vreg.gather [hbm4b:s1+s3], $0x80, v4, vm0, $0xb8;
	[tilespmem:$0x10200] =	vst v63  }
0xe2: {  	_ = 	snop  }
0xe3: {  	[tilespmem:s19], [sflag:$0x1] =	stream.indirect_vreg.gather [hbm4b:s1+s3], $0x80, v3, vm0, $0xb8;
	[tilespmem:$0x10200] =	vst v63  }
0xe4: {  	v3 =	vld [tilespmem:$0x130];
	_ =	sdelay $0x4  }
0xe5: {  	v51 =	vshll.u32 v3, $0x1  }
0xe6: {  	v3 =	vand.u32 $0x7, v3;
	v4 =	vand.u32 $0xFFFFFFF0, v51  }
0xe7: {  	v3 =	vor.u32 v3, v4  }
0xe8: {  	v4 =	vperm.xlane v3, v0;
	_ =	sdelay $0x1  }
0xe9: {  	v3 =	vperm.xlane v3, v2;
	v4 =	vadd.s32 v1, v4;
	_ =	sdelay $0x1  }
0xea: {  	v3 =	vadd.s32 v1, v3;
	_ =	sdelay $0x2  }
0xeb: {  	[tilespmem:s20], [sflag:$0x1] =	stream.indirect_vreg.gather [hbm4b:s1+s3], $0x80, v4, vm0, $0xb8;
	[tilespmem:$0x10200] =	vst v63  }
0xec: {  	_ = 	snop  }
0xed: {  	[tilespmem:s21], [sflag:$0x1] =	stream.indirect_vreg.gather [hbm4b:s1+s3], $0x80, v3, vm0, $0xb8;
	[tilespmem:$0x10200] =	vst v63  }
0xee: {  	v3 =	vld [tilespmem:$0x140];
	_ =	sdelay $0x4  }
0xef: {  	v52 =	vshll.u32 v3, $0x1  }
0xf0: {  	v3 =	vand.u32 $0x7, v3;
	v4 =	vand.u32 $0xFFFFFFF0, v52  }
0xf1: {  	v3 =	vor.u32 v3, v4  }
0xf2: {  	v4 =	vperm.xlane v3, v0;
	_ =	sdelay $0x1  }
0xf3: {  	v3 =	vperm.xlane v3, v2;
	v4 =	vadd.s32 v1, v4;
	_ =	sdelay $0x1  }
0xf4: {  	v3 =	vadd.s32 v1, v3;
	_ =	sdelay $0x2  }
0xf5: {  	[tilespmem:s23], [sflag:$0x1] =	stream.indirect_vreg.gather [hbm4b:s1+s3], $0x80, v4, vm0, $0xb8;
	[tilespmem:$0x10200] =	vst v63  }
0xf6: {  	_ = 	snop  }
0xf7: {  	[tilespmem:s24], [sflag:$0x1] =	stream.indirect_vreg.gather [hbm4b:s1+s3], $0x80, v3, vm0, $0xb8;
	[tilespmem:$0x10200] =	vst v63  }
0xf8: {  	v3 =	vld [tilespmem:$0x150];
	_ =	sdelay $0x4  }
0xf9: {  	v53 =	vshll.u32 v3, $0x1  }
0xfa: {  	v3 =	vand.u32 $0x7, v3;
	v4 =	vand.u32 $0xFFFFFFF0, v53  }
0xfb: {  	v3 =	vor.u32 v3, v4  }
0xfc: {  	v4 =	vperm.xlane v3, v0;
	_ =	sdelay $0x1  }
0xfd: {  	v3 =	vperm.xlane v3, v2;
	v4 =	vadd.s32 v1, v4;
	_ =	sdelay $0x1  }
0xfe: {  	v3 =	vadd.s32 v1, v3;
	_ =	sdelay $0x2  }
0xff: {  	[tilespmem:s25], [sflag:$0x1] =	stream.indirect_vreg.gather [hbm4b:s1+s3], $0x80, v4, vm0, $0xb8;
	[tilespmem:$0x10200] =	vst v63  }
0x100: {  	_ = 	snop  }
0x101: {  	[tilespmem:s26], [sflag:$0x1] =	stream.indirect_vreg.gather [hbm4b:s1+s3], $0x80, v3, vm0, $0xb8;
	[tilespmem:$0x10200] =	vst v63  }
0x102: {  	v3 =	vld [tilespmem:$0x160];
	_ =	sdelay $0x4  }
0x103: {  	v54 =	vshll.u32 v3, $0x1  }
0x104: {  	v3 =	vand.u32 $0x7, v3;
	v4 =	vand.u32 $0xFFFFFFF0, v54  }
0x105: {  	v3 =	vor.u32 v3, v4  }
0x106: {  	v4 =	vperm.xlane v3, v0;
	_ =	sdelay $0x1  }
0x107: {  	v3 =	vperm.xlane v3, v2;
	v4 =	vadd.s32 v1, v4;
	_ =	sdelay $0x1  }
0x108: {  	v3 =	vadd.s32 v1, v3;
	_ =	sdelay $0x2  }
0x109: {  	[tilespmem:s28], [sflag:$0x1] =	stream.indirect_vreg.gather [hbm4b:s1+s3], $0x80, v4, vm0, $0xb8;
	[tilespmem:$0x10200] =	vst v63  }
0x10a: {  	_ = 	snop  }
0x10b: {  	[tilespmem:s29], [sflag:$0x1] =	stream.indirect_vreg.gather [hbm4b:s1+s3], $0x80, v3, vm0, $0xb8;
	[tilespmem:$0x10200] =	vst v63  }
0x10c: {  	v3 =	vld [tilespmem:$0x170];
	_ =	sdelay $0x4  }
0x10d: {  	v55 =	vshll.u32 v3, $0x1  }
0x10e: {  	v3 =	vand.u32 $0x7, v3;
	v4 =	vand.u32 $0xFFFFFFF0, v55  }
0x10f: {  	v3 =	vor.u32 v3, v4  }
0x110: {  	v4 =	vperm.xlane v3, v0;
	_ =	sdelay $0x1  }
0x111: {  	v3 =	vperm.xlane v3, v2;
	v4 =	vadd.s32 v1, v4;
	_ =	sdelay $0x1  }
0x112: {  	v3 =	vadd.s32 v1, v3;
	_ =	sdelay $0x2  }
0x113: {  	[tilespmem:s30], [sflag:$0x1] =	stream.indirect_vreg.gather [hbm4b:s1+s3], $0x80, v4, vm0, $0xb8;
	[tilespmem:$0x10200] =	vst v63  }
0x114: {  	_ = 	snop  }
0x115: {  	[tilespmem:s31], [sflag:$0x1] =	stream.indirect_vreg.gather [hbm4b:s1+s3], $0x80, v3, vm0, $0xb8;
	[tilespmem:$0x10200] =	vst v63  }
0x116: {  	_ =	swait.ge [sflag:s13], $0x8000  }
0x117: {  	[sflag:s13] =	ssyncset.done $0x0  }
0x118: {  	s12 =	rddreg [dreg:$0x6];
	[sflag:s13] =	ssyncadd.s32 $0xFFFF8000  }
0x119: {  	[hbm4b:s12+s3] =	stream.linear.scatter [tilespmem:s0], [sflag:$0x3], $0x8000, $0x38;
	[tilespmem:$0x10200] =	vst v63  }
0x11a: {  	_ =	swait.ge [sflag:s5], $0x8000  }
0x11b: {  	[sflag:s5] =	ssyncset.done $0x0  }
0x11c: {  	[sflag:s5] =	ssyncadd.s32 $0xFFFF8000  }
0x11d: {  	v3 =	vld [tilespmem:$0x180];
	_ =	sdelay $0x4  }
0x11e: {  	v56 =	vshll.u32 v3, $0x1  }
0x11f: {  	v3 =	vand.u32 $0x7, v3;
	v4 =	vand.u32 $0xFFFFFFF0, v56  }
0x120: {  	v3 =	vor.u32 v3, v4  }
0x121: {  	v4 =	vperm.xlane v3, v0;
	_ =	sdelay $0x1  }
0x122: {  	v3 =	vperm.xlane v3, v2;
	v4 =	vadd.s32 v1, v4;
	_ =	sdelay $0x1  }
0x123: {  	v3 =	vadd.s32 v1, v3;
	_ =	sdelay $0x2  }
0x124: {  	[tilespmem:s0], [sflag:$0x2] =	stream.indirect_vreg.gather [hbm4b:s1+s3], $0x80, v4, vm0, $0xb8;
	[tilespmem:$0x10200] =	vst v63  }
0x125: {  	s14 =	simm.s32 $0x8A00  }
0x126: {  	[tilespmem:s14], [sflag:$0x2] =	stream.indirect_vreg.gather [hbm4b:s1+s3], $0x80, v3, vm0, $0xb8;
	[tilespmem:$0x10200] =	vst v63  }
0x127: {  	v3 =	vld [tilespmem:$0x190];
	_ =	sdelay $0x4  }
0x128: {  	v57 =	vshll.u32 v3, $0x1  }
0x129: {  	v3 =	vand.u32 $0x7, v3;
	v4 =	vand.u32 $0xFFFFFFF0, v57  }
0x12a: {  	v3 =	vor.u32 v3, v4  }
0x12b: {  	v4 =	vperm.xlane v3, v0;
	_ =	sdelay $0x1  }
0x12c: {  	v3 =	vperm.xlane v3, v2;
	v4 =	vadd.s32 v1, v4;
	_ =	sdelay $0x1  }
0x12d: {  	v3 =	vadd.s32 v1, v3;
	_ =	sdelay $0x2  }
0x12e: {  	[tilespmem:s22], [sflag:$0x2] =	stream.indirect_vreg.gather [hbm4b:s1+s3], $0x80, v4, vm0, $0xb8;
	[tilespmem:$0x10200] =	vst v63  }
0x12f: {  	_ = 	snop  }
0x130: {  	[tilespmem:s7], [sflag:$0x2] =	stream.indirect_vreg.gather [hbm4b:s1+s3], $0x80, v3, vm0, $0xb8;
	[tilespmem:$0x10200] =	vst v63  }
0x131: {  	v3 =	vld [tilespmem:$0x1A0];
	_ =	sdelay $0x4  }
0x132: {  	v58 =	vshll.u32 v3, $0x1  }
0x133: {  	v3 =	vand.u32 $0x7, v3;
	v4 =	vand.u32 $0xFFFFFFF0, v58  }
0x134: {  	v3 =	vor.u32 v3, v4  }
0x135: {  	v4 =	vperm.xlane v3, v0;
	_ =	sdelay $0x1  }
0x136: {  	v3 =	vperm.xlane v3, v2;
	v4 =	vadd.s32 v1, v4;
	_ =	sdelay $0x1  }
0x137: {  	v3 =	vadd.s32 v1, v3;
	_ =	sdelay $0x2  }
0x138: {  	[tilespmem:s8], [sflag:$0x2] =	stream.indirect_vreg.gather [hbm4b:s1+s3], $0x80, v4, vm0, $0xb8;
	[tilespmem:$0x10200] =	vst v63  }
0x139: {  	_ = 	snop  }
0x13a: {  	[tilespmem:s9], [sflag:$0x2] =	stream.indirect_vreg.gather [hbm4b:s1+s3], $0x80, v3, vm0, $0xb8;
	[tilespmem:$0x10200] =	vst v63  }
0x13b: {  	v3 =	vld [tilespmem:$0x1B0];
	_ =	sdelay $0x4  }
0x13c: {  	v59 =	vshll.u32 v3, $0x1  }
0x13d: {  	v3 =	vand.u32 $0x7, v3;
	v4 =	vand.u32 $0xFFFFFFF0, v59  }
0x13e: {  	v3 =	vor.u32 v3, v4  }
0x13f: {  	v4 =	vperm.xlane v3, v0;
	_ =	sdelay $0x1  }
0x140: {  	v3 =	vperm.xlane v3, v2;
	v4 =	vadd.s32 v1, v4;
	_ =	sdelay $0x1  }
0x141: {  	v3 =	vadd.s32 v1, v3;
	_ =	sdelay $0x2  }
0x142: {  	[tilespmem:s10], [sflag:$0x2] =	stream.indirect_vreg.gather [hbm4b:s1+s3], $0x80, v4, vm0, $0xb8;
	[tilespmem:$0x10200] =	vst v63  }
0x143: {  	_ = 	snop  }
0x144: {  	[tilespmem:s11], [sflag:$0x2] =	stream.indirect_vreg.gather [hbm4b:s1+s3], $0x80, v3, vm0, $0xb8;
	[tilespmem:$0x10200] =	vst v63  }
0x145: {  	v3 =	vld [tilespmem:$0x1C0];
	_ =	sdelay $0x4  }
0x146: {  	v60 =	vshll.u32 v3, $0x1  }
0x147: {  	v3 =	vand.u32 $0x7, v3;
	v4 =	vand.u32 $0xFFFFFFF0, v60  }
0x148: {  	v3 =	vor.u32 v3, v4  }
0x149: {  	v4 =	vperm.xlane v3, v0;
	_ =	sdelay $0x1  }
0x14a: {  	v3 =	vperm.xlane v3, v2;
	v4 =	vadd.s32 v1, v4;
	_ =	sdelay $0x1  }
0x14b: {  	v3 =	vadd.s32 v1, v3;
	_ =	sdelay $0x2  }
0x14c: {  	[tilespmem:s6], [sflag:$0x2] =	stream.indirect_vreg.gather [hbm4b:s1+s3], $0x80, v4, vm0, $0xb8;
	[tilespmem:$0x10200] =	vst v63  }
0x14d: {  	s14 =	simm.s32 $0xCA00  }
0x14e: {  	[tilespmem:s14], [sflag:$0x2] =	stream.indirect_vreg.gather [hbm4b:s1+s3], $0x80, v3, vm0, $0xb8;
	[tilespmem:$0x10200] =	vst v63  }
0x14f: {  	v3 =	vld [tilespmem:$0x1D0];
	_ =	sdelay $0x4  }
0x150: {  	v61 =	vshll.u32 v3, $0x1  }
0x151: {  	v3 =	vand.u32 $0x7, v3;
	v4 =	vand.u32 $0xFFFFFFF0, v61  }
0x152: {  	v3 =	vor.u32 v3, v4  }
0x153: {  	v4 =	vperm.xlane v3, v0;
	_ =	sdelay $0x1  }
0x154: {  	v3 =	vperm.xlane v3, v2;
	v4 =	vadd.s32 v1, v4;
	_ =	sdelay $0x1  }
0x155: {  	v3 =	vadd.s32 v1, v3;
	_ =	sdelay $0x1  }
0x156: {  	s12 =	simm.s32 $0xD200  }
0x157: {  	[tilespmem:s12], [sflag:$0x2] =	stream.indirect_vreg.gather [hbm4b:s1+s3], $0x80, v4, vm0, $0xb8;
	[tilespmem:$0x10200] =	vst v63  }
0x158: {  	s14 =	simm.s32 $0xDA00  }
0x159: {  	[tilespmem:s14], [sflag:$0x2] =	stream.indirect_vreg.gather [hbm4b:s1+s3], $0x80, v3, vm0, $0xb8;
	[tilespmem:$0x10200] =	vst v63  }
0x15a: {  	v3 =	vld [tilespmem:$0x1E0];
	_ =	sdelay $0x4  }
0x15b: {  	v62 =	vshll.u32 v3, $0x1  }
0x15c: {  	v3 =	vand.u32 $0x7, v3;
	v4 =	vand.u32 $0xFFFFFFF0, v62  }
0x15d: {  	v3 =	vor.u32 v3, v4  }
0x15e: {  	v4 =	vperm.xlane v3, v0;
	_ =	sdelay $0x1  }
0x15f: {  	v3 =	vperm.xlane v3, v2;
	v4 =	vadd.s32 v1, v4;
	_ =	sdelay $0x1  }
0x160: {  	v3 =	vadd.s32 v1, v3;
	_ =	sdelay $0x1  }
0x161: {  	s12 =	simm.s32 $0xE200  }
0x162: {  	[tilespmem:s12], [sflag:$0x2] =	stream.indirect_vreg.gather [hbm4b:s1+s3], $0x80, v4, vm0, $0xb8;
	[tilespmem:$0x10200] =	vst v63  }
0x163: {  	s14 =	simm.s32 $0xEA00  }
0x164: {  	[tilespmem:s14], [sflag:$0x2] =	stream.indirect_vreg.gather [hbm4b:s1+s3], $0x80, v3, vm0, $0xb8;
	[tilespmem:$0x10200] =	vst v63  }
0x165: {  	v3 =	vld [tilespmem:$0x1F0];
	_ =	sdelay $0x4  }
0x166: {  	v63 =	vshll.u32 v3, $0x1  }
0x167: {  	v3 =	vand.u32 $0x7, v3;
	v4 =	vand.u32 $0xFFFFFFF0, v63  }
0x168: {  	v3 =	vor.u32 v3, v4  }
0x169: {  	v4 =	vperm.xlane v3, v0;
	_ =	sdelay $0x1  }
0x16a: {  	v3 =	vperm.xlane v3, v2;
	v4 =	vadd.s32 v1, v4;
	_ =	sdelay $0x1  }
0x16b: {  	v3 =	vadd.s32 v1, v3;
	_ =	sdelay $0x1  }
0x16c: {  	s12 =	simm.s32 $0xF200  }
0x16d: {  	[tilespmem:s12], [sflag:$0x2] =	stream.indirect_vreg.gather [hbm4b:s1+s3], $0x80, v4, vm0, $0xb8;
	[tilespmem:$0x10200] =	vst v63  }
0x16e: {  	s14 =	simm.s32 $0xFA00  }
0x16f: {  	[tilespmem:s14], [sflag:$0x2] =	stream.indirect_vreg.gather [hbm4b:s1+s3], $0x80, v3, vm0, $0xb8;
	[tilespmem:$0x10200] =	vst v63  }
0x170: {  	_ =	swait.ge [sflag:s2], $0x8000  }
0x171: {  	[sflag:s2] =	ssyncset.done $0x0  }
0x172: {  	s12 =	simm.s32 $0x200;
	s6 =	rddreg [dreg:$0x7];
	[sflag:s2] =	ssyncadd.s32 $0xFFFF8000  }
0x173: {  	[hbm4b:s6+s3] =	stream.linear.scatter [tilespmem:s12], [sflag:$0x3], $0x8000, $0x38;
	[tilespmem:$0x10200] =	vst v63  }
0x174: {  	_ =	swait.ge [sflag:s5], $0x8000  }
0x175: {  	[sflag:s5] =	ssyncset.done $0x0  }
0x176: {  	[sflag:s5] =	ssyncadd.s32 $0xFFFF8000  }
0x177: {  	_ =	swait.ge [sflag:s13], $0x8000  }
0x178: {  	p0 =	sne.s32 s4, $0x1;
	[sflag:s13] =	ssyncset.done $0x0  }
.Ltmp0:
0x179: {  	s12 =	rddreg [dreg:$0x8];
	[sflag:s13] =	ssyncadd.s32 $0xFFFF8000;
	(pc) =	sbr.rel @p0 .LBB2_1-.Ltmp0, $4  }
0x17a: {  	[hbm4b:s12+s3] =	stream.linear.scatter [tilespmem:s0], [sflag:$0x3], $0x8000, $0x38;
	[tilespmem:$0x10200] =	vst v63  }
0x17b: {  	_ =	swait.ge [sflag:s5], $0x8000  }
0x17c: {  	[sflag:s5] =	ssyncset.done $0x0  }
0x17d: {  	s4 =	sadd.s32 $0xFFFFFFFF, s4;
	[sflag:s5] =	ssyncadd.s32 $0xFFFF8000  }
0x17e: {  	_ =	sfence.sel $0x180000  }
0x17f: {  	[bflag:$0x0] =	sbarrier.arrive $0xFFFF  }
0x180: {  	_ =	strace $0x90000047  }
0x181: {  	s0 =	stileid.u32;
	[bflag:$0x2] =	sbarrier.arrive $0xFFFF  }
0x182: {  	p0 =	sne.s32 s0, $0x0;
	s0 =	rddreg [dreg:$0x3]  }
0x183: {  	s0 =	sadd.s32 @!p0 $0x100000, s0  }
0x184: {  	[sflag:s0] =	ssyncadd.tile.s32 @!p0 $0x1;
	_ =	shalt  }
.Lfunc_end2:
_tile_overlayer_lowered:
.L_overlay_start_2:
0x185: {  	(tag) =	ssettag $0x2  }
0x186: {  	s0 =	rddreg [dreg:$0x0];
	s2 =	stileid.u32  }
0x187: {  	s1 =	rddreg [dreg:$0x1];
	p0 =	sne.s32 s2, $0x0  }
0x188: {  	s3 =	rddreg [dreg:$0x2];
	[bflag:$0x3] =	sbarrier.arrive $0xFFFF;
	s2 =	simm.s32 @!p0 $0x1C03  }
0x189: {  	[timem:s3], [sflag:s2] =	dma.local @!p0 [hbm:s0], s1  }
0x18a: {  	s0 =	simm.s32 @!p0 $0x3  }
0x18b: {  	_ =	swait.ge @!p0 [sflag:s0], s1  }
0x18c: {  	s1 =	ssub.s32 @!p0 $0x0, s1;
	[sflag:s0] =	ssyncset.done @!p0 $0x0  }
0x18d: {  	[sflag:s0] =	ssyncadd.s32 @!p0 s1  }
0x18e: {  	[bflag:$0x3] =	sbarrier.arrive $0xFFFF  }
0x18f: {  	_ =	shalt  }

</sc_bundles>
